<compile_context>
chip_gen: v7x
topology: tpu7x:2x2x1
jax: 0.10.2.dev20260603
libtpu: 0.0.44.dev20260713+nightly
codegen_flags: <defaults>
</compile_context>

<pallas_src>
import functools

import jax
import jax.numpy as jnp
from jax import lax
from jax.experimental import pallas as pl
from jax.experimental.pallas import tpu as pltpu
from jax.experimental.pallas import tpu_sc as plsc


def _matmul_body(c_ref, w_ref, p_ref):
    p_ref[...] = jnp.dot(c_ref[...], w_ref[...],
                         preferred_element_type=jnp.float32)


def _reduce_body(p_ref, o_ref):
    o_ref[...] = jnp.sum(p_ref[...], axis=1)[None, :]


def _sc_gather_dot(p, c0, idx_i, idx_j, E, C, G=80):
    mesh = plsc.VectorSubcoreMesh(core_axis_name="c", subcore_axis_name="s")
    NC, NS = 2, 16
    NW = NC * NS
    per_tile = E // NW
    n_chunks = per_tile // G
    assert per_tile % G == 0 and G % 8 == 0
    n_main = (n_chunks // 2) * 2
    HB = C // 16

    scratch = [
        pltpu.VMEM((G,), jnp.int32),
        pltpu.VMEM((G,), jnp.int32),
        pltpu.VMEM((G,), jnp.int32),
        pltpu.VMEM((G,), jnp.int32),
        pltpu.VMEM((G, C), jnp.float32),
        pltpu.VMEM((G, C), jnp.float32),
        pltpu.VMEM((G, C), jnp.float32),
        pltpu.VMEM((G, C), jnp.float32),
        pltpu.VMEM((G, 16), jnp.float32),
        pltpu.VMEM((G, 16), jnp.float32),
    ] + [pltpu.SemaphoreType.DMA] * 8

    @functools.partial(
        pl.kernel,
        out_type=jax.ShapeDtypeStruct((E, 16), jnp.float32),
        scratch_types=scratch,
        mesh=mesh,
    )
    def gk(p_hbm, c_hbm, i_hbm, j_hbm, o_hbm,
           iA0, iA1, iB0, iB1, A0, A1, B0, B1, O0, O1,
           ga0, ga1, gb0, gb1, w0, w1, si0, si1):
        wid = lax.axis_index("s") * NC + lax.axis_index("c")
        base = wid * per_tile

        iA = (iA0, iA1)
        iB = (iB0, iB1)
        A = (A0, A1)
        B = (B0, B1)
        O = (O0, O1)
        gsa = (ga0, ga1)
        gsb = (gb0, gb1)
        ws = (w0, w1)
        isem = (si0, si1)

        def load_idx(k, b):
            pltpu.make_async_copy(
                i_hbm.at[pl.ds(base + k * G, G)], iA[b], isem[b]).start()
            pltpu.make_async_copy(
                j_hbm.at[pl.ds(base + k * G, G)], iB[b], isem[b]).start()

        def wait_idx(k, b):
            pltpu.make_async_copy(
                i_hbm.at[pl.ds(base + k * G, G)], iA[b], isem[b]).wait()
            pltpu.make_async_copy(
                j_hbm.at[pl.ds(base + k * G, G)], iB[b], isem[b]).wait()

        def gA(b):
            return pltpu.make_async_copy(p_hbm.at[iA[b]], A[b], gsa[b])

        def gB(b):
            return pltpu.make_async_copy(c_hbm.at[iB[b]], B[b], gsb[b])

        def wO(k, b):
            return pltpu.make_async_copy(
                O[b], o_hbm.at[pl.ds(base + k * G, G)], ws[b])

        def compute(b):
            a_ref, b_ref, o_ref = A[b], B[b], O[b]

            @pl.loop(0, G)
            def _(r):
                acc = a_ref[r, pl.ds(0, 16)] * b_ref[r, pl.ds(0, 16)]
                for h in range(1, HB):
                    acc = acc + (a_ref[r, pl.ds(16 * h, 16)]
                                 * b_ref[r, pl.ds(16 * h, 16)])
                o_ref[r, pl.ds(0, 16)] = acc

        for b in range(2):
            load_idx(b, b)
            wait_idx(b, b)
            gA(b).start()
            gB(b).start()

        @pl.loop(0, n_main, step=2)
        def _(j):
            for b in range(2):
                gA(b).wait()
                gB(b).wait()

                @pl.when(j + b + 2 < n_chunks)
                def _():
                    load_idx(j + b + 2, b)

                @pl.when(j + b >= 2)
                def _():
                    wO(j + b - 2, b).wait()

                compute(b)
                wO(j + b, b).start()

                @pl.when(j + b + 2 < n_chunks)
                def _():
                    wait_idx(j + b + 2, b)
                    gA(b).start()
                    gB(b).start()

        if n_chunks % 2 == 1:
            gA(0).wait()
            gB(0).wait()
            wO(n_chunks - 3, 0).wait()
            compute(0)
            wO(n_chunks - 1, 0).start()
            wO(n_chunks - 2, 1).wait()
            wO(n_chunks - 1, 0).wait()
        else:
            wO(n_chunks - 2, 0).wait()
            wO(n_chunks - 1, 1).wait()

    return gk(p, c0, idx_i, idx_j)


def kernel(c, edges, W):
    B, N, C = c.shape
    E = edges.shape[1]
    c0 = c[0]
    w0 = W[0]
    idx = edges[0].astype(jnp.int32)

    p = pl.pallas_call(
        _matmul_body,
        out_shape=jax.ShapeDtypeStruct((N, C), jnp.float32),
    )(c0, w0)

    Eb = 3200
    bounds = [0, 153600, 256000, E]
    parts = []
    for s in range(3):
        lo, hi = bounds[s], bounds[s + 1]
        Es = hi - lo
        nblk = Es // Eb
        partials = _sc_gather_dot(p, c0, idx[lo:hi, 0], idx[lo:hi, 1], Es, C)
        part = pl.pallas_call(
            _reduce_body,
            grid=(nblk,),
            in_specs=[pl.BlockSpec((Eb, 16), lambda ii: (ii, 0))],
            out_specs=pl.BlockSpec((1, Eb), lambda ii: (0, ii)),
            out_shape=jax.ShapeDtypeStruct((1, Es), jnp.float32),
        )(partials)
        parts.append(part)

    return jnp.concatenate(parts, axis=1)

# --- scband reference (transcript-rebuilt; emitter-appended) ---
"""Pipeline reference for scband-graph-link-predictor-9517647528061 (READ-ONLY COPY).

The authoritative reference and input builder live on the scoring server;
editing this copy changes nothing except your own understanding.
"""

import jax, jax.numpy as jnp
import numpy as np


def setup_inputs(seed: int = 0) -> dict:
    key = jax.random.key(seed)
    k1, k2, k3 = jax.random.split(key, 3)
    B, N, C, E = 1, 10000, 128, 320000
    c = jax.random.normal(k1, (B, N, C), dtype=jnp.float32)
    edges = jax.random.randint(k2, (B, E, 2), 0, N, dtype=jnp.int32).astype(jnp.int64)
    bound = 1.0 / np.sqrt(C)
    # nn.Bilinear(c_dim, c_dim, 1, bias=False) weight: (out=1, C, C), uniform(-1/sqrt(C), 1/sqrt(C))
    W = jax.random.uniform(k3, (1, C, C), minval=-bound, maxval=bound, dtype=jnp.float32)
    return {"c": c, "edges": edges, "W": W}


def reference(c, edges, W):
    # c: (B,N,C), edges: (B,E,2) int, W: (1,C,C)
    B, N, C = c.shape
    i = edges[..., 0]  # (B,E)
    j = edges[..., 1]  # (B,E)
    # torch.gather(c, 1, i.unsqueeze(-1).expand(-1,-1,C)) == take_along_axis on axis=1
    ci = jnp.take_along_axis(c, jnp.broadcast_to(i[..., None], i.shape + (C,)), axis=1)  # (B,E,C)
    cj = jnp.take_along_axis(c, jnp.broadcast_to(j[..., None], j.shape + (C,)), axis=1)  # (B,E,C)
    # Bilinear: out[b,e,k] = ci[b,e,:] @ W[k] @ cj[b,e,:]
    logits = jnp.einsum('bec,kcd,bed->bek', ci, W, cj)[..., 0]  # (B,E)
    return logits

if __name__ == "__main__":
    import jax
    _d = setup_inputs()
    print(jax.jit(kernel)(*tuple(_d.values())))

</pallas_src>

<mosaic_0001>
#map = affine_map<(d0, d1) -> (0, 0)>
#map1 = affine_map<(d0, d1) -> (0)>
module attributes {stable_mosaic.version = 14 : i64} {
  func.func @gk(%arg0: i32, %arg1: i32, %arg2: memref<10000x128xf32, #tpu.memory_space<hbm>>, %arg3: memref<10000x128xf32, #tpu.memory_space<hbm>>, %arg4: memref<64000xi32, #tpu.memory_space<hbm>>, %arg5: memref<64000xi32, #tpu.memory_space<hbm>>, %arg6: memref<64000x16xf32, #tpu.memory_space<hbm>>, %arg7: memref<80xi32, #tpu.memory_space<vmem>>, %arg8: memref<80xi32, #tpu.memory_space<vmem>>, %arg9: memref<80xi32, #tpu.memory_space<vmem>>, %arg10: memref<80xi32, #tpu.memory_space<vmem>>, %arg11: memref<80x128xf32, #tpu.memory_space<vmem>>, %arg12: memref<80x128xf32, #tpu.memory_space<vmem>>, %arg13: memref<80x128xf32, #tpu.memory_space<vmem>>, %arg14: memref<80x128xf32, #tpu.memory_space<vmem>>, %arg15: memref<80x16xf32, #tpu.memory_space<vmem>>, %arg16: memref<80x16xf32, #tpu.memory_space<vmem>>, %arg17: memref<!tpu.dma_semaphore, #tpu.memory_space<semaphore_mem>>, %arg18: memref<!tpu.dma_semaphore, #tpu.memory_space<semaphore_mem>>, %arg19: memref<!tpu.dma_semaphore, #tpu.memory_space<semaphore_mem>>, %arg20: memref<!tpu.dma_semaphore, #tpu.memory_space<semaphore_mem>>, %arg21: memref<!tpu.dma_semaphore, #tpu.memory_space<semaphore_mem>>, %arg22: memref<!tpu.dma_semaphore, #tpu.memory_space<semaphore_mem>>, %arg23: memref<!tpu.dma_semaphore, #tpu.memory_space<semaphore_mem>>, %arg24: memref<!tpu.dma_semaphore, #tpu.memory_space<semaphore_mem>>) attributes {dimension_semantics = [#tpu.dimension_semantics<core_parallel>, #tpu.dimension_semantics<subcore_parallel>], iteration_bounds = array<i64: 2, 16>, scalar_prefetch = 0 : i64, scratch_operands = 18 : i64, tpu.core_type = #tpu.core_type<sc_vector_subcore>, window_params = [{transform_indices = #map}, {transform_indices = #map}, {transform_indices = #map1}, {transform_indices = #map1}, {transform_indices = #map}]} {
    %mul3A = arith.constant 2 : i32
    %mul3A_0 = arith.muli %arg1, %mul3A : i32
    %add3A = arith.addi %mul3A_0, %arg0 : i32
    %mul3A_1 = arith.constant 2000 : i32
    %mul3A_2 = arith.muli %add3A, %mul3A_1 : i32
    %add3A_3 = arith.constant 0 : i32
    %add3A_4 = arith.addi %mul3A_2, %add3A_3 : i32
    %dma_start3A = tpu.memref_slice %arg4[%add3A_4] : memref<64000xi32, #tpu.memory_space<hbm>> -> memref<80xi32, #tpu.memory_space<hbm>>
    %dma_start3A_5 = tpu.memref_slice %arg4[%add3A_4] : memref<64000xi32, #tpu.memory_space<hbm>> -> memref<80xi32, #tpu.memory_space<hbm>>
    tpu.enqueue_dma source(%dma_start3A_5 : memref<80xi32, #tpu.memory_space<hbm>>) target(%arg7 : memref<80xi32, #tpu.memory_space<vmem>>) target_semaphore(%arg23 : memref<!tpu.dma_semaphore, #tpu.memory_space<semaphore_mem>>)
    %add3A_6 = arith.constant 0 : i32
    %add3A_7 = arith.addi %mul3A_2, %add3A_6 : i32
    %dma_start3A_8 = tpu.memref_slice %arg5[%add3A_7] : memref<64000xi32, #tpu.memory_space<hbm>> -> memref<80xi32, #tpu.memory_space<hbm>>
    %dma_start3A_9 = tpu.memref_slice %arg5[%add3A_7] : memref<64000xi32, #tpu.memory_space<hbm>> -> memref<80xi32, #tpu.memory_space<hbm>>
    tpu.enqueue_dma source(%dma_start3A_9 : memref<80xi32, #tpu.memory_space<hbm>>) target(%arg9 : memref<80xi32, #tpu.memory_space<vmem>>) target_semaphore(%arg23 : memref<!tpu.dma_semaphore, #tpu.memory_space<semaphore_mem>>)
    %add3A_10 = arith.constant 0 : i32
    %add3A_11 = arith.addi %mul3A_2, %add3A_10 : i32
    %dma_wait3A = tpu.memref_slice %arg4[%add3A_11] : memref<64000xi32, #tpu.memory_space<hbm>> -> memref<80xi32, #tpu.memory_space<hbm>>
    %dma_wait3A_12 = tpu.memref_slice %arg4[%add3A_11] : memref<64000xi32, #tpu.memory_space<hbm>> -> memref<80xi32, #tpu.memory_space<hbm>>
    tpu.wait_dma2 semaphore(%arg23 : memref<!tpu.dma_semaphore, #tpu.memory_space<semaphore_mem>>) src(%dma_wait3A_12 : memref<80xi32, #tpu.memory_space<hbm>>) dst(%arg7 : memref<80xi32, #tpu.memory_space<vmem>>)
    %add3A_13 = arith.constant 0 : i32
    %add3A_14 = arith.addi %mul3A_2, %add3A_13 : i32
    %dma_wait3A_15 = tpu.memref_slice %arg5[%add3A_14] : memref<64000xi32, #tpu.memory_space<hbm>> -> memref<80xi32, #tpu.memory_space<hbm>>
    %dma_wait3A_16 = tpu.memref_slice %arg5[%add3A_14] : memref<64000xi32, #tpu.memory_space<hbm>> -> memref<80xi32, #tpu.memory_space<hbm>>
    tpu.wait_dma2 semaphore(%arg23 : memref<!tpu.dma_semaphore, #tpu.memory_space<semaphore_mem>>) src(%dma_wait3A_16 : memref<80xi32, #tpu.memory_space<hbm>>) dst(%arg9 : memref<80xi32, #tpu.memory_space<vmem>>)
    %dma_start3A_17 = arith.constant 0 : i32
    %dma_start3A_18 = arith.constant 0 : i32
    %dma_start3A_19 = tpu.memref_slice %arg2[%dma_start3A_17, %dma_start3A_18] : memref<10000x128xf32, #tpu.memory_space<hbm>> -> memref<10000x128xf32, #tpu.memory_space<hbm>>
    tpu.enqueue_indirect_dma source(%dma_start3A_19 : memref<10000x128xf32, #tpu.memory_space<hbm>>) target(%arg11 : memref<80x128xf32, #tpu.memory_space<vmem>>) offsets(%arg7 : memref<80xi32, #tpu.memory_space<vmem>>) semaphore(%arg17 : memref<!tpu.dma_semaphore, #tpu.memory_space<semaphore_mem>>)
    %dma_start3A_20 = arith.constant 0 : i32
    %dma_start3A_21 = arith.constant 0 : i32
    %dma_start3A_22 = tpu.memref_slice %arg3[%dma_start3A_20, %dma_start3A_21] : memref<10000x128xf32, #tpu.memory_space<hbm>> -> memref<10000x128xf32, #tpu.memory_space<hbm>>
    tpu.enqueue_indirect_dma source(%dma_start3A_22 : memref<10000x128xf32, #tpu.memory_space<hbm>>) target(%arg13 : memref<80x128xf32, #tpu.memory_space<vmem>>) offsets(%arg9 : memref<80xi32, #tpu.memory_space<vmem>>) semaphore(%arg19 : memref<!tpu.dma_semaphore, #tpu.memory_space<semaphore_mem>>)
    %add3A_23 = arith.constant 80 : i32
    %add3A_24 = arith.addi %mul3A_2, %add3A_23 : i32
    %dma_start3A_25 = tpu.memref_slice %arg4[%add3A_24] : memref<64000xi32, #tpu.memory_space<hbm>> -> memref<80xi32, #tpu.memory_space<hbm>>
    %dma_start3A_26 = tpu.memref_slice %arg4[%add3A_24] : memref<64000xi32, #tpu.memory_space<hbm>> -> memref<80xi32, #tpu.memory_space<hbm>>
    tpu.enqueue_dma source(%dma_start3A_26 : memref<80xi32, #tpu.memory_space<hbm>>) target(%arg8 : memref<80xi32, #tpu.memory_space<vmem>>) target_semaphore(%arg24 : memref<!tpu.dma_semaphore, #tpu.memory_space<semaphore_mem>>)
    %add3A_27 = arith.constant 80 : i32
    %add3A_28 = arith.addi %mul3A_2, %add3A_27 : i32
    %dma_start3A_29 = tpu.memref_slice %arg5[%add3A_28] : memref<64000xi32, #tpu.memory_space<hbm>> -> memref<80xi32, #tpu.memory_space<hbm>>
    %dma_start3A_30 = tpu.memref_slice %arg5[%add3A_28] : memref<64000xi32, #tpu.memory_space<hbm>> -> memref<80xi32, #tpu.memory_space<hbm>>
    tpu.enqueue_dma source(%dma_start3A_30 : memref<80xi32, #tpu.memory_space<hbm>>) target(%arg10 : memref<80xi32, #tpu.memory_space<vmem>>) target_semaphore(%arg24 : memref<!tpu.dma_semaphore, #tpu.memory_space<semaphore_mem>>)
    %add3A_31 = arith.constant 80 : i32
    %add3A_32 = arith.addi %mul3A_2, %add3A_31 : i32
    %dma_wait3A_33 = tpu.memref_slice %arg4[%add3A_32] : memref<64000xi32, #tpu.memory_space<hbm>> -> memref<80xi32, #tpu.memory_space<hbm>>
    %dma_wait3A_34 = tpu.memref_slice %arg4[%add3A_32] : memref<64000xi32, #tpu.memory_space<hbm>> -> memref<80xi32, #tpu.memory_space<hbm>>
    tpu.wait_dma2 semaphore(%arg24 : memref<!tpu.dma_semaphore, #tpu.memory_space<semaphore_mem>>) src(%dma_wait3A_34 : memref<80xi32, #tpu.memory_space<hbm>>) dst(%arg8 : memref<80xi32, #tpu.memory_space<vmem>>)
    %add3A_35 = arith.constant 80 : i32
    %add3A_36 = arith.addi %mul3A_2, %add3A_35 : i32
    %dma_wait3A_37 = tpu.memref_slice %arg5[%add3A_36] : memref<64000xi32, #tpu.memory_space<hbm>> -> memref<80xi32, #tpu.memory_space<hbm>>
    %dma_wait3A_38 = tpu.memref_slice %arg5[%add3A_36] : memref<64000xi32, #tpu.memory_space<hbm>> -> memref<80xi32, #tpu.memory_space<hbm>>
    tpu.wait_dma2 semaphore(%arg24 : memref<!tpu.dma_semaphore, #tpu.memory_space<semaphore_mem>>) src(%dma_wait3A_38 : memref<80xi32, #tpu.memory_space<hbm>>) dst(%arg10 : memref<80xi32, #tpu.memory_space<vmem>>)
    %dma_start3A_39 = arith.constant 0 : i32
    %dma_start3A_40 = arith.constant 0 : i32
    %dma_start3A_41 = tpu.memref_slice %arg2[%dma_start3A_39, %dma_start3A_40] : memref<10000x128xf32, #tpu.memory_space<hbm>> -> memref<10000x128xf32, #tpu.memory_space<hbm>>
    tpu.enqueue_indirect_dma source(%dma_start3A_41 : memref<10000x128xf32, #tpu.memory_space<hbm>>) target(%arg12 : memref<80x128xf32, #tpu.memory_space<vmem>>) offsets(%arg8 : memref<80xi32, #tpu.memory_space<vmem>>) semaphore(%arg18 : memref<!tpu.dma_semaphore, #tpu.memory_space<semaphore_mem>>)
    %dma_start3A_42 = arith.constant 0 : i32
    %dma_start3A_43 = arith.constant 0 : i32
    %dma_start3A_44 = tpu.memref_slice %arg3[%dma_start3A_42, %dma_start3A_43] : memref<10000x128xf32, #tpu.memory_space<hbm>> -> memref<10000x128xf32, #tpu.memory_space<hbm>>
    tpu.enqueue_indirect_dma source(%dma_start3A_44 : memref<10000x128xf32, #tpu.memory_space<hbm>>) target(%arg14 : memref<80x128xf32, #tpu.memory_space<vmem>>) offsets(%arg10 : memref<80xi32, #tpu.memory_space<vmem>>) semaphore(%arg20 : memref<!tpu.dma_semaphore, #tpu.memory_space<semaphore_mem>>)
    %scan3A = arith.constant 0 : i32
    %scan3A_45 = arith.constant 12 : i32
    %scan3A_46 = arith.addi %scan3A, %scan3A_45 : i32
    %scan3A_47 = arith.constant 1 : i32
    scf.for %scan3A_84 = %scan3A to %scan3A_46 step %scan3A_47  : i32 {
      %mul3A_85 = arith.constant 2 : i32
      %mul3A_86 = arith.muli %scan3A_84, %mul3A_85 : i32
      %add3A_87 = arith.constant 0 : i32
      %add3A_88 = arith.addi %add3A_87, %mul3A_86 : i32
      %dma_wait3A_89 = arith.constant 0 : i32
      %dma_wait3A_90 = arith.constant 0 : i32
      %dma_wait3A_91 = tpu.memref_slice %arg2[%dma_wait3A_89, %dma_wait3A_90] : memref<10000x128xf32, #tpu.memory_space<hbm>> -> memref<10000x128xf32, #tpu.memory_space<hbm>>
      tpu.wait_indirect_dma semaphore(%arg17 : memref<!tpu.dma_semaphore, #tpu.memory_space<semaphore_mem>>) src(%dma_wait3A_91 : memref<10000x128xf32, #tpu.memory_space<hbm>>) dst(%arg11 : memref<80x128xf32, #tpu.memory_space<vmem>>)
      %dma_wait3A_92 = arith.constant 0 : i32
      %dma_wait3A_93 = arith.constant 0 : i32
      %dma_wait3A_94 = tpu.memref_slice %arg3[%dma_wait3A_92, %dma_wait3A_93] : memref<10000x128xf32, #tpu.memory_space<hbm>> -> memref<10000x128xf32, #tpu.memory_space<hbm>>
      tpu.wait_indirect_dma semaphore(%arg19 : memref<!tpu.dma_semaphore, #tpu.memory_space<semaphore_mem>>) src(%dma_wait3A_94 : memref<10000x128xf32, #tpu.memory_space<hbm>>) dst(%arg13 : memref<80x128xf32, #tpu.memory_space<vmem>>)
      %add3A_95 = arith.constant 0 : i32
      %add3A_96 = arith.addi %add3A_88, %add3A_95 : i32
      %add3A_97 = arith.constant 2 : i32
      %add3A_98 = arith.addi %add3A_96, %add3A_97 : i32
      %lt3A = arith.constant 25 : i32
      %lt3A_99 = arith.cmpi slt, %add3A_98, %lt3A : i32
      %convert_element_type3A = arith.extui %lt3A_99 : i1 to i32
      %cond3A = arith.constant 0 : i32
      %cond3A_100 = arith.cmpi ne, %convert_element_type3A, %cond3A : i32
      scf.if %cond3A_100 {
        %add3A_175 = arith.constant 0 : i32
        %add3A_176 = arith.addi %add3A_88, %add3A_175 : i32
        %add3A_177 = arith.constant 2 : i32
        %add3A_178 = arith.addi %add3A_176, %add3A_177 : i32
        %mul3A_179 = arith.constant 80 : i32
        %mul3A_180 = arith.muli %add3A_178, %mul3A_179 : i32
        %add3A_181 = arith.addi %mul3A_2, %mul3A_180 : i32
        %dma_start3A_182 = tpu.memref_slice %arg4[%add3A_181] : memref<64000xi32, #tpu.memory_space<hbm>> -> memref<80xi32, #tpu.memory_space<hbm>>
        %dma_start3A_183 = tpu.memref_slice %arg4[%add3A_181] : memref<64000xi32, #tpu.memory_space<hbm>> -> memref<80xi32, #tpu.memory_space<hbm>>
        tpu.enqueue_dma source(%dma_start3A_183 : memref<80xi32, #tpu.memory_space<hbm>>) target(%arg7 : memref<80xi32, #tpu.memory_space<vmem>>) target_semaphore(%arg23 : memref<!tpu.dma_semaphore, #tpu.memory_space<semaphore_mem>>)
        %mul3A_184 = arith.constant 80 : i32
        %mul3A_185 = arith.muli %add3A_178, %mul3A_184 : i32
        %add3A_186 = arith.addi %mul3A_2, %mul3A_185 : i32
        %dma_start3A_187 = tpu.memref_slice %arg5[%add3A_186] : memref<64000xi32, #tpu.memory_space<hbm>> -> memref<80xi32, #tpu.memory_space<hbm>>
        %dma_start3A_188 = tpu.memref_slice %arg5[%add3A_186] : memref<64000xi32, #tpu.memory_space<hbm>> -> memref<80xi32, #tpu.memory_space<hbm>>
        tpu.enqueue_dma source(%dma_start3A_188 : memref<80xi32, #tpu.memory_space<hbm>>) target(%arg9 : memref<80xi32, #tpu.memory_space<vmem>>) target_semaphore(%arg23 : memref<!tpu.dma_semaphore, #tpu.memory_space<semaphore_mem>>)
      } else {
      }
      %add3A_101 = arith.constant 0 : i32
      %add3A_102 = arith.addi %add3A_88, %add3A_101 : i32
      %ge3A = arith.constant 2 : i32
      %ge3A_103 = arith.cmpi sge, %add3A_102, %ge3A : i32
      %convert_element_type3A_104 = arith.extui %ge3A_103 : i1 to i32
      %cond3A_105 = arith.constant 0 : i32
      %cond3A_106 = arith.cmpi ne, %convert_element_type3A_104, %cond3A_105 : i32
      scf.if %cond3A_106 {
        %add3A_175 = arith.constant 0 : i32
        %add3A_176 = arith.addi %add3A_88, %add3A_175 : i32
        %sub3A = arith.constant 2 : i32
        %sub3A_177 = arith.subi %add3A_176, %sub3A : i32
        %mul3A_178 = arith.constant 80 : i32
        %mul3A_179 = arith.muli %sub3A_177, %mul3A_178 : i32
        %add3A_180 = arith.addi %mul3A_2, %mul3A_179 : i32
        %dma_wait3A_181 = arith.constant 0 : i32
        %dma_wait3A_182 = tpu.memref_slice %arg6[%add3A_180, %dma_wait3A_181] : memref<64000x16xf32, #tpu.memory_space<hbm>> -> memref<80x16xf32, #tpu.memory_space<hbm>>
        %dma_wait3A_183 = arith.constant 0 : i32
        %dma_wait3A_184 = tpu.memref_slice %arg6[%add3A_180, %dma_wait3A_183] : memref<64000x16xf32, #tpu.memory_space<hbm>> -> memref<80x16xf32, #tpu.memory_space<hbm>>
        tpu.wait_dma2 semaphore(%arg21 : memref<!tpu.dma_semaphore, #tpu.memory_space<semaphore_mem>>) src(%arg15 : memref<80x16xf32, #tpu.memory_space<vmem>>) dst(%dma_wait3A_184 : memref<80x16xf32, #tpu.memory_space<hbm>>)
      } else {
      }
      %scan3A_107 = arith.constant 0 : i32
      %scan3A_108 = arith.constant 80 : i32
      %scan3A_109 = arith.addi %scan3A_107, %scan3A_108 : i32
      %scan3A_110 = arith.constant 1 : i32
      scf.for %scan3A_175 = %scan3A_107 to %scan3A_109 step %scan3A_110  : i32 {
        %mul3A_176 = arith.constant 1 : i32
        %mul3A_177 = arith.muli %scan3A_175, %mul3A_176 : i32
        %add3A_178 = arith.constant 0 : i32
        %add3A_179 = arith.addi %add3A_178, %mul3A_177 : i32
        %get3A = arith.index_cast %add3A_179 : i32 to index
        %get3A_180 = arith.constant 0 : index
        %get3A_181 = tpu.vector_load %arg11[%get3A, %get3A_180] {strides = array<i32>} : memref<80x128xf32, #tpu.memory_space<vmem>>, vector<1x16xf32>,
        %get3A_182 = vector.shape_cast %get3A_181 : vector<1x16xf32> to vector<16xf32>
        %get3A_183 = arith.index_cast %add3A_179 : i32 to index
        %get3A_184 = arith.constant 0 : index
        %get3A_185 = tpu.vector_load %arg13[%get3A_183, %get3A_184] {strides = array<i32>} : memref<80x128xf32, #tpu.memory_space<vmem>>, vector<1x16xf32>,
        %get3A_186 = vector.shape_cast %get3A_185 : vector<1x16xf32> to vector<16xf32>
        %mul3A_187 = arith.mulf %get3A_182, %get3A_186 : vector<16xf32>
        %get3A_188 = arith.index_cast %add3A_179 : i32 to index
        %get3A_189 = arith.constant 16 : index
        %get3A_190 = tpu.vector_load %arg11[%get3A_188, %get3A_189] {strides = array<i32>} : memref<80x128xf32, #tpu.memory_space<vmem>>, vector<1x16xf32>,
        %get3A_191 = vector.shape_cast %get3A_190 : vector<1x16xf32> to vector<16xf32>
        %get3A_192 = arith.index_cast %add3A_179 : i32 to index
        %get3A_193 = arith.constant 16 : index
        %get3A_194 = tpu.vector_load %arg13[%get3A_192, %get3A_193] {strides = array<i32>} : memref<80x128xf32, #tpu.memory_space<vmem>>, vector<1x16xf32>,
        %get3A_195 = vector.shape_cast %get3A_194 : vector<1x16xf32> to vector<16xf32>
        %mul3A_196 = arith.mulf %get3A_191, %get3A_195 : vector<16xf32>
        %add3A_197 = arith.addf %mul3A_187, %mul3A_196 : vector<16xf32>
        %get3A_198 = arith.index_cast %add3A_179 : i32 to index
        %get3A_199 = arith.constant 32 : index
        %get3A_200 = tpu.vector_load %arg11[%get3A_198, %get3A_199] {strides = array<i32>} : memref<80x128xf32, #tpu.memory_space<vmem>>, vector<1x16xf32>,
        %get3A_201 = vector.shape_cast %get3A_200 : vector<1x16xf32> to vector<16xf32>
        %get3A_202 = arith.index_cast %add3A_179 : i32 to index
        %get3A_203 = arith.constant 32 : index
        %get3A_204 = tpu.vector_load %arg13[%get3A_202, %get3A_203] {strides = array<i32>} : memref<80x128xf32, #tpu.memory_space<vmem>>, vector<1x16xf32>,
        %get3A_205 = vector.shape_cast %get3A_204 : vector<1x16xf32> to vector<16xf32>
        %mul3A_206 = arith.mulf %get3A_201, %get3A_205 : vector<16xf32>
        %add3A_207 = arith.addf %add3A_197, %mul3A_206 : vector<16xf32>
        %get3A_208 = arith.index_cast %add3A_179 : i32 to index
        %get3A_209 = arith.constant 48 : index
        %get3A_210 = tpu.vector_load %arg11[%get3A_208, %get3A_209] {strides = array<i32>} : memref<80x128xf32, #tpu.memory_space<vmem>>, vector<1x16xf32>,
        %get3A_211 = vector.shape_cast %get3A_210 : vector<1x16xf32> to vector<16xf32>
        %get3A_212 = arith.index_cast %add3A_179 : i32 to index
        %get3A_213 = arith.constant 48 : index
        %get3A_214 = tpu.vector_load %arg13[%get3A_212, %get3A_213] {strides = array<i32>} : memref<80x128xf32, #tpu.memory_space<vmem>>, vector<1x16xf32>,
        %get3A_215 = vector.shape_cast %get3A_214 : vector<1x16xf32> to vector<16xf32>
        %mul3A_216 = arith.mulf %get3A_211, %get3A_215 : vector<16xf32>
        %add3A_217 = arith.addf %add3A_207, %mul3A_216 : vector<16xf32>
        %get3A_218 = arith.index_cast %add3A_179 : i32 to index
        %get3A_219 = arith.constant 64 : index
        %get3A_220 = tpu.vector_load %arg11[%get3A_218, %get3A_219] {strides = array<i32>} : memref<80x128xf32, #tpu.memory_space<vmem>>, vector<1x16xf32>,
        %get3A_221 = vector.shape_cast %get3A_220 : vector<1x16xf32> to vector<16xf32>
        %get3A_222 = arith.index_cast %add3A_179 : i32 to index
        %get3A_223 = arith.constant 64 : index
        %get3A_224 = tpu.vector_load %arg13[%get3A_222, %get3A_223] {strides = array<i32>} : memref<80x128xf32, #tpu.memory_space<vmem>>, vector<1x16xf32>,
        %get3A_225 = vector.shape_cast %get3A_224 : vector<1x16xf32> to vector<16xf32>
        %mul3A_226 = arith.mulf %get3A_221, %get3A_225 : vector<16xf32>
        %add3A_227 = arith.addf %add3A_217, %mul3A_226 : vector<16xf32>
        %get3A_228 = arith.index_cast %add3A_179 : i32 to index
        %get3A_229 = arith.constant 80 : index
        %get3A_230 = tpu.vector_load %arg11[%get3A_228, %get3A_229] {strides = array<i32>} : memref<80x128xf32, #tpu.memory_space<vmem>>, vector<1x16xf32>,
        %get3A_231 = vector.shape_cast %get3A_230 : vector<1x16xf32> to vector<16xf32>
        %get3A_232 = arith.index_cast %add3A_179 : i32 to index
        %get3A_233 = arith.constant 80 : index
        %get3A_234 = tpu.vector_load %arg13[%get3A_232, %get3A_233] {strides = array<i32>} : memref<80x128xf32, #tpu.memory_space<vmem>>, vector<1x16xf32>,
        %get3A_235 = vector.shape_cast %get3A_234 : vector<1x16xf32> to vector<16xf32>
        %mul3A_236 = arith.mulf %get3A_231, %get3A_235 : vector<16xf32>
        %add3A_237 = arith.addf %add3A_227, %mul3A_236 : vector<16xf32>
        %get3A_238 = arith.index_cast %add3A_179 : i32 to index
        %get3A_239 = arith.constant 96 : index
        %get3A_240 = tpu.vector_load %arg11[%get3A_238, %get3A_239] {strides = array<i32>} : memref<80x128xf32, #tpu.memory_space<vmem>>, vector<1x16xf32>,
        %get3A_241 = vector.shape_cast %get3A_240 : vector<1x16xf32> to vector<16xf32>
        %get3A_242 = arith.index_cast %add3A_179 : i32 to index
        %get3A_243 = arith.constant 96 : index
        %get3A_244 = tpu.vector_load %arg13[%get3A_242, %get3A_243] {strides = array<i32>} : memref<80x128xf32, #tpu.memory_space<vmem>>, vector<1x16xf32>,
        %get3A_245 = vector.shape_cast %get3A_244 : vector<1x16xf32> to vector<16xf32>
        %mul3A_246 = arith.mulf %get3A_241, %get3A_245 : vector<16xf32>
        %add3A_247 = arith.addf %add3A_237, %mul3A_246 : vector<16xf32>
        %get3A_248 = arith.index_cast %add3A_179 : i32 to index
        %get3A_249 = arith.constant 112 : index
        %get3A_250 = tpu.vector_load %arg11[%get3A_248, %get3A_249] {strides = array<i32>} : memref<80x128xf32, #tpu.memory_space<vmem>>, vector<1x16xf32>,
        %get3A_251 = vector.shape_cast %get3A_250 : vector<1x16xf32> to vector<16xf32>
        %get3A_252 = arith.index_cast %add3A_179 : i32 to index
        %get3A_253 = arith.constant 112 : index
        %get3A_254 = tpu.vector_load %arg13[%get3A_252, %get3A_253] {strides = array<i32>} : memref<80x128xf32, #tpu.memory_space<vmem>>, vector<1x16xf32>,
        %get3A_255 = vector.shape_cast %get3A_254 : vector<1x16xf32> to vector<16xf32>
        %mul3A_256 = arith.mulf %get3A_251, %get3A_255 : vector<16xf32>
        %add3A_257 = arith.addf %add3A_247, %mul3A_256 : vector<16xf32>
        %swap3A = arith.index_cast %add3A_179 : i32 to index
        %swap3A_258 = arith.constant 0 : index
        %swap3A_259 = tpu.vector_load %arg15[%swap3A, %swap3A_258] {strides = array<i32>} : memref<80x16xf32, #tpu.memory_space<vmem>>, vector<1x16xf32>,
        %swap3A_260 = vector.shape_cast %swap3A_259 : vector<1x16xf32> to vector<16xf32>
        %swap3A_261 = vector.shape_cast %add3A_257 : vector<16xf32> to vector<1x16xf32>
        tpu.vector_store %arg15[%swap3A, %swap3A_258], %swap3A_261 {strides = array<i32>} : memref<80x16xf32, #tpu.memory_space<vmem>>, vector<1x16xf32>,
      }
      %scan3A_111 = arith.constant 80 : i32
      %add3A_112 = arith.constant 0 : i32
      %add3A_113 = arith.addi %add3A_88, %add3A_112 : i32
      %mul3A_114 = arith.constant 80 : i32
      %mul3A_115 = arith.muli %add3A_113, %mul3A_114 : i32
      %add3A_116 = arith.addi %mul3A_2, %mul3A_115 : i32
      %dma_start3A_117 = arith.constant 0 : i32
      %dma_start3A_118 = tpu.memref_slice %arg6[%add3A_116, %dma_start3A_117] : memref<64000x16xf32, #tpu.memory_space<hbm>> -> memref<80x16xf32, #tpu.memory_space<hbm>>
      %dma_start3A_119 = arith.constant 0 : i32
      %dma_start3A_120 = tpu.memref_slice %arg6[%add3A_116, %dma_start3A_119] : memref<64000x16xf32, #tpu.memory_space<hbm>> -> memref<80x16xf32, #tpu.memory_space<hbm>>
      tpu.enqueue_dma source(%arg15 : memref<80x16xf32, #tpu.memory_space<vmem>>) target(%dma_start3A_120 : memref<80x16xf32, #tpu.memory_space<hbm>>) target_semaphore(%arg21 : memref<!tpu.dma_semaphore, #tpu.memory_space<semaphore_mem>>)
      %add3A_121 = arith.constant 0 : i32
      %add3A_122 = arith.addi %add3A_88, %add3A_121 : i32
      %add3A_123 = arith.constant 2 : i32
      %add3A_124 = arith.addi %add3A_122, %add3A_123 : i32
      %lt3A_125 = arith.constant 25 : i32
      %lt3A_126 = arith.cmpi slt, %add3A_124, %lt3A_125 : i32
      %convert_element_type3A_127 = arith.extui %lt3A_126 : i1 to i32
      %cond3A_128 = arith.constant 0 : i32
      %cond3A_129 = arith.cmpi ne, %convert_element_type3A_127, %cond3A_128 : i32
      scf.if %cond3A_129 {
        %add3A_175 = arith.constant 0 : i32
        %add3A_176 = arith.addi %add3A_88, %add3A_175 : i32
        %add3A_177 = arith.constant 2 : i32
        %add3A_178 = arith.addi %add3A_176, %add3A_177 : i32
        %mul3A_179 = arith.constant 80 : i32
        %mul3A_180 = arith.muli %add3A_178, %mul3A_179 : i32
        %add3A_181 = arith.addi %mul3A_2, %mul3A_180 : i32
        %dma_wait3A_182 = tpu.memref_slice %arg4[%add3A_181] : memref<64000xi32, #tpu.memory_space<hbm>> -> memref<80xi32, #tpu.memory_space<hbm>>
        %dma_wait3A_183 = tpu.memref_slice %arg4[%add3A_181] : memref<64000xi32, #tpu.memory_space<hbm>> -> memref<80xi32, #tpu.memory_space<hbm>>
        tpu.wait_dma2 semaphore(%arg23 : memref<!tpu.dma_semaphore, #tpu.memory_space<semaphore_mem>>) src(%dma_wait3A_183 : memref<80xi32, #tpu.memory_space<hbm>>) dst(%arg7 : memref<80xi32, #tpu.memory_space<vmem>>)
        %mul3A_184 = arith.constant 80 : i32
        %mul3A_185 = arith.muli %add3A_178, %mul3A_184 : i32
        %add3A_186 = arith.addi %mul3A_2, %mul3A_185 : i32
        %dma_wait3A_187 = tpu.memref_slice %arg5[%add3A_186] : memref<64000xi32, #tpu.memory_space<hbm>> -> memref<80xi32, #tpu.memory_space<hbm>>
        %dma_wait3A_188 = tpu.memref_slice %arg5[%add3A_186] : memref<64000xi32, #tpu.memory_space<hbm>> -> memref<80xi32, #tpu.memory_space<hbm>>
        tpu.wait_dma2 semaphore(%arg23 : memref<!tpu.dma_semaphore, #tpu.memory_space<semaphore_mem>>) src(%dma_wait3A_188 : memref<80xi32, #tpu.memory_space<hbm>>) dst(%arg9 : memref<80xi32, #tpu.memory_space<vmem>>)
        %dma_start3A_189 = arith.constant 0 : i32
        %dma_start3A_190 = arith.constant 0 : i32
        %dma_start3A_191 = tpu.memref_slice %arg2[%dma_start3A_189, %dma_start3A_190] : memref<10000x128xf32, #tpu.memory_space<hbm>> -> memref<10000x128xf32, #tpu.memory_space<hbm>>
        tpu.enqueue_indirect_dma source(%dma_start3A_191 : memref<10000x128xf32, #tpu.memory_space<hbm>>) target(%arg11 : memref<80x128xf32, #tpu.memory_space<vmem>>) offsets(%arg7 : memref<80xi32, #tpu.memory_space<vmem>>) semaphore(%arg17 : memref<!tpu.dma_semaphore, #tpu.memory_space<semaphore_mem>>)
        %dma_start3A_192 = arith.constant 0 : i32
        %dma_start3A_193 = arith.constant 0 : i32
        %dma_start3A_194 = tpu.memref_slice %arg3[%dma_start3A_192, %dma_start3A_193] : memref<10000x128xf32, #tpu.memory_space<hbm>> -> memref<10000x128xf32, #tpu.memory_space<hbm>>
        tpu.enqueue_indirect_dma source(%dma_start3A_194 : memref<10000x128xf32, #tpu.memory_space<hbm>>) target(%arg13 : memref<80x128xf32, #tpu.memory_space<vmem>>) offsets(%arg9 : memref<80xi32, #tpu.memory_space<vmem>>) semaphore(%arg19 : memref<!tpu.dma_semaphore, #tpu.memory_space<semaphore_mem>>)
      } else {
      }
      %dma_wait3A_130 = arith.constant 0 : i32
      %dma_wait3A_131 = arith.constant 0 : i32
      %dma_wait3A_132 = tpu.memref_slice %arg2[%dma_wait3A_130, %dma_wait3A_131] : memref<10000x128xf32, #tpu.memory_space<hbm>> -> memref<10000x128xf32, #tpu.memory_space<hbm>>
      tpu.wait_indirect_dma semaphore(%arg18 : memref<!tpu.dma_semaphore, #tpu.memory_space<semaphore_mem>>) src(%dma_wait3A_132 : memref<10000x128xf32, #tpu.memory_space<hbm>>) dst(%arg12 : memref<80x128xf32, #tpu.memory_space<vmem>>)
      %dma_wait3A_133 = arith.constant 0 : i32
      %dma_wait3A_134 = arith.constant 0 : i32
      %dma_wait3A_135 = tpu.memref_slice %arg3[%dma_wait3A_133, %dma_wait3A_134] : memref<10000x128xf32, #tpu.memory_space<hbm>> -> memref<10000x128xf32, #tpu.memory_space<hbm>>
      tpu.wait_indirect_dma semaphore(%arg20 : memref<!tpu.dma_semaphore, #tpu.memory_space<semaphore_mem>>) src(%dma_wait3A_135 : memref<10000x128xf32, #tpu.memory_space<hbm>>) dst(%arg14 : memref<80x128xf32, #tpu.memory_space<vmem>>)
      %add3A_136 = arith.constant 1 : i32
      %add3A_137 = arith.addi %add3A_88, %add3A_136 : i32
      %add3A_138 = arith.constant 2 : i32
      %add3A_139 = arith.addi %add3A_137, %add3A_138 : i32
      %lt3A_140 = arith.constant 25 : i32
      %lt3A_141 = arith.cmpi slt, %add3A_139, %lt3A_140 : i32
      %convert_element_type3A_142 = arith.extui %lt3A_141 : i1 to i32
      %cond3A_143 = arith.constant 0 : i32
      %cond3A_144 = arith.cmpi ne, %convert_element_type3A_142, %cond3A_143 : i32
      scf.if %cond3A_144 {
        %add3A_175 = arith.constant 1 : i32
        %add3A_176 = arith.addi %add3A_88, %add3A_175 : i32
        %add3A_177 = arith.constant 2 : i32
        %add3A_178 = arith.addi %add3A_176, %add3A_177 : i32
        %mul3A_179 = arith.constant 80 : i32
        %mul3A_180 = arith.muli %add3A_178, %mul3A_179 : i32
        %add3A_181 = arith.addi %mul3A_2, %mul3A_180 : i32
        %dma_start3A_182 = tpu.memref_slice %arg4[%add3A_181] : memref<64000xi32, #tpu.memory_space<hbm>> -> memref<80xi32, #tpu.memory_space<hbm>>
        %dma_start3A_183 = tpu.memref_slice %arg4[%add3A_181] : memref<64000xi32, #tpu.memory_space<hbm>> -> memref<80xi32, #tpu.memory_space<hbm>>
        tpu.enqueue_dma source(%dma_start3A_183 : memref<80xi32, #tpu.memory_space<hbm>>) target(%arg8 : memref<80xi32, #tpu.memory_space<vmem>>) target_semaphore(%arg24 : memref<!tpu.dma_semaphore, #tpu.memory_space<semaphore_mem>>)
        %mul3A_184 = arith.constant 80 : i32
        %mul3A_185 = arith.muli %add3A_178, %mul3A_184 : i32
        %add3A_186 = arith.addi %mul3A_2, %mul3A_185 : i32
        %dma_start3A_187 = tpu.memref_slice %arg5[%add3A_186] : memref<64000xi32, #tpu.memory_space<hbm>> -> memref<80xi32, #tpu.memory_space<hbm>>
        %dma_start3A_188 = tpu.memref_slice %arg5[%add3A_186] : memref<64000xi32, #tpu.memory_space<hbm>> -> memref<80xi32, #tpu.memory_space<hbm>>
        tpu.enqueue_dma source(%dma_start3A_188 : memref<80xi32, #tpu.memory_space<hbm>>) target(%arg10 : memref<80xi32, #tpu.memory_space<vmem>>) target_semaphore(%arg24 : memref<!tpu.dma_semaphore, #tpu.memory_space<semaphore_mem>>)
      } else {
      }
      %add3A_145 = arith.constant 1 : i32
      %add3A_146 = arith.addi %add3A_88, %add3A_145 : i32
      %ge3A_147 = arith.constant 2 : i32
      %ge3A_148 = arith.cmpi sge, %add3A_146, %ge3A_147 : i32
      %convert_element_type3A_149 = arith.extui %ge3A_148 : i1 to i32
      %cond3A_150 = arith.constant 0 : i32
      %cond3A_151 = arith.cmpi ne, %convert_element_type3A_149, %cond3A_150 : i32
      scf.if %cond3A_151 {
        %add3A_175 = arith.constant 1 : i32
        %add3A_176 = arith.addi %add3A_88, %add3A_175 : i32
        %sub3A = arith.constant 2 : i32
        %sub3A_177 = arith.subi %add3A_176, %sub3A : i32
        %mul3A_178 = arith.constant 80 : i32
        %mul3A_179 = arith.muli %sub3A_177, %mul3A_178 : i32
        %add3A_180 = arith.addi %mul3A_2, %mul3A_179 : i32
        %dma_wait3A_181 = arith.constant 0 : i32
        %dma_wait3A_182 = tpu.memref_slice %arg6[%add3A_180, %dma_wait3A_181] : memref<64000x16xf32, #tpu.memory_space<hbm>> -> memref<80x16xf32, #tpu.memory_space<hbm>>
        %dma_wait3A_183 = arith.constant 0 : i32
        %dma_wait3A_184 = tpu.memref_slice %arg6[%add3A_180, %dma_wait3A_183] : memref<64000x16xf32, #tpu.memory_space<hbm>> -> memref<80x16xf32, #tpu.memory_space<hbm>>
        tpu.wait_dma2 semaphore(%arg22 : memref<!tpu.dma_semaphore, #tpu.memory_space<semaphore_mem>>) src(%arg16 : memref<80x16xf32, #tpu.memory_space<vmem>>) dst(%dma_wait3A_184 : memref<80x16xf32, #tpu.memory_space<hbm>>)
      } else {
      }
      %scan3A_152 = arith.constant 0 : i32
      %scan3A_153 = arith.constant 80 : i32
      %scan3A_154 = arith.addi %scan3A_152, %scan3A_153 : i32
      %scan3A_155 = arith.constant 1 : i32
      scf.for %scan3A_175 = %scan3A_152 to %scan3A_154 step %scan3A_155  : i32 {
        %mul3A_176 = arith.constant 1 : i32
        %mul3A_177 = arith.muli %scan3A_175, %mul3A_176 : i32
        %add3A_178 = arith.constant 0 : i32
        %add3A_179 = arith.addi %add3A_178, %mul3A_177 : i32
        %get3A = arith.index_cast %add3A_179 : i32 to index
        %get3A_180 = arith.constant 0 : index
        %get3A_181 = tpu.vector_load %arg12[%get3A, %get3A_180] {strides = array<i32>} : memref<80x128xf32, #tpu.memory_space<vmem>>, vector<1x16xf32>,
        %get3A_182 = vector.shape_cast %get3A_181 : vector<1x16xf32> to vector<16xf32>
        %get3A_183 = arith.index_cast %add3A_179 : i32 to index
        %get3A_184 = arith.constant 0 : index
        %get3A_185 = tpu.vector_load %arg14[%get3A_183, %get3A_184] {strides = array<i32>} : memref<80x128xf32, #tpu.memory_space<vmem>>, vector<1x16xf32>,
        %get3A_186 = vector.shape_cast %get3A_185 : vector<1x16xf32> to vector<16xf32>
        %mul3A_187 = arith.mulf %get3A_182, %get3A_186 : vector<16xf32>
        %get3A_188 = arith.index_cast %add3A_179 : i32 to index
        %get3A_189 = arith.constant 16 : index
        %get3A_190 = tpu.vector_load %arg12[%get3A_188, %get3A_189] {strides = array<i32>} : memref<80x128xf32, #tpu.memory_space<vmem>>, vector<1x16xf32>,
        %get3A_191 = vector.shape_cast %get3A_190 : vector<1x16xf32> to vector<16xf32>
        %get3A_192 = arith.index_cast %add3A_179 : i32 to index
        %get3A_193 = arith.constant 16 : index
        %get3A_194 = tpu.vector_load %arg14[%get3A_192, %get3A_193] {strides = array<i32>} : memref<80x128xf32, #tpu.memory_space<vmem>>, vector<1x16xf32>,
        %get3A_195 = vector.shape_cast %get3A_194 : vector<1x16xf32> to vector<16xf32>
        %mul3A_196 = arith.mulf %get3A_191, %get3A_195 : vector<16xf32>
        %add3A_197 = arith.addf %mul3A_187, %mul3A_196 : vector<16xf32>
        %get3A_198 = arith.index_cast %add3A_179 : i32 to index
        %get3A_199 = arith.constant 32 : index
        %get3A_200 = tpu.vector_load %arg12[%get3A_198, %get3A_199] {strides = array<i32>} : memref<80x128xf32, #tpu.memory_space<vmem>>, vector<1x16xf32>,
        %get3A_201 = vector.shape_cast %get3A_200 : vector<1x16xf32> to vector<16xf32>
        %get3A_202 = arith.index_cast %add3A_179 : i32 to index
        %get3A_203 = arith.constant 32 : index
        %get3A_204 = tpu.vector_load %arg14[%get3A_202, %get3A_203] {strides = array<i32>} : memref<80x128xf32, #tpu.memory_space<vmem>>, vector<1x16xf32>,
        %get3A_205 = vector.shape_cast %get3A_204 : vector<1x16xf32> to vector<16xf32>
        %mul3A_206 = arith.mulf %get3A_201, %get3A_205 : vector<16xf32>
        %add3A_207 = arith.addf %add3A_197, %mul3A_206 : vector<16xf32>
        %get3A_208 = arith.index_cast %add3A_179 : i32 to index
        %get3A_209 = arith.constant 48 : index
        %get3A_210 = tpu.vector_load %arg12[%get3A_208, %get3A_209] {strides = array<i32>} : memref<80x128xf32, #tpu.memory_space<vmem>>, vector<1x16xf32>,
        %get3A_211 = vector.shape_cast %get3A_210 : vector<1x16xf32> to vector<16xf32>
        %get3A_212 = arith.index_cast %add3A_179 : i32 to index
        %get3A_213 = arith.constant 48 : index
        %get3A_214 = tpu.vector_load %arg14[%get3A_212, %get3A_213] {strides = array<i32>} : memref<80x128xf32, #tpu.memory_space<vmem>>, vector<1x16xf32>,
        %get3A_215 = vector.shape_cast %get3A_214 : vector<1x16xf32> to vector<16xf32>
        %mul3A_216 = arith.mulf %get3A_211, %get3A_215 : vector<16xf32>
        %add3A_217 = arith.addf %add3A_207, %mul3A_216 : vector<16xf32>
        %get3A_218 = arith.index_cast %add3A_179 : i32 to index
        %get3A_219 = arith.constant 64 : index
        %get3A_220 = tpu.vector_load %arg12[%get3A_218, %get3A_219] {strides = array<i32>} : memref<80x128xf32, #tpu.memory_space<vmem>>, vector<1x16xf32>,
        %get3A_221 = vector.shape_cast %get3A_220 : vector<1x16xf32> to vector<16xf32>
        %get3A_222 = arith.index_cast %add3A_179 : i32 to index
        %get3A_223 = arith.constant 64 : index
        %get3A_224 = tpu.vector_load %arg14[%get3A_222, %get3A_223] {strides = array<i32>} : memref<80x128xf32, #tpu.memory_space<vmem>>, vector<1x16xf32>,
        %get3A_225 = vector.shape_cast %get3A_224 : vector<1x16xf32> to vector<16xf32>
        %mul3A_226 = arith.mulf %get3A_221, %get3A_225 : vector<16xf32>
        %add3A_227 = arith.addf %add3A_217, %mul3A_226 : vector<16xf32>
        %get3A_228 = arith.index_cast %add3A_179 : i32 to index
        %get3A_229 = arith.constant 80 : index
        %get3A_230 = tpu.vector_load %arg12[%get3A_228, %get3A_229] {strides = array<i32>} : memref<80x128xf32, #tpu.memory_space<vmem>>, vector<1x16xf32>,
        %get3A_231 = vector.shape_cast %get3A_230 : vector<1x16xf32> to vector<16xf32>
        %get3A_232 = arith.index_cast %add3A_179 : i32 to index
        %get3A_233 = arith.constant 80 : index
        %get3A_234 = tpu.vector_load %arg14[%get3A_232, %get3A_233] {strides = array<i32>} : memref<80x128xf32, #tpu.memory_space<vmem>>, vector<1x16xf32>,
        %get3A_235 = vector.shape_cast %get3A_234 : vector<1x16xf32> to vector<16xf32>
        %mul3A_236 = arith.mulf %get3A_231, %get3A_235 : vector<16xf32>
        %add3A_237 = arith.addf %add3A_227, %mul3A_236 : vector<16xf32>
        %get3A_238 = arith.index_cast %add3A_179 : i32 to index
        %get3A_239 = arith.constant 96 : index
        %get3A_240 = tpu.vector_load %arg12[%get3A_238, %get3A_239] {strides = array<i32>} : memref<80x128xf32, #tpu.memory_space<vmem>>, vector<1x16xf32>,
        %get3A_241 = vector.shape_cast %get3A_240 : vector<1x16xf32> to vector<16xf32>
        %get3A_242 = arith.index_cast %add3A_179 : i32 to index
        %get3A_243 = arith.constant 96 : index
        %get3A_244 = tpu.vector_load %arg14[%get3A_242, %get3A_243] {strides = array<i32>} : memref<80x128xf32, #tpu.memory_space<vmem>>, vector<1x16xf32>,
        %get3A_245 = vector.shape_cast %get3A_244 : vector<1x16xf32> to vector<16xf32>
        %mul3A_246 = arith.mulf %get3A_241, %get3A_245 : vector<16xf32>
        %add3A_247 = arith.addf %add3A_237, %mul3A_246 : vector<16xf32>
        %get3A_248 = arith.index_cast %add3A_179 : i32 to index
        %get3A_249 = arith.constant 112 : index
        %get3A_250 = tpu.vector_load %arg12[%get3A_248, %get3A_249] {strides = array<i32>} : memref<80x128xf32, #tpu.memory_space<vmem>>, vector<1x16xf32>,
        %get3A_251 = vector.shape_cast %get3A_250 : vector<1x16xf32> to vector<16xf32>
        %get3A_252 = arith.index_cast %add3A_179 : i32 to index
        %get3A_253 = arith.constant 112 : index
        %get3A_254 = tpu.vector_load %arg14[%get3A_252, %get3A_253] {strides = array<i32>} : memref<80x128xf32, #tpu.memory_space<vmem>>, vector<1x16xf32>,
        %get3A_255 = vector.shape_cast %get3A_254 : vector<1x16xf32> to vector<16xf32>
        %mul3A_256 = arith.mulf %get3A_251, %get3A_255 : vector<16xf32>
        %add3A_257 = arith.addf %add3A_247, %mul3A_256 : vector<16xf32>
        %swap3A = arith.index_cast %add3A_179 : i32 to index
        %swap3A_258 = arith.constant 0 : index
        %swap3A_259 = tpu.vector_load %arg16[%swap3A, %swap3A_258] {strides = array<i32>} : memref<80x16xf32, #tpu.memory_space<vmem>>, vector<1x16xf32>,
        %swap3A_260 = vector.shape_cast %swap3A_259 : vector<1x16xf32> to vector<16xf32>
        %swap3A_261 = vector.shape_cast %add3A_257 : vector<16xf32> to vector<1x16xf32>
        tpu.vector_store %arg16[%swap3A, %swap3A_258], %swap3A_261 {strides = array<i32>} : memref<80x16xf32, #tpu.memory_space<vmem>>, vector<1x16xf32>,
      }
      %scan3A_156 = arith.constant 80 : i32
      %add3A_157 = arith.constant 1 : i32
      %add3A_158 = arith.addi %add3A_88, %add3A_157 : i32
      %mul3A_159 = arith.constant 80 : i32
      %mul3A_160 = arith.muli %add3A_158, %mul3A_159 : i32
      %add3A_161 = arith.addi %mul3A_2, %mul3A_160 : i32
      %dma_start3A_162 = arith.constant 0 : i32
      %dma_start3A_163 = tpu.memref_slice %arg6[%add3A_161, %dma_start3A_162] : memref<64000x16xf32, #tpu.memory_space<hbm>> -> memref<80x16xf32, #tpu.memory_space<hbm>>
      %dma_start3A_164 = arith.constant 0 : i32
      %dma_start3A_165 = tpu.memref_slice %arg6[%add3A_161, %dma_start3A_164] : memref<64000x16xf32, #tpu.memory_space<hbm>> -> memref<80x16xf32, #tpu.memory_space<hbm>>
      tpu.enqueue_dma source(%arg16 : memref<80x16xf32, #tpu.memory_space<vmem>>) target(%dma_start3A_165 : memref<80x16xf32, #tpu.memory_space<hbm>>) target_semaphore(%arg22 : memref<!tpu.dma_semaphore, #tpu.memory_space<semaphore_mem>>)
      %add3A_166 = arith.constant 1 : i32
      %add3A_167 = arith.addi %add3A_88, %add3A_166 : i32
      %add3A_168 = arith.constant 2 : i32
      %add3A_169 = arith.addi %add3A_167, %add3A_168 : i32
      %lt3A_170 = arith.constant 25 : i32
      %lt3A_171 = arith.cmpi slt, %add3A_169, %lt3A_170 : i32
      %convert_element_type3A_172 = arith.extui %lt3A_171 : i1 to i32
      %cond3A_173 = arith.constant 0 : i32
      %cond3A_174 = arith.cmpi ne, %convert_element_type3A_172, %cond3A_173 : i32
      scf.if %cond3A_174 {
        %add3A_175 = arith.constant 1 : i32
        %add3A_176 = arith.addi %add3A_88, %add3A_175 : i32
        %add3A_177 = arith.constant 2 : i32
        %add3A_178 = arith.addi %add3A_176, %add3A_177 : i32
        %mul3A_179 = arith.constant 80 : i32
        %mul3A_180 = arith.muli %add3A_178, %mul3A_179 : i32
        %add3A_181 = arith.addi %mul3A_2, %mul3A_180 : i32
        %dma_wait3A_182 = tpu.memref_slice %arg4[%add3A_181] : memref<64000xi32, #tpu.memory_space<hbm>> -> memref<80xi32, #tpu.memory_space<hbm>>
        %dma_wait3A_183 = tpu.memref_slice %arg4[%add3A_181] : memref<64000xi32, #tpu.memory_space<hbm>> -> memref<80xi32, #tpu.memory_space<hbm>>
        tpu.wait_dma2 semaphore(%arg24 : memref<!tpu.dma_semaphore, #tpu.memory_space<semaphore_mem>>) src(%dma_wait3A_183 : memref<80xi32, #tpu.memory_space<hbm>>) dst(%arg8 : memref<80xi32, #tpu.memory_space<vmem>>)
        %mul3A_184 = arith.constant 80 : i32
        %mul3A_185 = arith.muli %add3A_178, %mul3A_184 : i32
        %add3A_186 = arith.addi %mul3A_2, %mul3A_185 : i32
        %dma_wait3A_187 = tpu.memref_slice %arg5[%add3A_186] : memref<64000xi32, #tpu.memory_space<hbm>> -> memref<80xi32, #tpu.memory_space<hbm>>
        %dma_wait3A_188 = tpu.memref_slice %arg5[%add3A_186] : memref<64000xi32, #tpu.memory_space<hbm>> -> memref<80xi32, #tpu.memory_space<hbm>>
        tpu.wait_dma2 semaphore(%arg24 : memref<!tpu.dma_semaphore, #tpu.memory_space<semaphore_mem>>) src(%dma_wait3A_188 : memref<80xi32, #tpu.memory_space<hbm>>) dst(%arg10 : memref<80xi32, #tpu.memory_space<vmem>>)
        %dma_start3A_189 = arith.constant 0 : i32
        %dma_start3A_190 = arith.constant 0 : i32
        %dma_start3A_191 = tpu.memref_slice %arg2[%dma_start3A_189, %dma_start3A_190] : memref<10000x128xf32, #tpu.memory_space<hbm>> -> memref<10000x128xf32, #tpu.memory_space<hbm>>
        tpu.enqueue_indirect_dma source(%dma_start3A_191 : memref<10000x128xf32, #tpu.memory_space<hbm>>) target(%arg12 : memref<80x128xf32, #tpu.memory_space<vmem>>) offsets(%arg8 : memref<80xi32, #tpu.memory_space<vmem>>) semaphore(%arg18 : memref<!tpu.dma_semaphore, #tpu.memory_space<semaphore_mem>>)
        %dma_start3A_192 = arith.constant 0 : i32
        %dma_start3A_193 = arith.constant 0 : i32
        %dma_start3A_194 = tpu.memref_slice %arg3[%dma_start3A_192, %dma_start3A_193] : memref<10000x128xf32, #tpu.memory_space<hbm>> -> memref<10000x128xf32, #tpu.memory_space<hbm>>
        tpu.enqueue_indirect_dma source(%dma_start3A_194 : memref<10000x128xf32, #tpu.memory_space<hbm>>) target(%arg14 : memref<80x128xf32, #tpu.memory_space<vmem>>) offsets(%arg10 : memref<80xi32, #tpu.memory_space<vmem>>) semaphore(%arg20 : memref<!tpu.dma_semaphore, #tpu.memory_space<semaphore_mem>>)
      } else {
      }
    }
    %scan3A_48 = arith.constant 12 : i32
    %dma_wait3A_49 = arith.constant 0 : i32
    %dma_wait3A_50 = arith.constant 0 : i32
    %dma_wait3A_51 = tpu.memref_slice %arg2[%dma_wait3A_49, %dma_wait3A_50] : memref<10000x128xf32, #tpu.memory_space<hbm>> -> memref<10000x128xf32, #tpu.memory_space<hbm>>
    tpu.wait_indirect_dma semaphore(%arg17 : memref<!tpu.dma_semaphore, #tpu.memory_space<semaphore_mem>>) src(%dma_wait3A_51 : memref<10000x128xf32, #tpu.memory_space<hbm>>) dst(%arg11 : memref<80x128xf32, #tpu.memory_space<vmem>>)
    %dma_wait3A_52 = arith.constant 0 : i32
    %dma_wait3A_53 = arith.constant 0 : i32
    %dma_wait3A_54 = tpu.memref_slice %arg3[%dma_wait3A_52, %dma_wait3A_53] : memref<10000x128xf32, #tpu.memory_space<hbm>> -> memref<10000x128xf32, #tpu.memory_space<hbm>>
    tpu.wait_indirect_dma semaphore(%arg19 : memref<!tpu.dma_semaphore, #tpu.memory_space<semaphore_mem>>) src(%dma_wait3A_54 : memref<10000x128xf32, #tpu.memory_space<hbm>>) dst(%arg13 : memref<80x128xf32, #tpu.memory_space<vmem>>)
    %add3A_55 = arith.constant 1760 : i32
    %add3A_56 = arith.addi %mul3A_2, %add3A_55 : i32
    %dma_wait3A_57 = arith.constant 0 : i32
    %dma_wait3A_58 = tpu.memref_slice %arg6[%add3A_56, %dma_wait3A_57] : memref<64000x16xf32, #tpu.memory_space<hbm>> -> memref<80x16xf32, #tpu.memory_space<hbm>>
    %dma_wait3A_59 = arith.constant 0 : i32
    %dma_wait3A_60 = tpu.memref_slice %arg6[%add3A_56, %dma_wait3A_59] : memref<64000x16xf32, #tpu.memory_space<hbm>> -> memref<80x16xf32, #tpu.memory_space<hbm>>
    tpu.wait_dma2 semaphore(%arg21 : memref<!tpu.dma_semaphore, #tpu.memory_space<semaphore_mem>>) src(%arg15 : memref<80x16xf32, #tpu.memory_space<vmem>>) dst(%dma_wait3A_60 : memref<80x16xf32, #tpu.memory_space<hbm>>)
    %scan3A_61 = arith.constant 0 : i32
    %scan3A_62 = arith.constant 80 : i32
    %scan3A_63 = arith.addi %scan3A_61, %scan3A_62 : i32
    %scan3A_64 = arith.constant 1 : i32
    scf.for %scan3A_84 = %scan3A_61 to %scan3A_63 step %scan3A_64  : i32 {
      %mul3A_85 = arith.constant 1 : i32
      %mul3A_86 = arith.muli %scan3A_84, %mul3A_85 : i32
      %add3A_87 = arith.constant 0 : i32
      %add3A_88 = arith.addi %add3A_87, %mul3A_86 : i32
      %get3A = arith.index_cast %add3A_88 : i32 to index
      %get3A_89 = arith.constant 0 : index
      %get3A_90 = tpu.vector_load %arg11[%get3A, %get3A_89] {strides = array<i32>} : memref<80x128xf32, #tpu.memory_space<vmem>>, vector<1x16xf32>,
      %get3A_91 = vector.shape_cast %get3A_90 : vector<1x16xf32> to vector<16xf32>
      %get3A_92 = arith.index_cast %add3A_88 : i32 to index
      %get3A_93 = arith.constant 0 : index
      %get3A_94 = tpu.vector_load %arg13[%get3A_92, %get3A_93] {strides = array<i32>} : memref<80x128xf32, #tpu.memory_space<vmem>>, vector<1x16xf32>,
      %get3A_95 = vector.shape_cast %get3A_94 : vector<1x16xf32> to vector<16xf32>
      %mul3A_96 = arith.mulf %get3A_91, %get3A_95 : vector<16xf32>
      %get3A_97 = arith.index_cast %add3A_88 : i32 to index
      %get3A_98 = arith.constant 16 : index
      %get3A_99 = tpu.vector_load %arg11[%get3A_97, %get3A_98] {strides = array<i32>} : memref<80x128xf32, #tpu.memory_space<vmem>>, vector<1x16xf32>,
      %get3A_100 = vector.shape_cast %get3A_99 : vector<1x16xf32> to vector<16xf32>
      %get3A_101 = arith.index_cast %add3A_88 : i32 to index
      %get3A_102 = arith.constant 16 : index
      %get3A_103 = tpu.vector_load %arg13[%get3A_101, %get3A_102] {strides = array<i32>} : memref<80x128xf32, #tpu.memory_space<vmem>>, vector<1x16xf32>,
      %get3A_104 = vector.shape_cast %get3A_103 : vector<1x16xf32> to vector<16xf32>
      %mul3A_105 = arith.mulf %get3A_100, %get3A_104 : vector<16xf32>
      %add3A_106 = arith.addf %mul3A_96, %mul3A_105 : vector<16xf32>
      %get3A_107 = arith.index_cast %add3A_88 : i32 to index
      %get3A_108 = arith.constant 32 : index
      %get3A_109 = tpu.vector_load %arg11[%get3A_107, %get3A_108] {strides = array<i32>} : memref<80x128xf32, #tpu.memory_space<vmem>>, vector<1x16xf32>,
      %get3A_110 = vector.shape_cast %get3A_109 : vector<1x16xf32> to vector<16xf32>
      %get3A_111 = arith.index_cast %add3A_88 : i32 to index
      %get3A_112 = arith.constant 32 : index
      %get3A_113 = tpu.vector_load %arg13[%get3A_111, %get3A_112] {strides = array<i32>} : memref<80x128xf32, #tpu.memory_space<vmem>>, vector<1x16xf32>,
      %get3A_114 = vector.shape_cast %get3A_113 : vector<1x16xf32> to vector<16xf32>
      %mul3A_115 = arith.mulf %get3A_110, %get3A_114 : vector<16xf32>
      %add3A_116 = arith.addf %add3A_106, %mul3A_115 : vector<16xf32>
      %get3A_117 = arith.index_cast %add3A_88 : i32 to index
      %get3A_118 = arith.constant 48 : index
      %get3A_119 = tpu.vector_load %arg11[%get3A_117, %get3A_118] {strides = array<i32>} : memref<80x128xf32, #tpu.memory_space<vmem>>, vector<1x16xf32>,
      %get3A_120 = vector.shape_cast %get3A_119 : vector<1x16xf32> to vector<16xf32>
      %get3A_121 = arith.index_cast %add3A_88 : i32 to index
      %get3A_122 = arith.constant 48 : index
      %get3A_123 = tpu.vector_load %arg13[%get3A_121, %get3A_122] {strides = array<i32>} : memref<80x128xf32, #tpu.memory_space<vmem>>, vector<1x16xf32>,
      %get3A_124 = vector.shape_cast %get3A_123 : vector<1x16xf32> to vector<16xf32>
      %mul3A_125 = arith.mulf %get3A_120, %get3A_124 : vector<16xf32>
      %add3A_126 = arith.addf %add3A_116, %mul3A_125 : vector<16xf32>
      %get3A_127 = arith.index_cast %add3A_88 : i32 to index
      %get3A_128 = arith.constant 64 : index
      %get3A_129 = tpu.vector_load %arg11[%get3A_127, %get3A_128] {strides = array<i32>} : memref<80x128xf32, #tpu.memory_space<vmem>>, vector<1x16xf32>,
      %get3A_130 = vector.shape_cast %get3A_129 : vector<1x16xf32> to vector<16xf32>
      %get3A_131 = arith.index_cast %add3A_88 : i32 to index
      %get3A_132 = arith.constant 64 : index
      %get3A_133 = tpu.vector_load %arg13[%get3A_131, %get3A_132] {strides = array<i32>} : memref<80x128xf32, #tpu.memory_space<vmem>>, vector<1x16xf32>,
      %get3A_134 = vector.shape_cast %get3A_133 : vector<1x16xf32> to vector<16xf32>
      %mul3A_135 = arith.mulf %get3A_130, %get3A_134 : vector<16xf32>
      %add3A_136 = arith.addf %add3A_126, %mul3A_135 : vector<16xf32>
      %get3A_137 = arith.index_cast %add3A_88 : i32 to index
      %get3A_138 = arith.constant 80 : index
      %get3A_139 = tpu.vector_load %arg11[%get3A_137, %get3A_138] {strides = array<i32>} : memref<80x128xf32, #tpu.memory_space<vmem>>, vector<1x16xf32>,
      %get3A_140 = vector.shape_cast %get3A_139 : vector<1x16xf32> to vector<16xf32>
      %get3A_141 = arith.index_cast %add3A_88 : i32 to index
      %get3A_142 = arith.constant 80 : index
      %get3A_143 = tpu.vector_load %arg13[%get3A_141, %get3A_142] {strides = array<i32>} : memref<80x128xf32, #tpu.memory_space<vmem>>, vector<1x16xf32>,
      %get3A_144 = vector.shape_cast %get3A_143 : vector<1x16xf32> to vector<16xf32>
      %mul3A_145 = arith.mulf %get3A_140, %get3A_144 : vector<16xf32>
      %add3A_146 = arith.addf %add3A_136, %mul3A_145 : vector<16xf32>
      %get3A_147 = arith.index_cast %add3A_88 : i32 to index
      %get3A_148 = arith.constant 96 : index
      %get3A_149 = tpu.vector_load %arg11[%get3A_147, %get3A_148] {strides = array<i32>} : memref<80x128xf32, #tpu.memory_space<vmem>>, vector<1x16xf32>,
      %get3A_150 = vector.shape_cast %get3A_149 : vector<1x16xf32> to vector<16xf32>
      %get3A_151 = arith.index_cast %add3A_88 : i32 to index
      %get3A_152 = arith.constant 96 : index
      %get3A_153 = tpu.vector_load %arg13[%get3A_151, %get3A_152] {strides = array<i32>} : memref<80x128xf32, #tpu.memory_space<vmem>>, vector<1x16xf32>,
      %get3A_154 = vector.shape_cast %get3A_153 : vector<1x16xf32> to vector<16xf32>
      %mul3A_155 = arith.mulf %get3A_150, %get3A_154 : vector<16xf32>
      %add3A_156 = arith.addf %add3A_146, %mul3A_155 : vector<16xf32>
      %get3A_157 = arith.index_cast %add3A_88 : i32 to index
      %get3A_158 = arith.constant 112 : index
      %get3A_159 = tpu.vector_load %arg11[%get3A_157, %get3A_158] {strides = array<i32>} : memref<80x128xf32, #tpu.memory_space<vmem>>, vector<1x16xf32>,
      %get3A_160 = vector.shape_cast %get3A_159 : vector<1x16xf32> to vector<16xf32>
      %get3A_161 = arith.index_cast %add3A_88 : i32 to index
      %get3A_162 = arith.constant 112 : index
      %get3A_163 = tpu.vector_load %arg13[%get3A_161, %get3A_162] {strides = array<i32>} : memref<80x128xf32, #tpu.memory_space<vmem>>, vector<1x16xf32>,
      %get3A_164 = vector.shape_cast %get3A_163 : vector<1x16xf32> to vector<16xf32>
      %mul3A_165 = arith.mulf %get3A_160, %get3A_164 : vector<16xf32>
      %add3A_166 = arith.addf %add3A_156, %mul3A_165 : vector<16xf32>
      %swap3A = arith.index_cast %add3A_88 : i32 to index
      %swap3A_167 = arith.constant 0 : index
      %swap3A_168 = tpu.vector_load %arg15[%swap3A, %swap3A_167] {strides = array<i32>} : memref<80x16xf32, #tpu.memory_space<vmem>>, vector<1x16xf32>,
      %swap3A_169 = vector.shape_cast %swap3A_168 : vector<1x16xf32> to vector<16xf32>
      %swap3A_170 = vector.shape_cast %add3A_166 : vector<16xf32> to vector<1x16xf32>
      tpu.vector_store %arg15[%swap3A, %swap3A_167], %swap3A_170 {strides = array<i32>} : memref<80x16xf32, #tpu.memory_space<vmem>>, vector<1x16xf32>,
    }
    %scan3A_65 = arith.constant 80 : i32
    %add3A_66 = arith.constant 1920 : i32
    %add3A_67 = arith.addi %mul3A_2, %add3A_66 : i32
    %dma_start3A_68 = arith.constant 0 : i32
    %dma_start3A_69 = tpu.memref_slice %arg6[%add3A_67, %dma_start3A_68] : memref<64000x16xf32, #tpu.memory_space<hbm>> -> memref<80x16xf32, #tpu.memory_space<hbm>>
    %dma_start3A_70 = arith.constant 0 : i32
    %dma_start3A_71 = tpu.memref_slice %arg6[%add3A_67, %dma_start3A_70] : memref<64000x16xf32, #tpu.memory_space<hbm>> -> memref<80x16xf32, #tpu.memory_space<hbm>>
    tpu.enqueue_dma source(%arg15 : memref<80x16xf32, #tpu.memory_space<vmem>>) target(%dma_start3A_71 : memref<80x16xf32, #tpu.memory_space<hbm>>) target_semaphore(%arg21 : memref<!tpu.dma_semaphore, #tpu.memory_space<semaphore_mem>>)
    %add3A_72 = arith.constant 1840 : i32
    %add3A_73 = arith.addi %mul3A_2, %add3A_72 : i32
    %dma_wait3A_74 = arith.constant 0 : i32
    %dma_wait3A_75 = tpu.memref_slice %arg6[%add3A_73, %dma_wait3A_74] : memref<64000x16xf32, #tpu.memory_space<hbm>> -> memref<80x16xf32, #tpu.memory_space<hbm>>
    %dma_wait3A_76 = arith.constant 0 : i32
    %dma_wait3A_77 = tpu.memref_slice %arg6[%add3A_73, %dma_wait3A_76] : memref<64000x16xf32, #tpu.memory_space<hbm>> -> memref<80x16xf32, #tpu.memory_space<hbm>>
    tpu.wait_dma2 semaphore(%arg22 : memref<!tpu.dma_semaphore, #tpu.memory_space<semaphore_mem>>) src(%arg16 : memref<80x16xf32, #tpu.memory_space<vmem>>) dst(%dma_wait3A_77 : memref<80x16xf32, #tpu.memory_space<hbm>>)
    %add3A_78 = arith.constant 1920 : i32
    %add3A_79 = arith.addi %mul3A_2, %add3A_78 : i32
    %dma_wait3A_80 = arith.constant 0 : i32
    %dma_wait3A_81 = tpu.memref_slice %arg6[%add3A_79, %dma_wait3A_80] : memref<64000x16xf32, #tpu.memory_space<hbm>> -> memref<80x16xf32, #tpu.memory_space<hbm>>
    %dma_wait3A_82 = arith.constant 0 : i32
    %dma_wait3A_83 = tpu.memref_slice %arg6[%add3A_79, %dma_wait3A_82] : memref<64000x16xf32, #tpu.memory_space<hbm>> -> memref<80x16xf32, #tpu.memory_space<hbm>>
    tpu.wait_dma2 semaphore(%arg21 : memref<!tpu.dma_semaphore, #tpu.memory_space<semaphore_mem>>) src(%arg15 : memref<80x16xf32, #tpu.memory_space<vmem>>) dst(%dma_wait3A_83 : memref<80x16xf32, #tpu.memory_space<hbm>>)
    return
  }
}

#map = affine_map<(d0, d1) -> (0, 0)>
#map1 = affine_map<(d0, d1) -> (0)>
module attributes {stable_mosaic.version = 14 : i64} {
  func.func @gk(%arg0: i32, %arg1: i32, %arg2: memref<10000x128xf32, #tpu.memory_space<hbm>>, %arg3: memref<10000x128xf32, #tpu.memory_space<hbm>>, %arg4: memref<153600xi32, #tpu.memory_space<hbm>>, %arg5: memref<153600xi32, #tpu.memory_space<hbm>>, %arg6: memref<153600x16xf32, #tpu.memory_space<hbm>>, %arg7: memref<80xi32, #tpu.memory_space<vmem>>, %arg8: memref<80xi32, #tpu.memory_space<vmem>>, %arg9: memref<80xi32, #tpu.memory_space<vmem>>, %arg10: memref<80xi32, #tpu.memory_space<vmem>>, %arg11: memref<80x128xf32, #tpu.memory_space<vmem>>, %arg12: memref<80x128xf32, #tpu.memory_space<vmem>>, %arg13: memref<80x128xf32, #tpu.memory_space<vmem>>, %arg14: memref<80x128xf32, #tpu.memory_space<vmem>>, %arg15: memref<80x16xf32, #tpu.memory_space<vmem>>, %arg16: memref<80x16xf32, #tpu.memory_space<vmem>>, %arg17: memref<!tpu.dma_semaphore, #tpu.memory_space<semaphore_mem>>, %arg18: memref<!tpu.dma_semaphore, #tpu.memory_space<semaphore_mem>>, %arg19: memref<!tpu.dma_semaphore, #tpu.memory_space<semaphore_mem>>, %arg20: memref<!tpu.dma_semaphore, #tpu.memory_space<semaphore_mem>>, %arg21: memref<!tpu.dma_semaphore, #tpu.memory_space<semaphore_mem>>, %arg22: memref<!tpu.dma_semaphore, #tpu.memory_space<semaphore_mem>>, %arg23: memref<!tpu.dma_semaphore, #tpu.memory_space<semaphore_mem>>, %arg24: memref<!tpu.dma_semaphore, #tpu.memory_space<semaphore_mem>>) attributes {dimension_semantics = [#tpu.dimension_semantics<core_parallel>, #tpu.dimension_semantics<subcore_parallel>], iteration_bounds = array<i64: 2, 16>, scalar_prefetch = 0 : i64, scratch_operands = 18 : i64, tpu.core_type = #tpu.core_type<sc_vector_subcore>, window_params = [{transform_indices = #map}, {transform_indices = #map}, {transform_indices = #map1}, {transform_indices = #map1}, {transform_indices = #map}]} {
    %mul3A = arith.constant 2 : i32
    %mul3A_0 = arith.muli %arg1, %mul3A : i32
    %add3A = arith.addi %mul3A_0, %arg0 : i32
    %mul3A_1 = arith.constant 4800 : i32
    %mul3A_2 = arith.muli %add3A, %mul3A_1 : i32
    %add3A_3 = arith.constant 0 : i32
    %add3A_4 = arith.addi %mul3A_2, %add3A_3 : i32
    %dma_start3A = tpu.memref_slice %arg4[%add3A_4] : memref<153600xi32, #tpu.memory_space<hbm>> -> memref<80xi32, #tpu.memory_space<hbm>>
    %dma_start3A_5 = tpu.memref_slice %arg4[%add3A_4] : memref<153600xi32, #tpu.memory_space<hbm>> -> memref<80xi32, #tpu.memory_space<hbm>>
    tpu.enqueue_dma source(%dma_start3A_5 : memref<80xi32, #tpu.memory_space<hbm>>) target(%arg7 : memref<80xi32, #tpu.memory_space<vmem>>) target_semaphore(%arg23 : memref<!tpu.dma_semaphore, #tpu.memory_space<semaphore_mem>>)
    %add3A_6 = arith.constant 0 : i32
    %add3A_7 = arith.addi %mul3A_2, %add3A_6 : i32
    %dma_start3A_8 = tpu.memref_slice %arg5[%add3A_7] : memref<153600xi32, #tpu.memory_space<hbm>> -> memref<80xi32, #tpu.memory_space<hbm>>
    %dma_start3A_9 = tpu.memref_slice %arg5[%add3A_7] : memref<153600xi32, #tpu.memory_space<hbm>> -> memref<80xi32, #tpu.memory_space<hbm>>
    tpu.enqueue_dma source(%dma_start3A_9 : memref<80xi32, #tpu.memory_space<hbm>>) target(%arg9 : memref<80xi32, #tpu.memory_space<vmem>>) target_semaphore(%arg23 : memref<!tpu.dma_semaphore, #tpu.memory_space<semaphore_mem>>)
    %add3A_10 = arith.constant 0 : i32
    %add3A_11 = arith.addi %mul3A_2, %add3A_10 : i32
    %dma_wait3A = tpu.memref_slice %arg4[%add3A_11] : memref<153600xi32, #tpu.memory_space<hbm>> -> memref<80xi32, #tpu.memory_space<hbm>>
    %dma_wait3A_12 = tpu.memref_slice %arg4[%add3A_11] : memref<153600xi32, #tpu.memory_space<hbm>> -> memref<80xi32, #tpu.memory_space<hbm>>
    tpu.wait_dma2 semaphore(%arg23 : memref<!tpu.dma_semaphore, #tpu.memory_space<semaphore_mem>>) src(%dma_wait3A_12 : memref<80xi32, #tpu.memory_space<hbm>>) dst(%arg7 : memref<80xi32, #tpu.memory_space<vmem>>)
    %add3A_13 = arith.constant 0 : i32
    %add3A_14 = arith.addi %mul3A_2, %add3A_13 : i32
    %dma_wait3A_15 = tpu.memref_slice %arg5[%add3A_14] : memref<153600xi32, #tpu.memory_space<hbm>> -> memref<80xi32, #tpu.memory_space<hbm>>
    %dma_wait3A_16 = tpu.memref_slice %arg5[%add3A_14] : memref<153600xi32, #tpu.memory_space<hbm>> -> memref<80xi32, #tpu.memory_space<hbm>>
    tpu.wait_dma2 semaphore(%arg23 : memref<!tpu.dma_semaphore, #tpu.memory_space<semaphore_mem>>) src(%dma_wait3A_16 : memref<80xi32, #tpu.memory_space<hbm>>) dst(%arg9 : memref<80xi32, #tpu.memory_space<vmem>>)
    %dma_start3A_17 = arith.constant 0 : i32
    %dma_start3A_18 = arith.constant 0 : i32
    %dma_start3A_19 = tpu.memref_slice %arg2[%dma_start3A_17, %dma_start3A_18] : memref<10000x128xf32, #tpu.memory_space<hbm>> -> memref<10000x128xf32, #tpu.memory_space<hbm>>
    tpu.enqueue_indirect_dma source(%dma_start3A_19 : memref<10000x128xf32, #tpu.memory_space<hbm>>) target(%arg11 : memref<80x128xf32, #tpu.memory_space<vmem>>) offsets(%arg7 : memref<80xi32, #tpu.memory_space<vmem>>) semaphore(%arg17 : memref<!tpu.dma_semaphore, #tpu.memory_space<semaphore_mem>>)
    %dma_start3A_20 = arith.constant 0 : i32
    %dma_start3A_21 = arith.constant 0 : i32
    %dma_start3A_22 = tpu.memref_slice %arg3[%dma_start3A_20, %dma_start3A_21] : memref<10000x128xf32, #tpu.memory_space<hbm>> -> memref<10000x128xf32, #tpu.memory_space<hbm>>
    tpu.enqueue_indirect_dma source(%dma_start3A_22 : memref<10000x128xf32, #tpu.memory_space<hbm>>) target(%arg13 : memref<80x128xf32, #tpu.memory_space<vmem>>) offsets(%arg9 : memref<80xi32, #tpu.memory_space<vmem>>) semaphore(%arg19 : memref<!tpu.dma_semaphore, #tpu.memory_space<semaphore_mem>>)
    %add3A_23 = arith.constant 80 : i32
    %add3A_24 = arith.addi %mul3A_2, %add3A_23 : i32
    %dma_start3A_25 = tpu.memref_slice %arg4[%add3A_24] : memref<153600xi32, #tpu.memory_space<hbm>> -> memref<80xi32, #tpu.memory_space<hbm>>
    %dma_start3A_26 = tpu.memref_slice %arg4[%add3A_24] : memref<153600xi32, #tpu.memory_space<hbm>> -> memref<80xi32, #tpu.memory_space<hbm>>
    tpu.enqueue_dma source(%dma_start3A_26 : memref<80xi32, #tpu.memory_space<hbm>>) target(%arg8 : memref<80xi32, #tpu.memory_space<vmem>>) target_semaphore(%arg24 : memref<!tpu.dma_semaphore, #tpu.memory_space<semaphore_mem>>)
    %add3A_27 = arith.constant 80 : i32
    %add3A_28 = arith.addi %mul3A_2, %add3A_27 : i32
    %dma_start3A_29 = tpu.memref_slice %arg5[%add3A_28] : memref<153600xi32, #tpu.memory_space<hbm>> -> memref<80xi32, #tpu.memory_space<hbm>>
    %dma_start3A_30 = tpu.memref_slice %arg5[%add3A_28] : memref<153600xi32, #tpu.memory_space<hbm>> -> memref<80xi32, #tpu.memory_space<hbm>>
    tpu.enqueue_dma source(%dma_start3A_30 : memref<80xi32, #tpu.memory_space<hbm>>) target(%arg10 : memref<80xi32, #tpu.memory_space<vmem>>) target_semaphore(%arg24 : memref<!tpu.dma_semaphore, #tpu.memory_space<semaphore_mem>>)
    %add3A_31 = arith.constant 80 : i32
    %add3A_32 = arith.addi %mul3A_2, %add3A_31 : i32
    %dma_wait3A_33 = tpu.memref_slice %arg4[%add3A_32] : memref<153600xi32, #tpu.memory_space<hbm>> -> memref<80xi32, #tpu.memory_space<hbm>>
    %dma_wait3A_34 = tpu.memref_slice %arg4[%add3A_32] : memref<153600xi32, #tpu.memory_space<hbm>> -> memref<80xi32, #tpu.memory_space<hbm>>
    tpu.wait_dma2 semaphore(%arg24 : memref<!tpu.dma_semaphore, #tpu.memory_space<semaphore_mem>>) src(%dma_wait3A_34 : memref<80xi32, #tpu.memory_space<hbm>>) dst(%arg8 : memref<80xi32, #tpu.memory_space<vmem>>)
    %add3A_35 = arith.constant 80 : i32
    %add3A_36 = arith.addi %mul3A_2, %add3A_35 : i32
    %dma_wait3A_37 = tpu.memref_slice %arg5[%add3A_36] : memref<153600xi32, #tpu.memory_space<hbm>> -> memref<80xi32, #tpu.memory_space<hbm>>
    %dma_wait3A_38 = tpu.memref_slice %arg5[%add3A_36] : memref<153600xi32, #tpu.memory_space<hbm>> -> memref<80xi32, #tpu.memory_space<hbm>>
    tpu.wait_dma2 semaphore(%arg24 : memref<!tpu.dma_semaphore, #tpu.memory_space<semaphore_mem>>) src(%dma_wait3A_38 : memref<80xi32, #tpu.memory_space<hbm>>) dst(%arg10 : memref<80xi32, #tpu.memory_space<vmem>>)
    %dma_start3A_39 = arith.constant 0 : i32
    %dma_start3A_40 = arith.constant 0 : i32
    %dma_start3A_41 = tpu.memref_slice %arg2[%dma_start3A_39, %dma_start3A_40] : memref<10000x128xf32, #tpu.memory_space<hbm>> -> memref<10000x128xf32, #tpu.memory_space<hbm>>
    tpu.enqueue_indirect_dma source(%dma_start3A_41 : memref<10000x128xf32, #tpu.memory_space<hbm>>) target(%arg12 : memref<80x128xf32, #tpu.memory_space<vmem>>) offsets(%arg8 : memref<80xi32, #tpu.memory_space<vmem>>) semaphore(%arg18 : memref<!tpu.dma_semaphore, #tpu.memory_space<semaphore_mem>>)
    %dma_start3A_42 = arith.constant 0 : i32
    %dma_start3A_43 = arith.constant 0 : i32
    %dma_start3A_44 = tpu.memref_slice %arg3[%dma_start3A_42, %dma_start3A_43] : memref<10000x128xf32, #tpu.memory_space<hbm>> -> memref<10000x128xf32, #tpu.memory_space<hbm>>
    tpu.enqueue_indirect_dma source(%dma_start3A_44 : memref<10000x128xf32, #tpu.memory_space<hbm>>) target(%arg14 : memref<80x128xf32, #tpu.memory_space<vmem>>) offsets(%arg10 : memref<80xi32, #tpu.memory_space<vmem>>) semaphore(%arg20 : memref<!tpu.dma_semaphore, #tpu.memory_space<semaphore_mem>>)
    %scan3A = arith.constant 0 : i32
    %scan3A_45 = arith.constant 30 : i32
    %scan3A_46 = arith.addi %scan3A, %scan3A_45 : i32
    %scan3A_47 = arith.constant 1 : i32
    scf.for %scan3A_61 = %scan3A to %scan3A_46 step %scan3A_47  : i32 {
      %mul3A_62 = arith.constant 2 : i32
      %mul3A_63 = arith.muli %scan3A_61, %mul3A_62 : i32
      %add3A_64 = arith.constant 0 : i32
      %add3A_65 = arith.addi %add3A_64, %mul3A_63 : i32
      %dma_wait3A_66 = arith.constant 0 : i32
      %dma_wait3A_67 = arith.constant 0 : i32
      %dma_wait3A_68 = tpu.memref_slice %arg2[%dma_wait3A_66, %dma_wait3A_67] : memref<10000x128xf32, #tpu.memory_space<hbm>> -> memref<10000x128xf32, #tpu.memory_space<hbm>>
      tpu.wait_indirect_dma semaphore(%arg17 : memref<!tpu.dma_semaphore, #tpu.memory_space<semaphore_mem>>) src(%dma_wait3A_68 : memref<10000x128xf32, #tpu.memory_space<hbm>>) dst(%arg11 : memref<80x128xf32, #tpu.memory_space<vmem>>)
      %dma_wait3A_69 = arith.constant 0 : i32
      %dma_wait3A_70 = arith.constant 0 : i32
      %dma_wait3A_71 = tpu.memref_slice %arg3[%dma_wait3A_69, %dma_wait3A_70] : memref<10000x128xf32, #tpu.memory_space<hbm>> -> memref<10000x128xf32, #tpu.memory_space<hbm>>
      tpu.wait_indirect_dma semaphore(%arg19 : memref<!tpu.dma_semaphore, #tpu.memory_space<semaphore_mem>>) src(%dma_wait3A_71 : memref<10000x128xf32, #tpu.memory_space<hbm>>) dst(%arg13 : memref<80x128xf32, #tpu.memory_space<vmem>>)
      %add3A_72 = arith.constant 0 : i32
      %add3A_73 = arith.addi %add3A_65, %add3A_72 : i32
      %add3A_74 = arith.constant 2 : i32
      %add3A_75 = arith.addi %add3A_73, %add3A_74 : i32
      %lt3A = arith.constant 60 : i32
      %lt3A_76 = arith.cmpi slt, %add3A_75, %lt3A : i32
      %convert_element_type3A = arith.extui %lt3A_76 : i1 to i32
      %cond3A = arith.constant 0 : i32
      %cond3A_77 = arith.cmpi ne, %convert_element_type3A, %cond3A : i32
      scf.if %cond3A_77 {
        %add3A_152 = arith.constant 0 : i32
        %add3A_153 = arith.addi %add3A_65, %add3A_152 : i32
        %add3A_154 = arith.constant 2 : i32
        %add3A_155 = arith.addi %add3A_153, %add3A_154 : i32
        %mul3A_156 = arith.constant 80 : i32
        %mul3A_157 = arith.muli %add3A_155, %mul3A_156 : i32
        %add3A_158 = arith.addi %mul3A_2, %mul3A_157 : i32
        %dma_start3A_159 = tpu.memref_slice %arg4[%add3A_158] : memref<153600xi32, #tpu.memory_space<hbm>> -> memref<80xi32, #tpu.memory_space<hbm>>
        %dma_start3A_160 = tpu.memref_slice %arg4[%add3A_158] : memref<153600xi32, #tpu.memory_space<hbm>> -> memref<80xi32, #tpu.memory_space<hbm>>
        tpu.enqueue_dma source(%dma_start3A_160 : memref<80xi32, #tpu.memory_space<hbm>>) target(%arg7 : memref<80xi32, #tpu.memory_space<vmem>>) target_semaphore(%arg23 : memref<!tpu.dma_semaphore, #tpu.memory_space<semaphore_mem>>)
        %mul3A_161 = arith.constant 80 : i32
        %mul3A_162 = arith.muli %add3A_155, %mul3A_161 : i32
        %add3A_163 = arith.addi %mul3A_2, %mul3A_162 : i32
        %dma_start3A_164 = tpu.memref_slice %arg5[%add3A_163] : memref<153600xi32, #tpu.memory_space<hbm>> -> memref<80xi32, #tpu.memory_space<hbm>>
        %dma_start3A_165 = tpu.memref_slice %arg5[%add3A_163] : memref<153600xi32, #tpu.memory_space<hbm>> -> memref<80xi32, #tpu.memory_space<hbm>>
        tpu.enqueue_dma source(%dma_start3A_165 : memref<80xi32, #tpu.memory_space<hbm>>) target(%arg9 : memref<80xi32, #tpu.memory_space<vmem>>) target_semaphore(%arg23 : memref<!tpu.dma_semaphore, #tpu.memory_space<semaphore_mem>>)
      } else {
      }
      %add3A_78 = arith.constant 0 : i32
      %add3A_79 = arith.addi %add3A_65, %add3A_78 : i32
      %ge3A = arith.constant 2 : i32
      %ge3A_80 = arith.cmpi sge, %add3A_79, %ge3A : i32
      %convert_element_type3A_81 = arith.extui %ge3A_80 : i1 to i32
      %cond3A_82 = arith.constant 0 : i32
      %cond3A_83 = arith.cmpi ne, %convert_element_type3A_81, %cond3A_82 : i32
      scf.if %cond3A_83 {
        %add3A_152 = arith.constant 0 : i32
        %add3A_153 = arith.addi %add3A_65, %add3A_152 : i32
        %sub3A = arith.constant 2 : i32
        %sub3A_154 = arith.subi %add3A_153, %sub3A : i32
        %mul3A_155 = arith.constant 80 : i32
        %mul3A_156 = arith.muli %sub3A_154, %mul3A_155 : i32
        %add3A_157 = arith.addi %mul3A_2, %mul3A_156 : i32
        %dma_wait3A_158 = arith.constant 0 : i32
        %dma_wait3A_159 = tpu.memref_slice %arg6[%add3A_157, %dma_wait3A_158] : memref<153600x16xf32, #tpu.memory_space<hbm>> -> memref<80x16xf32, #tpu.memory_space<hbm>>
        %dma_wait3A_160 = arith.constant 0 : i32
        %dma_wait3A_161 = tpu.memref_slice %arg6[%add3A_157, %dma_wait3A_160] : memref<153600x16xf32, #tpu.memory_space<hbm>> -> memref<80x16xf32, #tpu.memory_space<hbm>>
        tpu.wait_dma2 semaphore(%arg21 : memref<!tpu.dma_semaphore, #tpu.memory_space<semaphore_mem>>) src(%arg15 : memref<80x16xf32, #tpu.memory_space<vmem>>) dst(%dma_wait3A_161 : memref<80x16xf32, #tpu.memory_space<hbm>>)
      } else {
      }
      %scan3A_84 = arith.constant 0 : i32
      %scan3A_85 = arith.constant 80 : i32
      %scan3A_86 = arith.addi %scan3A_84, %scan3A_85 : i32
      %scan3A_87 = arith.constant 1 : i32
      scf.for %scan3A_152 = %scan3A_84 to %scan3A_86 step %scan3A_87  : i32 {
        %mul3A_153 = arith.constant 1 : i32
        %mul3A_154 = arith.muli %scan3A_152, %mul3A_153 : i32
        %add3A_155 = arith.constant 0 : i32
        %add3A_156 = arith.addi %add3A_155, %mul3A_154 : i32
        %get3A = arith.index_cast %add3A_156 : i32 to index
        %get3A_157 = arith.constant 0 : index
        %get3A_158 = tpu.vector_load %arg11[%get3A, %get3A_157] {strides = array<i32>} : memref<80x128xf32, #tpu.memory_space<vmem>>, vector<1x16xf32>,
        %get3A_159 = vector.shape_cast %get3A_158 : vector<1x16xf32> to vector<16xf32>
        %get3A_160 = arith.index_cast %add3A_156 : i32 to index
        %get3A_161 = arith.constant 0 : index
        %get3A_162 = tpu.vector_load %arg13[%get3A_160, %get3A_161] {strides = array<i32>} : memref<80x128xf32, #tpu.memory_space<vmem>>, vector<1x16xf32>,
        %get3A_163 = vector.shape_cast %get3A_162 : vector<1x16xf32> to vector<16xf32>
        %mul3A_164 = arith.mulf %get3A_159, %get3A_163 : vector<16xf32>
        %get3A_165 = arith.index_cast %add3A_156 : i32 to index
        %get3A_166 = arith.constant 16 : index
        %get3A_167 = tpu.vector_load %arg11[%get3A_165, %get3A_166] {strides = array<i32>} : memref<80x128xf32, #tpu.memory_space<vmem>>, vector<1x16xf32>,
        %get3A_168 = vector.shape_cast %get3A_167 : vector<1x16xf32> to vector<16xf32>
        %get3A_169 = arith.index_cast %add3A_156 : i32 to index
        %get3A_170 = arith.constant 16 : index
        %get3A_171 = tpu.vector_load %arg13[%get3A_169, %get3A_170] {strides = array<i32>} : memref<80x128xf32, #tpu.memory_space<vmem>>, vector<1x16xf32>,
        %get3A_172 = vector.shape_cast %get3A_171 : vector<1x16xf32> to vector<16xf32>
        %mul3A_173 = arith.mulf %get3A_168, %get3A_172 : vector<16xf32>
        %add3A_174 = arith.addf %mul3A_164, %mul3A_173 : vector<16xf32>
        %get3A_175 = arith.index_cast %add3A_156 : i32 to index
        %get3A_176 = arith.constant 32 : index
        %get3A_177 = tpu.vector_load %arg11[%get3A_175, %get3A_176] {strides = array<i32>} : memref<80x128xf32, #tpu.memory_space<vmem>>, vector<1x16xf32>,
        %get3A_178 = vector.shape_cast %get3A_177 : vector<1x16xf32> to vector<16xf32>
        %get3A_179 = arith.index_cast %add3A_156 : i32 to index
        %get3A_180 = arith.constant 32 : index
        %get3A_181 = tpu.vector_load %arg13[%get3A_179, %get3A_180] {strides = array<i32>} : memref<80x128xf32, #tpu.memory_space<vmem>>, vector<1x16xf32>,
        %get3A_182 = vector.shape_cast %get3A_181 : vector<1x16xf32> to vector<16xf32>
        %mul3A_183 = arith.mulf %get3A_178, %get3A_182 : vector<16xf32>
        %add3A_184 = arith.addf %add3A_174, %mul3A_183 : vector<16xf32>
        %get3A_185 = arith.index_cast %add3A_156 : i32 to index
        %get3A_186 = arith.constant 48 : index
        %get3A_187 = tpu.vector_load %arg11[%get3A_185, %get3A_186] {strides = array<i32>} : memref<80x128xf32, #tpu.memory_space<vmem>>, vector<1x16xf32>,
        %get3A_188 = vector.shape_cast %get3A_187 : vector<1x16xf32> to vector<16xf32>
        %get3A_189 = arith.index_cast %add3A_156 : i32 to index
        %get3A_190 = arith.constant 48 : index
        %get3A_191 = tpu.vector_load %arg13[%get3A_189, %get3A_190] {strides = array<i32>} : memref<80x128xf32, #tpu.memory_space<vmem>>, vector<1x16xf32>,
        %get3A_192 = vector.shape_cast %get3A_191 : vector<1x16xf32> to vector<16xf32>
        %mul3A_193 = arith.mulf %get3A_188, %get3A_192 : vector<16xf32>
        %add3A_194 = arith.addf %add3A_184, %mul3A_193 : vector<16xf32>
        %get3A_195 = arith.index_cast %add3A_156 : i32 to index
        %get3A_196 = arith.constant 64 : index
        %get3A_197 = tpu.vector_load %arg11[%get3A_195, %get3A_196] {strides = array<i32>} : memref<80x128xf32, #tpu.memory_space<vmem>>, vector<1x16xf32>,
        %get3A_198 = vector.shape_cast %get3A_197 : vector<1x16xf32> to vector<16xf32>
        %get3A_199 = arith.index_cast %add3A_156 : i32 to index
        %get3A_200 = arith.constant 64 : index
        %get3A_201 = tpu.vector_load %arg13[%get3A_199, %get3A_200] {strides = array<i32>} : memref<80x128xf32, #tpu.memory_space<vmem>>, vector<1x16xf32>,
        %get3A_202 = vector.shape_cast %get3A_201 : vector<1x16xf32> to vector<16xf32>
        %mul3A_203 = arith.mulf %get3A_198, %get3A_202 : vector<16xf32>
        %add3A_204 = arith.addf %add3A_194, %mul3A_203 : vector<16xf32>
        %get3A_205 = arith.index_cast %add3A_156 : i32 to index
        %get3A_206 = arith.constant 80 : index
        %get3A_207 = tpu.vector_load %arg11[%get3A_205, %get3A_206] {strides = array<i32>} : memref<80x128xf32, #tpu.memory_space<vmem>>, vector<1x16xf32>,
        %get3A_208 = vector.shape_cast %get3A_207 : vector<1x16xf32> to vector<16xf32>
        %get3A_209 = arith.index_cast %add3A_156 : i32 to index
        %get3A_210 = arith.constant 80 : index
        %get3A_211 = tpu.vector_load %arg13[%get3A_209, %get3A_210] {strides = array<i32>} : memref<80x128xf32, #tpu.memory_space<vmem>>, vector<1x16xf32>,
        %get3A_212 = vector.shape_cast %get3A_211 : vector<1x16xf32> to vector<16xf32>
        %mul3A_213 = arith.mulf %get3A_208, %get3A_212 : vector<16xf32>
        %add3A_214 = arith.addf %add3A_204, %mul3A_213 : vector<16xf32>
        %get3A_215 = arith.index_cast %add3A_156 : i32 to index
        %get3A_216 = arith.constant 96 : index
        %get3A_217 = tpu.vector_load %arg11[%get3A_215, %get3A_216] {strides = array<i32>} : memref<80x128xf32, #tpu.memory_space<vmem>>, vector<1x16xf32>,
        %get3A_218 = vector.shape_cast %get3A_217 : vector<1x16xf32> to vector<16xf32>
        %get3A_219 = arith.index_cast %add3A_156 : i32 to index
        %get3A_220 = arith.constant 96 : index
        %get3A_221 = tpu.vector_load %arg13[%get3A_219, %get3A_220] {strides = array<i32>} : memref<80x128xf32, #tpu.memory_space<vmem>>, vector<1x16xf32>,
        %get3A_222 = vector.shape_cast %get3A_221 : vector<1x16xf32> to vector<16xf32>
        %mul3A_223 = arith.mulf %get3A_218, %get3A_222 : vector<16xf32>
        %add3A_224 = arith.addf %add3A_214, %mul3A_223 : vector<16xf32>
        %get3A_225 = arith.index_cast %add3A_156 : i32 to index
        %get3A_226 = arith.constant 112 : index
        %get3A_227 = tpu.vector_load %arg11[%get3A_225, %get3A_226] {strides = array<i32>} : memref<80x128xf32, #tpu.memory_space<vmem>>, vector<1x16xf32>,
        %get3A_228 = vector.shape_cast %get3A_227 : vector<1x16xf32> to vector<16xf32>
        %get3A_229 = arith.index_cast %add3A_156 : i32 to index
        %get3A_230 = arith.constant 112 : index
        %get3A_231 = tpu.vector_load %arg13[%get3A_229, %get3A_230] {strides = array<i32>} : memref<80x128xf32, #tpu.memory_space<vmem>>, vector<1x16xf32>,
        %get3A_232 = vector.shape_cast %get3A_231 : vector<1x16xf32> to vector<16xf32>
        %mul3A_233 = arith.mulf %get3A_228, %get3A_232 : vector<16xf32>
        %add3A_234 = arith.addf %add3A_224, %mul3A_233 : vector<16xf32>
        %swap3A = arith.index_cast %add3A_156 : i32 to index
        %swap3A_235 = arith.constant 0 : index
        %swap3A_236 = tpu.vector_load %arg15[%swap3A, %swap3A_235] {strides = array<i32>} : memref<80x16xf32, #tpu.memory_space<vmem>>, vector<1x16xf32>,
        %swap3A_237 = vector.shape_cast %swap3A_236 : vector<1x16xf32> to vector<16xf32>
        %swap3A_238 = vector.shape_cast %add3A_234 : vector<16xf32> to vector<1x16xf32>
        tpu.vector_store %arg15[%swap3A, %swap3A_235], %swap3A_238 {strides = array<i32>} : memref<80x16xf32, #tpu.memory_space<vmem>>, vector<1x16xf32>,
      }
      %scan3A_88 = arith.constant 80 : i32
      %add3A_89 = arith.constant 0 : i32
      %add3A_90 = arith.addi %add3A_65, %add3A_89 : i32
      %mul3A_91 = arith.constant 80 : i32
      %mul3A_92 = arith.muli %add3A_90, %mul3A_91 : i32
      %add3A_93 = arith.addi %mul3A_2, %mul3A_92 : i32
      %dma_start3A_94 = arith.constant 0 : i32
      %dma_start3A_95 = tpu.memref_slice %arg6[%add3A_93, %dma_start3A_94] : memref<153600x16xf32, #tpu.memory_space<hbm>> -> memref<80x16xf32, #tpu.memory_space<hbm>>
      %dma_start3A_96 = arith.constant 0 : i32
      %dma_start3A_97 = tpu.memref_slice %arg6[%add3A_93, %dma_start3A_96] : memref<153600x16xf32, #tpu.memory_space<hbm>> -> memref<80x16xf32, #tpu.memory_space<hbm>>
      tpu.enqueue_dma source(%arg15 : memref<80x16xf32, #tpu.memory_space<vmem>>) target(%dma_start3A_97 : memref<80x16xf32, #tpu.memory_space<hbm>>) target_semaphore(%arg21 : memref<!tpu.dma_semaphore, #tpu.memory_space<semaphore_mem>>)
      %add3A_98 = arith.constant 0 : i32
      %add3A_99 = arith.addi %add3A_65, %add3A_98 : i32
      %add3A_100 = arith.constant 2 : i32
      %add3A_101 = arith.addi %add3A_99, %add3A_100 : i32
      %lt3A_102 = arith.constant 60 : i32
      %lt3A_103 = arith.cmpi slt, %add3A_101, %lt3A_102 : i32
      %convert_element_type3A_104 = arith.extui %lt3A_103 : i1 to i32
      %cond3A_105 = arith.constant 0 : i32
      %cond3A_106 = arith.cmpi ne, %convert_element_type3A_104, %cond3A_105 : i32
      scf.if %cond3A_106 {
        %add3A_152 = arith.constant 0 : i32
        %add3A_153 = arith.addi %add3A_65, %add3A_152 : i32
        %add3A_154 = arith.constant 2 : i32
        %add3A_155 = arith.addi %add3A_153, %add3A_154 : i32
        %mul3A_156 = arith.constant 80 : i32
        %mul3A_157 = arith.muli %add3A_155, %mul3A_156 : i32
        %add3A_158 = arith.addi %mul3A_2, %mul3A_157 : i32
        %dma_wait3A_159 = tpu.memref_slice %arg4[%add3A_158] : memref<153600xi32, #tpu.memory_space<hbm>> -> memref<80xi32, #tpu.memory_space<hbm>>
        %dma_wait3A_160 = tpu.memref_slice %arg4[%add3A_158] : memref<153600xi32, #tpu.memory_space<hbm>> -> memref<80xi32, #tpu.memory_space<hbm>>
        tpu.wait_dma2 semaphore(%arg23 : memref<!tpu.dma_semaphore, #tpu.memory_space<semaphore_mem>>) src(%dma_wait3A_160 : memref<80xi32, #tpu.memory_space<hbm>>) dst(%arg7 : memref<80xi32, #tpu.memory_space<vmem>>)
        %mul3A_161 = arith.constant 80 : i32
        %mul3A_162 = arith.muli %add3A_155, %mul3A_161 : i32
        %add3A_163 = arith.addi %mul3A_2, %mul3A_162 : i32
        %dma_wait3A_164 = tpu.memref_slice %arg5[%add3A_163] : memref<153600xi32, #tpu.memory_space<hbm>> -> memref<80xi32, #tpu.memory_space<hbm>>
        %dma_wait3A_165 = tpu.memref_slice %arg5[%add3A_163] : memref<153600xi32, #tpu.memory_space<hbm>> -> memref<80xi32, #tpu.memory_space<hbm>>
        tpu.wait_dma2 semaphore(%arg23 : memref<!tpu.dma_semaphore, #tpu.memory_space<semaphore_mem>>) src(%dma_wait3A_165 : memref<80xi32, #tpu.memory_space<hbm>>) dst(%arg9 : memref<80xi32, #tpu.memory_space<vmem>>)
        %dma_start3A_166 = arith.constant 0 : i32
        %dma_start3A_167 = arith.constant 0 : i32
        %dma_start3A_168 = tpu.memref_slice %arg2[%dma_start3A_166, %dma_start3A_167] : memref<10000x128xf32, #tpu.memory_space<hbm>> -> memref<10000x128xf32, #tpu.memory_space<hbm>>
        tpu.enqueue_indirect_dma source(%dma_start3A_168 : memref<10000x128xf32, #tpu.memory_space<hbm>>) target(%arg11 : memref<80x128xf32, #tpu.memory_space<vmem>>) offsets(%arg7 : memref<80xi32, #tpu.memory_space<vmem>>) semaphore(%arg17 : memref<!tpu.dma_semaphore, #tpu.memory_space<semaphore_mem>>)
        %dma_start3A_169 = arith.constant 0 : i32
        %dma_start3A_170 = arith.constant 0 : i32
        %dma_start3A_171 = tpu.memref_slice %arg3[%dma_start3A_169, %dma_start3A_170] : memref<10000x128xf32, #tpu.memory_space<hbm>> -> memref<10000x128xf32, #tpu.memory_space<hbm>>
        tpu.enqueue_indirect_dma source(%dma_start3A_171 : memref<10000x128xf32, #tpu.memory_space<hbm>>) target(%arg13 : memref<80x128xf32, #tpu.memory_space<vmem>>) offsets(%arg9 : memref<80xi32, #tpu.memory_space<vmem>>) semaphore(%arg19 : memref<!tpu.dma_semaphore, #tpu.memory_space<semaphore_mem>>)
      } else {
      }
      %dma_wait3A_107 = arith.constant 0 : i32
      %dma_wait3A_108 = arith.constant 0 : i32
      %dma_wait3A_109 = tpu.memref_slice %arg2[%dma_wait3A_107, %dma_wait3A_108] : memref<10000x128xf32, #tpu.memory_space<hbm>> -> memref<10000x128xf32, #tpu.memory_space<hbm>>
      tpu.wait_indirect_dma semaphore(%arg18 : memref<!tpu.dma_semaphore, #tpu.memory_space<semaphore_mem>>) src(%dma_wait3A_109 : memref<10000x128xf32, #tpu.memory_space<hbm>>) dst(%arg12 : memref<80x128xf32, #tpu.memory_space<vmem>>)
      %dma_wait3A_110 = arith.constant 0 : i32
      %dma_wait3A_111 = arith.constant 0 : i32
      %dma_wait3A_112 = tpu.memref_slice %arg3[%dma_wait3A_110, %dma_wait3A_111] : memref<10000x128xf32, #tpu.memory_space<hbm>> -> memref<10000x128xf32, #tpu.memory_space<hbm>>
      tpu.wait_indirect_dma semaphore(%arg20 : memref<!tpu.dma_semaphore, #tpu.memory_space<semaphore_mem>>) src(%dma_wait3A_112 : memref<10000x128xf32, #tpu.memory_space<hbm>>) dst(%arg14 : memref<80x128xf32, #tpu.memory_space<vmem>>)
      %add3A_113 = arith.constant 1 : i32
      %add3A_114 = arith.addi %add3A_65, %add3A_113 : i32
      %add3A_115 = arith.constant 2 : i32
      %add3A_116 = arith.addi %add3A_114, %add3A_115 : i32
      %lt3A_117 = arith.constant 60 : i32
      %lt3A_118 = arith.cmpi slt, %add3A_116, %lt3A_117 : i32
      %convert_element_type3A_119 = arith.extui %lt3A_118 : i1 to i32
      %cond3A_120 = arith.constant 0 : i32
      %cond3A_121 = arith.cmpi ne, %convert_element_type3A_119, %cond3A_120 : i32
      scf.if %cond3A_121 {
        %add3A_152 = arith.constant 1 : i32
        %add3A_153 = arith.addi %add3A_65, %add3A_152 : i32
        %add3A_154 = arith.constant 2 : i32
        %add3A_155 = arith.addi %add3A_153, %add3A_154 : i32
        %mul3A_156 = arith.constant 80 : i32
        %mul3A_157 = arith.muli %add3A_155, %mul3A_156 : i32
        %add3A_158 = arith.addi %mul3A_2, %mul3A_157 : i32
        %dma_start3A_159 = tpu.memref_slice %arg4[%add3A_158] : memref<153600xi32, #tpu.memory_space<hbm>> -> memref<80xi32, #tpu.memory_space<hbm>>
        %dma_start3A_160 = tpu.memref_slice %arg4[%add3A_158] : memref<153600xi32, #tpu.memory_space<hbm>> -> memref<80xi32, #tpu.memory_space<hbm>>
        tpu.enqueue_dma source(%dma_start3A_160 : memref<80xi32, #tpu.memory_space<hbm>>) target(%arg8 : memref<80xi32, #tpu.memory_space<vmem>>) target_semaphore(%arg24 : memref<!tpu.dma_semaphore, #tpu.memory_space<semaphore_mem>>)
        %mul3A_161 = arith.constant 80 : i32
        %mul3A_162 = arith.muli %add3A_155, %mul3A_161 : i32
        %add3A_163 = arith.addi %mul3A_2, %mul3A_162 : i32
        %dma_start3A_164 = tpu.memref_slice %arg5[%add3A_163] : memref<153600xi32, #tpu.memory_space<hbm>> -> memref<80xi32, #tpu.memory_space<hbm>>
        %dma_start3A_165 = tpu.memref_slice %arg5[%add3A_163] : memref<153600xi32, #tpu.memory_space<hbm>> -> memref<80xi32, #tpu.memory_space<hbm>>
        tpu.enqueue_dma source(%dma_start3A_165 : memref<80xi32, #tpu.memory_space<hbm>>) target(%arg10 : memref<80xi32, #tpu.memory_space<vmem>>) target_semaphore(%arg24 : memref<!tpu.dma_semaphore, #tpu.memory_space<semaphore_mem>>)
      } else {
      }
      %add3A_122 = arith.constant 1 : i32
      %add3A_123 = arith.addi %add3A_65, %add3A_122 : i32
      %ge3A_124 = arith.constant 2 : i32
      %ge3A_125 = arith.cmpi sge, %add3A_123, %ge3A_124 : i32
      %convert_element_type3A_126 = arith.extui %ge3A_125 : i1 to i32
      %cond3A_127 = arith.constant 0 : i32
      %cond3A_128 = arith.cmpi ne, %convert_element_type3A_126, %cond3A_127 : i32
      scf.if %cond3A_128 {
        %add3A_152 = arith.constant 1 : i32
        %add3A_153 = arith.addi %add3A_65, %add3A_152 : i32
        %sub3A = arith.constant 2 : i32
        %sub3A_154 = arith.subi %add3A_153, %sub3A : i32
        %mul3A_155 = arith.constant 80 : i32
        %mul3A_156 = arith.muli %sub3A_154, %mul3A_155 : i32
        %add3A_157 = arith.addi %mul3A_2, %mul3A_156 : i32
        %dma_wait3A_158 = arith.constant 0 : i32
        %dma_wait3A_159 = tpu.memref_slice %arg6[%add3A_157, %dma_wait3A_158] : memref<153600x16xf32, #tpu.memory_space<hbm>> -> memref<80x16xf32, #tpu.memory_space<hbm>>
        %dma_wait3A_160 = arith.constant 0 : i32
        %dma_wait3A_161 = tpu.memref_slice %arg6[%add3A_157, %dma_wait3A_160] : memref<153600x16xf32, #tpu.memory_space<hbm>> -> memref<80x16xf32, #tpu.memory_space<hbm>>
        tpu.wait_dma2 semaphore(%arg22 : memref<!tpu.dma_semaphore, #tpu.memory_space<semaphore_mem>>) src(%arg16 : memref<80x16xf32, #tpu.memory_space<vmem>>) dst(%dma_wait3A_161 : memref<80x16xf32, #tpu.memory_space<hbm>>)
      } else {
      }
      %scan3A_129 = arith.constant 0 : i32
      %scan3A_130 = arith.constant 80 : i32
      %scan3A_131 = arith.addi %scan3A_129, %scan3A_130 : i32
      %scan3A_132 = arith.constant 1 : i32
      scf.for %scan3A_152 = %scan3A_129 to %scan3A_131 step %scan3A_132  : i32 {
        %mul3A_153 = arith.constant 1 : i32
        %mul3A_154 = arith.muli %scan3A_152, %mul3A_153 : i32
        %add3A_155 = arith.constant 0 : i32
        %add3A_156 = arith.addi %add3A_155, %mul3A_154 : i32
        %get3A = arith.index_cast %add3A_156 : i32 to index
        %get3A_157 = arith.constant 0 : index
        %get3A_158 = tpu.vector_load %arg12[%get3A, %get3A_157] {strides = array<i32>} : memref<80x128xf32, #tpu.memory_space<vmem>>, vector<1x16xf32>,
        %get3A_159 = vector.shape_cast %get3A_158 : vector<1x16xf32> to vector<16xf32>
        %get3A_160 = arith.index_cast %add3A_156 : i32 to index
        %get3A_161 = arith.constant 0 : index
        %get3A_162 = tpu.vector_load %arg14[%get3A_160, %get3A_161] {strides = array<i32>} : memref<80x128xf32, #tpu.memory_space<vmem>>, vector<1x16xf32>,
        %get3A_163 = vector.shape_cast %get3A_162 : vector<1x16xf32> to vector<16xf32>
        %mul3A_164 = arith.mulf %get3A_159, %get3A_163 : vector<16xf32>
        %get3A_165 = arith.index_cast %add3A_156 : i32 to index
        %get3A_166 = arith.constant 16 : index
        %get3A_167 = tpu.vector_load %arg12[%get3A_165, %get3A_166] {strides = array<i32>} : memref<80x128xf32, #tpu.memory_space<vmem>>, vector<1x16xf32>,
        %get3A_168 = vector.shape_cast %get3A_167 : vector<1x16xf32> to vector<16xf32>
        %get3A_169 = arith.index_cast %add3A_156 : i32 to index
        %get3A_170 = arith.constant 16 : index
        %get3A_171 = tpu.vector_load %arg14[%get3A_169, %get3A_170] {strides = array<i32>} : memref<80x128xf32, #tpu.memory_space<vmem>>, vector<1x16xf32>,
        %get3A_172 = vector.shape_cast %get3A_171 : vector<1x16xf32> to vector<16xf32>
        %mul3A_173 = arith.mulf %get3A_168, %get3A_172 : vector<16xf32>
        %add3A_174 = arith.addf %mul3A_164, %mul3A_173 : vector<16xf32>
        %get3A_175 = arith.index_cast %add3A_156 : i32 to index
        %get3A_176 = arith.constant 32 : index
        %get3A_177 = tpu.vector_load %arg12[%get3A_175, %get3A_176] {strides = array<i32>} : memref<80x128xf32, #tpu.memory_space<vmem>>, vector<1x16xf32>,
        %get3A_178 = vector.shape_cast %get3A_177 : vector<1x16xf32> to vector<16xf32>
        %get3A_179 = arith.index_cast %add3A_156 : i32 to index
        %get3A_180 = arith.constant 32 : index
        %get3A_181 = tpu.vector_load %arg14[%get3A_179, %get3A_180] {strides = array<i32>} : memref<80x128xf32, #tpu.memory_space<vmem>>, vector<1x16xf32>,
        %get3A_182 = vector.shape_cast %get3A_181 : vector<1x16xf32> to vector<16xf32>
        %mul3A_183 = arith.mulf %get3A_178, %get3A_182 : vector<16xf32>
        %add3A_184 = arith.addf %add3A_174, %mul3A_183 : vector<16xf32>
        %get3A_185 = arith.index_cast %add3A_156 : i32 to index
        %get3A_186 = arith.constant 48 : index
        %get3A_187 = tpu.vector_load %arg12[%get3A_185, %get3A_186] {strides = array<i32>} : memref<80x128xf32, #tpu.memory_space<vmem>>, vector<1x16xf32>,
        %get3A_188 = vector.shape_cast %get3A_187 : vector<1x16xf32> to vector<16xf32>
        %get3A_189 = arith.index_cast %add3A_156 : i32 to index
        %get3A_190 = arith.constant 48 : index
        %get3A_191 = tpu.vector_load %arg14[%get3A_189, %get3A_190] {strides = array<i32>} : memref<80x128xf32, #tpu.memory_space<vmem>>, vector<1x16xf32>,
        %get3A_192 = vector.shape_cast %get3A_191 : vector<1x16xf32> to vector<16xf32>
        %mul3A_193 = arith.mulf %get3A_188, %get3A_192 : vector<16xf32>
        %add3A_194 = arith.addf %add3A_184, %mul3A_193 : vector<16xf32>
        %get3A_195 = arith.index_cast %add3A_156 : i32 to index
        %get3A_196 = arith.constant 64 : index
        %get3A_197 = tpu.vector_load %arg12[%get3A_195, %get3A_196] {strides = array<i32>} : memref<80x128xf32, #tpu.memory_space<vmem>>, vector<1x16xf32>,
        %get3A_198 = vector.shape_cast %get3A_197 : vector<1x16xf32> to vector<16xf32>
        %get3A_199 = arith.index_cast %add3A_156 : i32 to index
        %get3A_200 = arith.constant 64 : index
        %get3A_201 = tpu.vector_load %arg14[%get3A_199, %get3A_200] {strides = array<i32>} : memref<80x128xf32, #tpu.memory_space<vmem>>, vector<1x16xf32>,
        %get3A_202 = vector.shape_cast %get3A_201 : vector<1x16xf32> to vector<16xf32>
        %mul3A_203 = arith.mulf %get3A_198, %get3A_202 : vector<16xf32>
        %add3A_204 = arith.addf %add3A_194, %mul3A_203 : vector<16xf32>
        %get3A_205 = arith.index_cast %add3A_156 : i32 to index
        %get3A_206 = arith.constant 80 : index
        %get3A_207 = tpu.vector_load %arg12[%get3A_205, %get3A_206] {strides = array<i32>} : memref<80x128xf32, #tpu.memory_space<vmem>>, vector<1x16xf32>,
        %get3A_208 = vector.shape_cast %get3A_207 : vector<1x16xf32> to vector<16xf32>
        %get3A_209 = arith.index_cast %add3A_156 : i32 to index
        %get3A_210 = arith.constant 80 : index
        %get3A_211 = tpu.vector_load %arg14[%get3A_209, %get3A_210] {strides = array<i32>} : memref<80x128xf32, #tpu.memory_space<vmem>>, vector<1x16xf32>,
        %get3A_212 = vector.shape_cast %get3A_211 : vector<1x16xf32> to vector<16xf32>
        %mul3A_213 = arith.mulf %get3A_208, %get3A_212 : vector<16xf32>
        %add3A_214 = arith.addf %add3A_204, %mul3A_213 : vector<16xf32>
        %get3A_215 = arith.index_cast %add3A_156 : i32 to index
        %get3A_216 = arith.constant 96 : index
        %get3A_217 = tpu.vector_load %arg12[%get3A_215, %get3A_216] {strides = array<i32>} : memref<80x128xf32, #tpu.memory_space<vmem>>, vector<1x16xf32>,
        %get3A_218 = vector.shape_cast %get3A_217 : vector<1x16xf32> to vector<16xf32>
        %get3A_219 = arith.index_cast %add3A_156 : i32 to index
        %get3A_220 = arith.constant 96 : index
        %get3A_221 = tpu.vector_load %arg14[%get3A_219, %get3A_220] {strides = array<i32>} : memref<80x128xf32, #tpu.memory_space<vmem>>, vector<1x16xf32>,
        %get3A_222 = vector.shape_cast %get3A_221 : vector<1x16xf32> to vector<16xf32>
        %mul3A_223 = arith.mulf %get3A_218, %get3A_222 : vector<16xf32>
        %add3A_224 = arith.addf %add3A_214, %mul3A_223 : vector<16xf32>
        %get3A_225 = arith.index_cast %add3A_156 : i32 to index
        %get3A_226 = arith.constant 112 : index
        %get3A_227 = tpu.vector_load %arg12[%get3A_225, %get3A_226] {strides = array<i32>} : memref<80x128xf32, #tpu.memory_space<vmem>>, vector<1x16xf32>,
        %get3A_228 = vector.shape_cast %get3A_227 : vector<1x16xf32> to vector<16xf32>
        %get3A_229 = arith.index_cast %add3A_156 : i32 to index
        %get3A_230 = arith.constant 112 : index
        %get3A_231 = tpu.vector_load %arg14[%get3A_229, %get3A_230] {strides = array<i32>} : memref<80x128xf32, #tpu.memory_space<vmem>>, vector<1x16xf32>,
        %get3A_232 = vector.shape_cast %get3A_231 : vector<1x16xf32> to vector<16xf32>
        %mul3A_233 = arith.mulf %get3A_228, %get3A_232 : vector<16xf32>
        %add3A_234 = arith.addf %add3A_224, %mul3A_233 : vector<16xf32>
        %swap3A = arith.index_cast %add3A_156 : i32 to index
        %swap3A_235 = arith.constant 0 : index
        %swap3A_236 = tpu.vector_load %arg16[%swap3A, %swap3A_235] {strides = array<i32>} : memref<80x16xf32, #tpu.memory_space<vmem>>, vector<1x16xf32>,
        %swap3A_237 = vector.shape_cast %swap3A_236 : vector<1x16xf32> to vector<16xf32>
        %swap3A_238 = vector.shape_cast %add3A_234 : vector<16xf32> to vector<1x16xf32>
        tpu.vector_store %arg16[%swap3A, %swap3A_235], %swap3A_238 {strides = array<i32>} : memref<80x16xf32, #tpu.memory_space<vmem>>, vector<1x16xf32>,
      }
      %scan3A_133 = arith.constant 80 : i32
      %add3A_134 = arith.constant 1 : i32
      %add3A_135 = arith.addi %add3A_65, %add3A_134 : i32
      %mul3A_136 = arith.constant 80 : i32
      %mul3A_137 = arith.muli %add3A_135, %mul3A_136 : i32
      %add3A_138 = arith.addi %mul3A_2, %mul3A_137 : i32
      %dma_start3A_139 = arith.constant 0 : i32
      %dma_start3A_140 = tpu.memref_slice %arg6[%add3A_138, %dma_start3A_139] : memref<153600x16xf32, #tpu.memory_space<hbm>> -> memref<80x16xf32, #tpu.memory_space<hbm>>
      %dma_start3A_141 = arith.constant 0 : i32
      %dma_start3A_142 = tpu.memref_slice %arg6[%add3A_138, %dma_start3A_141] : memref<153600x16xf32, #tpu.memory_space<hbm>> -> memref<80x16xf32, #tpu.memory_space<hbm>>
      tpu.enqueue_dma source(%arg16 : memref<80x16xf32, #tpu.memory_space<vmem>>) target(%dma_start3A_142 : memref<80x16xf32, #tpu.memory_space<hbm>>) target_semaphore(%arg22 : memref<!tpu.dma_semaphore, #tpu.memory_space<semaphore_mem>>)
      %add3A_143 = arith.constant 1 : i32
      %add3A_144 = arith.addi %add3A_65, %add3A_143 : i32
      %add3A_145 = arith.constant 2 : i32
      %add3A_146 = arith.addi %add3A_144, %add3A_145 : i32
      %lt3A_147 = arith.constant 60 : i32
      %lt3A_148 = arith.cmpi slt, %add3A_146, %lt3A_147 : i32
      %convert_element_type3A_149 = arith.extui %lt3A_148 : i1 to i32
      %cond3A_150 = arith.constant 0 : i32
      %cond3A_151 = arith.cmpi ne, %convert_element_type3A_149, %cond3A_150 : i32
      scf.if %cond3A_151 {
        %add3A_152 = arith.constant 1 : i32
        %add3A_153 = arith.addi %add3A_65, %add3A_152 : i32
        %add3A_154 = arith.constant 2 : i32
        %add3A_155 = arith.addi %add3A_153, %add3A_154 : i32
        %mul3A_156 = arith.constant 80 : i32
        %mul3A_157 = arith.muli %add3A_155, %mul3A_156 : i32
        %add3A_158 = arith.addi %mul3A_2, %mul3A_157 : i32
        %dma_wait3A_159 = tpu.memref_slice %arg4[%add3A_158] : memref<153600xi32, #tpu.memory_space<hbm>> -> memref<80xi32, #tpu.memory_space<hbm>>
        %dma_wait3A_160 = tpu.memref_slice %arg4[%add3A_158] : memref<153600xi32, #tpu.memory_space<hbm>> -> memref<80xi32, #tpu.memory_space<hbm>>
        tpu.wait_dma2 semaphore(%arg24 : memref<!tpu.dma_semaphore, #tpu.memory_space<semaphore_mem>>) src(%dma_wait3A_160 : memref<80xi32, #tpu.memory_space<hbm>>) dst(%arg8 : memref<80xi32, #tpu.memory_space<vmem>>)
        %mul3A_161 = arith.constant 80 : i32
        %mul3A_162 = arith.muli %add3A_155, %mul3A_161 : i32
        %add3A_163 = arith.addi %mul3A_2, %mul3A_162 : i32
        %dma_wait3A_164 = tpu.memref_slice %arg5[%add3A_163] : memref<153600xi32, #tpu.memory_space<hbm>> -> memref<80xi32, #tpu.memory_space<hbm>>
        %dma_wait3A_165 = tpu.memref_slice %arg5[%add3A_163] : memref<153600xi32, #tpu.memory_space<hbm>> -> memref<80xi32, #tpu.memory_space<hbm>>
        tpu.wait_dma2 semaphore(%arg24 : memref<!tpu.dma_semaphore, #tpu.memory_space<semaphore_mem>>) src(%dma_wait3A_165 : memref<80xi32, #tpu.memory_space<hbm>>) dst(%arg10 : memref<80xi32, #tpu.memory_space<vmem>>)
        %dma_start3A_166 = arith.constant 0 : i32
        %dma_start3A_167 = arith.constant 0 : i32
        %dma_start3A_168 = tpu.memref_slice %arg2[%dma_start3A_166, %dma_start3A_167] : memref<10000x128xf32, #tpu.memory_space<hbm>> -> memref<10000x128xf32, #tpu.memory_space<hbm>>
        tpu.enqueue_indirect_dma source(%dma_start3A_168 : memref<10000x128xf32, #tpu.memory_space<hbm>>) target(%arg12 : memref<80x128xf32, #tpu.memory_space<vmem>>) offsets(%arg8 : memref<80xi32, #tpu.memory_space<vmem>>) semaphore(%arg18 : memref<!tpu.dma_semaphore, #tpu.memory_space<semaphore_mem>>)
        %dma_start3A_169 = arith.constant 0 : i32
        %dma_start3A_170 = arith.constant 0 : i32
        %dma_start3A_171 = tpu.memref_slice %arg3[%dma_start3A_169, %dma_start3A_170] : memref<10000x128xf32, #tpu.memory_space<hbm>> -> memref<10000x128xf32, #tpu.memory_space<hbm>>
        tpu.enqueue_indirect_dma source(%dma_start3A_171 : memref<10000x128xf32, #tpu.memory_space<hbm>>) target(%arg14 : memref<80x128xf32, #tpu.memory_space<vmem>>) offsets(%arg10 : memref<80xi32, #tpu.memory_space<vmem>>) semaphore(%arg20 : memref<!tpu.dma_semaphore, #tpu.memory_space<semaphore_mem>>)
      } else {
      }
    }
    %scan3A_48 = arith.constant 30 : i32
    %add3A_49 = arith.constant 4640 : i32
    %add3A_50 = arith.addi %mul3A_2, %add3A_49 : i32
    %dma_wait3A_51 = arith.constant 0 : i32
    %dma_wait3A_52 = tpu.memref_slice %arg6[%add3A_50, %dma_wait3A_51] : memref<153600x16xf32, #tpu.memory_space<hbm>> -> memref<80x16xf32, #tpu.memory_space<hbm>>
    %dma_wait3A_53 = arith.constant 0 : i32
    %dma_wait3A_54 = tpu.memref_slice %arg6[%add3A_50, %dma_wait3A_53] : memref<153600x16xf32, #tpu.memory_space<hbm>> -> memref<80x16xf32, #tpu.memory_space<hbm>>
    tpu.wait_dma2 semaphore(%arg21 : memref<!tpu.dma_semaphore, #tpu.memory_space<semaphore_mem>>) src(%arg15 : memref<80x16xf32, #tpu.memory_space<vmem>>) dst(%dma_wait3A_54 : memref<80x16xf32, #tpu.memory_space<hbm>>)
    %add3A_55 = arith.constant 4720 : i32
    %add3A_56 = arith.addi %mul3A_2, %add3A_55 : i32
    %dma_wait3A_57 = arith.constant 0 : i32
    %dma_wait3A_58 = tpu.memref_slice %arg6[%add3A_56, %dma_wait3A_57] : memref<153600x16xf32, #tpu.memory_space<hbm>> -> memref<80x16xf32, #tpu.memory_space<hbm>>
    %dma_wait3A_59 = arith.constant 0 : i32
    %dma_wait3A_60 = tpu.memref_slice %arg6[%add3A_56, %dma_wait3A_59] : memref<153600x16xf32, #tpu.memory_space<hbm>> -> memref<80x16xf32, #tpu.memory_space<hbm>>
    tpu.wait_dma2 semaphore(%arg22 : memref<!tpu.dma_semaphore, #tpu.memory_space<semaphore_mem>>) src(%arg16 : memref<80x16xf32, #tpu.memory_space<vmem>>) dst(%dma_wait3A_60 : memref<80x16xf32, #tpu.memory_space<hbm>>)
    return
  }
}

#map = affine_map<(d0, d1) -> (0, 0)>
#map1 = affine_map<(d0, d1) -> (0)>
module attributes {stable_mosaic.version = 14 : i64} {
  func.func @gk(%arg0: i32, %arg1: i32, %arg2: memref<10000x128xf32, #tpu.memory_space<hbm>>, %arg3: memref<10000x128xf32, #tpu.memory_space<hbm>>, %arg4: memref<102400xi32, #tpu.memory_space<hbm>>, %arg5: memref<102400xi32, #tpu.memory_space<hbm>>, %arg6: memref<102400x16xf32, #tpu.memory_space<hbm>>, %arg7: memref<80xi32, #tpu.memory_space<vmem>>, %arg8: memref<80xi32, #tpu.memory_space<vmem>>, %arg9: memref<80xi32, #tpu.memory_space<vmem>>, %arg10: memref<80xi32, #tpu.memory_space<vmem>>, %arg11: memref<80x128xf32, #tpu.memory_space<vmem>>, %arg12: memref<80x128xf32, #tpu.memory_space<vmem>>, %arg13: memref<80x128xf32, #tpu.memory_space<vmem>>, %arg14: memref<80x128xf32, #tpu.memory_space<vmem>>, %arg15: memref<80x16xf32, #tpu.memory_space<vmem>>, %arg16: memref<80x16xf32, #tpu.memory_space<vmem>>, %arg17: memref<!tpu.dma_semaphore, #tpu.memory_space<semaphore_mem>>, %arg18: memref<!tpu.dma_semaphore, #tpu.memory_space<semaphore_mem>>, %arg19: memref<!tpu.dma_semaphore, #tpu.memory_space<semaphore_mem>>, %arg20: memref<!tpu.dma_semaphore, #tpu.memory_space<semaphore_mem>>, %arg21: memref<!tpu.dma_semaphore, #tpu.memory_space<semaphore_mem>>, %arg22: memref<!tpu.dma_semaphore, #tpu.memory_space<semaphore_mem>>, %arg23: memref<!tpu.dma_semaphore, #tpu.memory_space<semaphore_mem>>, %arg24: memref<!tpu.dma_semaphore, #tpu.memory_space<semaphore_mem>>) attributes {dimension_semantics = [#tpu.dimension_semantics<core_parallel>, #tpu.dimension_semantics<subcore_parallel>], iteration_bounds = array<i64: 2, 16>, scalar_prefetch = 0 : i64, scratch_operands = 18 : i64, tpu.core_type = #tpu.core_type<sc_vector_subcore>, window_params = [{transform_indices = #map}, {transform_indices = #map}, {transform_indices = #map1}, {transform_indices = #map1}, {transform_indices = #map}]} {
    %mul3A = arith.constant 2 : i32
    %mul3A_0 = arith.muli %arg1, %mul3A : i32
    %add3A = arith.addi %mul3A_0, %arg0 : i32
    %mul3A_1 = arith.constant 3200 : i32
    %mul3A_2 = arith.muli %add3A, %mul3A_1 : i32
    %add3A_3 = arith.constant 0 : i32
    %add3A_4 = arith.addi %mul3A_2, %add3A_3 : i32
    %dma_start3A = tpu.memref_slice %arg4[%add3A_4] : memref<102400xi32, #tpu.memory_space<hbm>> -> memref<80xi32, #tpu.memory_space<hbm>>
    %dma_start3A_5 = tpu.memref_slice %arg4[%add3A_4] : memref<102400xi32, #tpu.memory_space<hbm>> -> memref<80xi32, #tpu.memory_space<hbm>>
    tpu.enqueue_dma source(%dma_start3A_5 : memref<80xi32, #tpu.memory_space<hbm>>) target(%arg7 : memref<80xi32, #tpu.memory_space<vmem>>) target_semaphore(%arg23 : memref<!tpu.dma_semaphore, #tpu.memory_space<semaphore_mem>>)
    %add3A_6 = arith.constant 0 : i32
    %add3A_7 = arith.addi %mul3A_2, %add3A_6 : i32
    %dma_start3A_8 = tpu.memref_slice %arg5[%add3A_7] : memref<102400xi32, #tpu.memory_space<hbm>> -> memref<80xi32, #tpu.memory_space<hbm>>
    %dma_start3A_9 = tpu.memref_slice %arg5[%add3A_7] : memref<102400xi32, #tpu.memory_space<hbm>> -> memref<80xi32, #tpu.memory_space<hbm>>
    tpu.enqueue_dma source(%dma_start3A_9 : memref<80xi32, #tpu.memory_space<hbm>>) target(%arg9 : memref<80xi32, #tpu.memory_space<vmem>>) target_semaphore(%arg23 : memref<!tpu.dma_semaphore, #tpu.memory_space<semaphore_mem>>)
    %add3A_10 = arith.constant 0 : i32
    %add3A_11 = arith.addi %mul3A_2, %add3A_10 : i32
    %dma_wait3A = tpu.memref_slice %arg4[%add3A_11] : memref<102400xi32, #tpu.memory_space<hbm>> -> memref<80xi32, #tpu.memory_space<hbm>>
    %dma_wait3A_12 = tpu.memref_slice %arg4[%add3A_11] : memref<102400xi32, #tpu.memory_space<hbm>> -> memref<80xi32, #tpu.memory_space<hbm>>
    tpu.wait_dma2 semaphore(%arg23 : memref<!tpu.dma_semaphore, #tpu.memory_space<semaphore_mem>>) src(%dma_wait3A_12 : memref<80xi32, #tpu.memory_space<hbm>>) dst(%arg7 : memref<80xi32, #tpu.memory_space<vmem>>)
    %add3A_13 = arith.constant 0 : i32
    %add3A_14 = arith.addi %mul3A_2, %add3A_13 : i32
    %dma_wait3A_15 = tpu.memref_slice %arg5[%add3A_14] : memref<102400xi32, #tpu.memory_space<hbm>> -> memref<80xi32, #tpu.memory_space<hbm>>
    %dma_wait3A_16 = tpu.memref_slice %arg5[%add3A_14] : memref<102400xi32, #tpu.memory_space<hbm>> -> memref<80xi32, #tpu.memory_space<hbm>>
    tpu.wait_dma2 semaphore(%arg23 : memref<!tpu.dma_semaphore, #tpu.memory_space<semaphore_mem>>) src(%dma_wait3A_16 : memref<80xi32, #tpu.memory_space<hbm>>) dst(%arg9 : memref<80xi32, #tpu.memory_space<vmem>>)
    %dma_start3A_17 = arith.constant 0 : i32
    %dma_start3A_18 = arith.constant 0 : i32
    %dma_start3A_19 = tpu.memref_slice %arg2[%dma_start3A_17, %dma_start3A_18] : memref<10000x128xf32, #tpu.memory_space<hbm>> -> memref<10000x128xf32, #tpu.memory_space<hbm>>
    tpu.enqueue_indirect_dma source(%dma_start3A_19 : memref<10000x128xf32, #tpu.memory_space<hbm>>) target(%arg11 : memref<80x128xf32, #tpu.memory_space<vmem>>) offsets(%arg7 : memref<80xi32, #tpu.memory_space<vmem>>) semaphore(%arg17 : memref<!tpu.dma_semaphore, #tpu.memory_space<semaphore_mem>>)
    %dma_start3A_20 = arith.constant 0 : i32
    %dma_start3A_21 = arith.constant 0 : i32
    %dma_start3A_22 = tpu.memref_slice %arg3[%dma_start3A_20, %dma_start3A_21] : memref<10000x128xf32, #tpu.memory_space<hbm>> -> memref<10000x128xf32, #tpu.memory_space<hbm>>
    tpu.enqueue_indirect_dma source(%dma_start3A_22 : memref<10000x128xf32, #tpu.memory_space<hbm>>) target(%arg13 : memref<80x128xf32, #tpu.memory_space<vmem>>) offsets(%arg9 : memref<80xi32, #tpu.memory_space<vmem>>) semaphore(%arg19 : memref<!tpu.dma_semaphore, #tpu.memory_space<semaphore_mem>>)
    %add3A_23 = arith.constant 80 : i32
    %add3A_24 = arith.addi %mul3A_2, %add3A_23 : i32
    %dma_start3A_25 = tpu.memref_slice %arg4[%add3A_24] : memref<102400xi32, #tpu.memory_space<hbm>> -> memref<80xi32, #tpu.memory_space<hbm>>
    %dma_start3A_26 = tpu.memref_slice %arg4[%add3A_24] : memref<102400xi32, #tpu.memory_space<hbm>> -> memref<80xi32, #tpu.memory_space<hbm>>
    tpu.enqueue_dma source(%dma_start3A_26 : memref<80xi32, #tpu.memory_space<hbm>>) target(%arg8 : memref<80xi32, #tpu.memory_space<vmem>>) target_semaphore(%arg24 : memref<!tpu.dma_semaphore, #tpu.memory_space<semaphore_mem>>)
    %add3A_27 = arith.constant 80 : i32
    %add3A_28 = arith.addi %mul3A_2, %add3A_27 : i32
    %dma_start3A_29 = tpu.memref_slice %arg5[%add3A_28] : memref<102400xi32, #tpu.memory_space<hbm>> -> memref<80xi32, #tpu.memory_space<hbm>>
    %dma_start3A_30 = tpu.memref_slice %arg5[%add3A_28] : memref<102400xi32, #tpu.memory_space<hbm>> -> memref<80xi32, #tpu.memory_space<hbm>>
    tpu.enqueue_dma source(%dma_start3A_30 : memref<80xi32, #tpu.memory_space<hbm>>) target(%arg10 : memref<80xi32, #tpu.memory_space<vmem>>) target_semaphore(%arg24 : memref<!tpu.dma_semaphore, #tpu.memory_space<semaphore_mem>>)
    %add3A_31 = arith.constant 80 : i32
    %add3A_32 = arith.addi %mul3A_2, %add3A_31 : i32
    %dma_wait3A_33 = tpu.memref_slice %arg4[%add3A_32] : memref<102400xi32, #tpu.memory_space<hbm>> -> memref<80xi32, #tpu.memory_space<hbm>>
    %dma_wait3A_34 = tpu.memref_slice %arg4[%add3A_32] : memref<102400xi32, #tpu.memory_space<hbm>> -> memref<80xi32, #tpu.memory_space<hbm>>
    tpu.wait_dma2 semaphore(%arg24 : memref<!tpu.dma_semaphore, #tpu.memory_space<semaphore_mem>>) src(%dma_wait3A_34 : memref<80xi32, #tpu.memory_space<hbm>>) dst(%arg8 : memref<80xi32, #tpu.memory_space<vmem>>)
    %add3A_35 = arith.constant 80 : i32
    %add3A_36 = arith.addi %mul3A_2, %add3A_35 : i32
    %dma_wait3A_37 = tpu.memref_slice %arg5[%add3A_36] : memref<102400xi32, #tpu.memory_space<hbm>> -> memref<80xi32, #tpu.memory_space<hbm>>
    %dma_wait3A_38 = tpu.memref_slice %arg5[%add3A_36] : memref<102400xi32, #tpu.memory_space<hbm>> -> memref<80xi32, #tpu.memory_space<hbm>>
    tpu.wait_dma2 semaphore(%arg24 : memref<!tpu.dma_semaphore, #tpu.memory_space<semaphore_mem>>) src(%dma_wait3A_38 : memref<80xi32, #tpu.memory_space<hbm>>) dst(%arg10 : memref<80xi32, #tpu.memory_space<vmem>>)
    %dma_start3A_39 = arith.constant 0 : i32
    %dma_start3A_40 = arith.constant 0 : i32
    %dma_start3A_41 = tpu.memref_slice %arg2[%dma_start3A_39, %dma_start3A_40] : memref<10000x128xf32, #tpu.memory_space<hbm>> -> memref<10000x128xf32, #tpu.memory_space<hbm>>
    tpu.enqueue_indirect_dma source(%dma_start3A_41 : memref<10000x128xf32, #tpu.memory_space<hbm>>) target(%arg12 : memref<80x128xf32, #tpu.memory_space<vmem>>) offsets(%arg8 : memref<80xi32, #tpu.memory_space<vmem>>) semaphore(%arg18 : memref<!tpu.dma_semaphore, #tpu.memory_space<semaphore_mem>>)
    %dma_start3A_42 = arith.constant 0 : i32
    %dma_start3A_43 = arith.constant 0 : i32
    %dma_start3A_44 = tpu.memref_slice %arg3[%dma_start3A_42, %dma_start3A_43] : memref<10000x128xf32, #tpu.memory_space<hbm>> -> memref<10000x128xf32, #tpu.memory_space<hbm>>
    tpu.enqueue_indirect_dma source(%dma_start3A_44 : memref<10000x128xf32, #tpu.memory_space<hbm>>) target(%arg14 : memref<80x128xf32, #tpu.memory_space<vmem>>) offsets(%arg10 : memref<80xi32, #tpu.memory_space<vmem>>) semaphore(%arg20 : memref<!tpu.dma_semaphore, #tpu.memory_space<semaphore_mem>>)
    %scan3A = arith.constant 0 : i32
    %scan3A_45 = arith.constant 20 : i32
    %scan3A_46 = arith.addi %scan3A, %scan3A_45 : i32
    %scan3A_47 = arith.constant 1 : i32
    scf.for %scan3A_61 = %scan3A to %scan3A_46 step %scan3A_47  : i32 {
      %mul3A_62 = arith.constant 2 : i32
      %mul3A_63 = arith.muli %scan3A_61, %mul3A_62 : i32
      %add3A_64 = arith.constant 0 : i32
      %add3A_65 = arith.addi %add3A_64, %mul3A_63 : i32
      %dma_wait3A_66 = arith.constant 0 : i32
      %dma_wait3A_67 = arith.constant 0 : i32
      %dma_wait3A_68 = tpu.memref_slice %arg2[%dma_wait3A_66, %dma_wait3A_67] : memref<10000x128xf32, #tpu.memory_space<hbm>> -> memref<10000x128xf32, #tpu.memory_space<hbm>>
      tpu.wait_indirect_dma semaphore(%arg17 : memref<!tpu.dma_semaphore, #tpu.memory_space<semaphore_mem>>) src(%dma_wait3A_68 : memref<10000x128xf32, #tpu.memory_space<hbm>>) dst(%arg11 : memref<80x128xf32, #tpu.memory_space<vmem>>)
      %dma_wait3A_69 = arith.constant 0 : i32
      %dma_wait3A_70 = arith.constant 0 : i32
      %dma_wait3A_71 = tpu.memref_slice %arg3[%dma_wait3A_69, %dma_wait3A_70] : memref<10000x128xf32, #tpu.memory_space<hbm>> -> memref<10000x128xf32, #tpu.memory_space<hbm>>
      tpu.wait_indirect_dma semaphore(%arg19 : memref<!tpu.dma_semaphore, #tpu.memory_space<semaphore_mem>>) src(%dma_wait3A_71 : memref<10000x128xf32, #tpu.memory_space<hbm>>) dst(%arg13 : memref<80x128xf32, #tpu.memory_space<vmem>>)
      %add3A_72 = arith.constant 0 : i32
      %add3A_73 = arith.addi %add3A_65, %add3A_72 : i32
      %add3A_74 = arith.constant 2 : i32
      %add3A_75 = arith.addi %add3A_73, %add3A_74 : i32
      %lt3A = arith.constant 40 : i32
      %lt3A_76 = arith.cmpi slt, %add3A_75, %lt3A : i32
      %convert_element_type3A = arith.extui %lt3A_76 : i1 to i32
      %cond3A = arith.constant 0 : i32
      %cond3A_77 = arith.cmpi ne, %convert_element_type3A, %cond3A : i32
      scf.if %cond3A_77 {
        %add3A_152 = arith.constant 0 : i32
        %add3A_153 = arith.addi %add3A_65, %add3A_152 : i32
        %add3A_154 = arith.constant 2 : i32
        %add3A_155 = arith.addi %add3A_153, %add3A_154 : i32
        %mul3A_156 = arith.constant 80 : i32
        %mul3A_157 = arith.muli %add3A_155, %mul3A_156 : i32
        %add3A_158 = arith.addi %mul3A_2, %mul3A_157 : i32
        %dma_start3A_159 = tpu.memref_slice %arg4[%add3A_158] : memref<102400xi32, #tpu.memory_space<hbm>> -> memref<80xi32, #tpu.memory_space<hbm>>
        %dma_start3A_160 = tpu.memref_slice %arg4[%add3A_158] : memref<102400xi32, #tpu.memory_space<hbm>> -> memref<80xi32, #tpu.memory_space<hbm>>
        tpu.enqueue_dma source(%dma_start3A_160 : memref<80xi32, #tpu.memory_space<hbm>>) target(%arg7 : memref<80xi32, #tpu.memory_space<vmem>>) target_semaphore(%arg23 : memref<!tpu.dma_semaphore, #tpu.memory_space<semaphore_mem>>)
        %mul3A_161 = arith.constant 80 : i32
        %mul3A_162 = arith.muli %add3A_155, %mul3A_161 : i32
        %add3A_163 = arith.addi %mul3A_2, %mul3A_162 : i32
        %dma_start3A_164 = tpu.memref_slice %arg5[%add3A_163] : memref<102400xi32, #tpu.memory_space<hbm>> -> memref<80xi32, #tpu.memory_space<hbm>>
        %dma_start3A_165 = tpu.memref_slice %arg5[%add3A_163] : memref<102400xi32, #tpu.memory_space<hbm>> -> memref<80xi32, #tpu.memory_space<hbm>>
        tpu.enqueue_dma source(%dma_start3A_165 : memref<80xi32, #tpu.memory_space<hbm>>) target(%arg9 : memref<80xi32, #tpu.memory_space<vmem>>) target_semaphore(%arg23 : memref<!tpu.dma_semaphore, #tpu.memory_space<semaphore_mem>>)
      } else {
      }
      %add3A_78 = arith.constant 0 : i32
      %add3A_79 = arith.addi %add3A_65, %add3A_78 : i32
      %ge3A = arith.constant 2 : i32
      %ge3A_80 = arith.cmpi sge, %add3A_79, %ge3A : i32
      %convert_element_type3A_81 = arith.extui %ge3A_80 : i1 to i32
      %cond3A_82 = arith.constant 0 : i32
      %cond3A_83 = arith.cmpi ne, %convert_element_type3A_81, %cond3A_82 : i32
      scf.if %cond3A_83 {
        %add3A_152 = arith.constant 0 : i32
        %add3A_153 = arith.addi %add3A_65, %add3A_152 : i32
        %sub3A = arith.constant 2 : i32
        %sub3A_154 = arith.subi %add3A_153, %sub3A : i32
        %mul3A_155 = arith.constant 80 : i32
        %mul3A_156 = arith.muli %sub3A_154, %mul3A_155 : i32
        %add3A_157 = arith.addi %mul3A_2, %mul3A_156 : i32
        %dma_wait3A_158 = arith.constant 0 : i32
        %dma_wait3A_159 = tpu.memref_slice %arg6[%add3A_157, %dma_wait3A_158] : memref<102400x16xf32, #tpu.memory_space<hbm>> -> memref<80x16xf32, #tpu.memory_space<hbm>>
        %dma_wait3A_160 = arith.constant 0 : i32
        %dma_wait3A_161 = tpu.memref_slice %arg6[%add3A_157, %dma_wait3A_160] : memref<102400x16xf32, #tpu.memory_space<hbm>> -> memref<80x16xf32, #tpu.memory_space<hbm>>
        tpu.wait_dma2 semaphore(%arg21 : memref<!tpu.dma_semaphore, #tpu.memory_space<semaphore_mem>>) src(%arg15 : memref<80x16xf32, #tpu.memory_space<vmem>>) dst(%dma_wait3A_161 : memref<80x16xf32, #tpu.memory_space<hbm>>)
      } else {
      }
      %scan3A_84 = arith.constant 0 : i32
      %scan3A_85 = arith.constant 80 : i32
      %scan3A_86 = arith.addi %scan3A_84, %scan3A_85 : i32
      %scan3A_87 = arith.constant 1 : i32
      scf.for %scan3A_152 = %scan3A_84 to %scan3A_86 step %scan3A_87  : i32 {
        %mul3A_153 = arith.constant 1 : i32
        %mul3A_154 = arith.muli %scan3A_152, %mul3A_153 : i32
        %add3A_155 = arith.constant 0 : i32
        %add3A_156 = arith.addi %add3A_155, %mul3A_154 : i32
        %get3A = arith.index_cast %add3A_156 : i32 to index
        %get3A_157 = arith.constant 0 : index
        %get3A_158 = tpu.vector_load %arg11[%get3A, %get3A_157] {strides = array<i32>} : memref<80x128xf32, #tpu.memory_space<vmem>>, vector<1x16xf32>,
        %get3A_159 = vector.shape_cast %get3A_158 : vector<1x16xf32> to vector<16xf32>
        %get3A_160 = arith.index_cast %add3A_156 : i32 to index
        %get3A_161 = arith.constant 0 : index
        %get3A_162 = tpu.vector_load %arg13[%get3A_160, %get3A_161] {strides = array<i32>} : memref<80x128xf32, #tpu.memory_space<vmem>>, vector<1x16xf32>,
        %get3A_163 = vector.shape_cast %get3A_162 : vector<1x16xf32> to vector<16xf32>
        %mul3A_164 = arith.mulf %get3A_159, %get3A_163 : vector<16xf32>
        %get3A_165 = arith.index_cast %add3A_156 : i32 to index
        %get3A_166 = arith.constant 16 : index
        %get3A_167 = tpu.vector_load %arg11[%get3A_165, %get3A_166] {strides = array<i32>} : memref<80x128xf32, #tpu.memory_space<vmem>>, vector<1x16xf32>,
        %get3A_168 = vector.shape_cast %get3A_167 : vector<1x16xf32> to vector<16xf32>
        %get3A_169 = arith.index_cast %add3A_156 : i32 to index
        %get3A_170 = arith.constant 16 : index
        %get3A_171 = tpu.vector_load %arg13[%get3A_169, %get3A_170] {strides = array<i32>} : memref<80x128xf32, #tpu.memory_space<vmem>>, vector<1x16xf32>,
        %get3A_172 = vector.shape_cast %get3A_171 : vector<1x16xf32> to vector<16xf32>
        %mul3A_173 = arith.mulf %get3A_168, %get3A_172 : vector<16xf32>
        %add3A_174 = arith.addf %mul3A_164, %mul3A_173 : vector<16xf32>
        %get3A_175 = arith.index_cast %add3A_156 : i32 to index
        %get3A_176 = arith.constant 32 : index
        %get3A_177 = tpu.vector_load %arg11[%get3A_175, %get3A_176] {strides = array<i32>} : memref<80x128xf32, #tpu.memory_space<vmem>>, vector<1x16xf32>,
        %get3A_178 = vector.shape_cast %get3A_177 : vector<1x16xf32> to vector<16xf32>
        %get3A_179 = arith.index_cast %add3A_156 : i32 to index
        %get3A_180 = arith.constant 32 : index
        %get3A_181 = tpu.vector_load %arg13[%get3A_179, %get3A_180] {strides = array<i32>} : memref<80x128xf32, #tpu.memory_space<vmem>>, vector<1x16xf32>,
        %get3A_182 = vector.shape_cast %get3A_181 : vector<1x16xf32> to vector<16xf32>
        %mul3A_183 = arith.mulf %get3A_178, %get3A_182 : vector<16xf32>
        %add3A_184 = arith.addf %add3A_174, %mul3A_183 : vector<16xf32>
        %get3A_185 = arith.index_cast %add3A_156 : i32 to index
        %get3A_186 = arith.constant 48 : index
        %get3A_187 = tpu.vector_load %arg11[%get3A_185, %get3A_186] {strides = array<i32>} : memref<80x128xf32, #tpu.memory_space<vmem>>, vector<1x16xf32>,
        %get3A_188 = vector.shape_cast %get3A_187 : vector<1x16xf32> to vector<16xf32>
        %get3A_189 = arith.index_cast %add3A_156 : i32 to index
        %get3A_190 = arith.constant 48 : index
        %get3A_191 = tpu.vector_load %arg13[%get3A_189, %get3A_190] {strides = array<i32>} : memref<80x128xf32, #tpu.memory_space<vmem>>, vector<1x16xf32>,
        %get3A_192 = vector.shape_cast %get3A_191 : vector<1x16xf32> to vector<16xf32>
        %mul3A_193 = arith.mulf %get3A_188, %get3A_192 : vector<16xf32>
        %add3A_194 = arith.addf %add3A_184, %mul3A_193 : vector<16xf32>
        %get3A_195 = arith.index_cast %add3A_156 : i32 to index
        %get3A_196 = arith.constant 64 : index
        %get3A_197 = tpu.vector_load %arg11[%get3A_195, %get3A_196] {strides = array<i32>} : memref<80x128xf32, #tpu.memory_space<vmem>>, vector<1x16xf32>,
        %get3A_198 = vector.shape_cast %get3A_197 : vector<1x16xf32> to vector<16xf32>
        %get3A_199 = arith.index_cast %add3A_156 : i32 to index
        %get3A_200 = arith.constant 64 : index
        %get3A_201 = tpu.vector_load %arg13[%get3A_199, %get3A_200] {strides = array<i32>} : memref<80x128xf32, #tpu.memory_space<vmem>>, vector<1x16xf32>,
        %get3A_202 = vector.shape_cast %get3A_201 : vector<1x16xf32> to vector<16xf32>
        %mul3A_203 = arith.mulf %get3A_198, %get3A_202 : vector<16xf32>
        %add3A_204 = arith.addf %add3A_194, %mul3A_203 : vector<16xf32>
        %get3A_205 = arith.index_cast %add3A_156 : i32 to index
        %get3A_206 = arith.constant 80 : index
        %get3A_207 = tpu.vector_load %arg11[%get3A_205, %get3A_206] {strides = array<i32>} : memref<80x128xf32, #tpu.memory_space<vmem>>, vector<1x16xf32>,
        %get3A_208 = vector.shape_cast %get3A_207 : vector<1x16xf32> to vector<16xf32>
        %get3A_209 = arith.index_cast %add3A_156 : i32 to index
        %get3A_210 = arith.constant 80 : index
        %get3A_211 = tpu.vector_load %arg13[%get3A_209, %get3A_210] {strides = array<i32>} : memref<80x128xf32, #tpu.memory_space<vmem>>, vector<1x16xf32>,
        %get3A_212 = vector.shape_cast %get3A_211 : vector<1x16xf32> to vector<16xf32>
        %mul3A_213 = arith.mulf %get3A_208, %get3A_212 : vector<16xf32>
        %add3A_214 = arith.addf %add3A_204, %mul3A_213 : vector<16xf32>
        %get3A_215 = arith.index_cast %add3A_156 : i32 to index
        %get3A_216 = arith.constant 96 : index
        %get3A_217 = tpu.vector_load %arg11[%get3A_215, %get3A_216] {strides = array<i32>} : memref<80x128xf32, #tpu.memory_space<vmem>>, vector<1x16xf32>,
        %get3A_218 = vector.shape_cast %get3A_217 : vector<1x16xf32> to vector<16xf32>
        %get3A_219 = arith.index_cast %add3A_156 : i32 to index
        %get3A_220 = arith.constant 96 : index
        %get3A_221 = tpu.vector_load %arg13[%get3A_219, %get3A_220] {strides = array<i32>} : memref<80x128xf32, #tpu.memory_space<vmem>>, vector<1x16xf32>,
        %get3A_222 = vector.shape_cast %get3A_221 : vector<1x16xf32> to vector<16xf32>
        %mul3A_223 = arith.mulf %get3A_218, %get3A_222 : vector<16xf32>
        %add3A_224 = arith.addf %add3A_214, %mul3A_223 : vector<16xf32>
        %get3A_225 = arith.index_cast %add3A_156 : i32 to index
        %get3A_226 = arith.constant 112 : index
        %get3A_227 = tpu.vector_load %arg11[%get3A_225, %get3A_226] {strides = array<i32>} : memref<80x128xf32, #tpu.memory_space<vmem>>, vector<1x16xf32>,
        %get3A_228 = vector.shape_cast %get3A_227 : vector<1x16xf32> to vector<16xf32>
        %get3A_229 = arith.index_cast %add3A_156 : i32 to index
        %get3A_230 = arith.constant 112 : index
        %get3A_231 = tpu.vector_load %arg13[%get3A_229, %get3A_230] {strides = array<i32>} : memref<80x128xf32, #tpu.memory_space<vmem>>, vector<1x16xf32>,
        %get3A_232 = vector.shape_cast %get3A_231 : vector<1x16xf32> to vector<16xf32>
        %mul3A_233 = arith.mulf %get3A_228, %get3A_232 : vector<16xf32>
        %add3A_234 = arith.addf %add3A_224, %mul3A_233 : vector<16xf32>
        %swap3A = arith.index_cast %add3A_156 : i32 to index
        %swap3A_235 = arith.constant 0 : index
        %swap3A_236 = tpu.vector_load %arg15[%swap3A, %swap3A_235] {strides = array<i32>} : memref<80x16xf32, #tpu.memory_space<vmem>>, vector<1x16xf32>,
        %swap3A_237 = vector.shape_cast %swap3A_236 : vector<1x16xf32> to vector<16xf32>
        %swap3A_238 = vector.shape_cast %add3A_234 : vector<16xf32> to vector<1x16xf32>
        tpu.vector_store %arg15[%swap3A, %swap3A_235], %swap3A_238 {strides = array<i32>} : memref<80x16xf32, #tpu.memory_space<vmem>>, vector<1x16xf32>,
      }
      %scan3A_88 = arith.constant 80 : i32
      %add3A_89 = arith.constant 0 : i32
      %add3A_90 = arith.addi %add3A_65, %add3A_89 : i32
      %mul3A_91 = arith.constant 80 : i32
      %mul3A_92 = arith.muli %add3A_90, %mul3A_91 : i32
      %add3A_93 = arith.addi %mul3A_2, %mul3A_92 : i32
      %dma_start3A_94 = arith.constant 0 : i32
      %dma_start3A_95 = tpu.memref_slice %arg6[%add3A_93, %dma_start3A_94] : memref<102400x16xf32, #tpu.memory_space<hbm>> -> memref<80x16xf32, #tpu.memory_space<hbm>>
      %dma_start3A_96 = arith.constant 0 : i32
      %dma_start3A_97 = tpu.memref_slice %arg6[%add3A_93, %dma_start3A_96] : memref<102400x16xf32, #tpu.memory_space<hbm>> -> memref<80x16xf32, #tpu.memory_space<hbm>>
      tpu.enqueue_dma source(%arg15 : memref<80x16xf32, #tpu.memory_space<vmem>>) target(%dma_start3A_97 : memref<80x16xf32, #tpu.memory_space<hbm>>) target_semaphore(%arg21 : memref<!tpu.dma_semaphore, #tpu.memory_space<semaphore_mem>>)
      %add3A_98 = arith.constant 0 : i32
      %add3A_99 = arith.addi %add3A_65, %add3A_98 : i32
      %add3A_100 = arith.constant 2 : i32
      %add3A_101 = arith.addi %add3A_99, %add3A_100 : i32
      %lt3A_102 = arith.constant 40 : i32
      %lt3A_103 = arith.cmpi slt, %add3A_101, %lt3A_102 : i32
      %convert_element_type3A_104 = arith.extui %lt3A_103 : i1 to i32
      %cond3A_105 = arith.constant 0 : i32
      %cond3A_106 = arith.cmpi ne, %convert_element_type3A_104, %cond3A_105 : i32
      scf.if %cond3A_106 {
        %add3A_152 = arith.constant 0 : i32
        %add3A_153 = arith.addi %add3A_65, %add3A_152 : i32
        %add3A_154 = arith.constant 2 : i32
        %add3A_155 = arith.addi %add3A_153, %add3A_154 : i32
        %mul3A_156 = arith.constant 80 : i32
        %mul3A_157 = arith.muli %add3A_155, %mul3A_156 : i32
        %add3A_158 = arith.addi %mul3A_2, %mul3A_157 : i32
        %dma_wait3A_159 = tpu.memref_slice %arg4[%add3A_158] : memref<102400xi32, #tpu.memory_space<hbm>> -> memref<80xi32, #tpu.memory_space<hbm>>
        %dma_wait3A_160 = tpu.memref_slice %arg4[%add3A_158] : memref<102400xi32, #tpu.memory_space<hbm>> -> memref<80xi32, #tpu.memory_space<hbm>>
        tpu.wait_dma2 semaphore(%arg23 : memref<!tpu.dma_semaphore, #tpu.memory_space<semaphore_mem>>) src(%dma_wait3A_160 : memref<80xi32, #tpu.memory_space<hbm>>) dst(%arg7 : memref<80xi32, #tpu.memory_space<vmem>>)
        %mul3A_161 = arith.constant 80 : i32
        %mul3A_162 = arith.muli %add3A_155, %mul3A_161 : i32
        %add3A_163 = arith.addi %mul3A_2, %mul3A_162 : i32
        %dma_wait3A_164 = tpu.memref_slice %arg5[%add3A_163] : memref<102400xi32, #tpu.memory_space<hbm>> -> memref<80xi32, #tpu.memory_space<hbm>>
        %dma_wait3A_165 = tpu.memref_slice %arg5[%add3A_163] : memref<102400xi32, #tpu.memory_space<hbm>> -> memref<80xi32, #tpu.memory_space<hbm>>
        tpu.wait_dma2 semaphore(%arg23 : memref<!tpu.dma_semaphore, #tpu.memory_space<semaphore_mem>>) src(%dma_wait3A_165 : memref<80xi32, #tpu.memory_space<hbm>>) dst(%arg9 : memref<80xi32, #tpu.memory_space<vmem>>)
        %dma_start3A_166 = arith.constant 0 : i32
        %dma_start3A_167 = arith.constant 0 : i32
        %dma_start3A_168 = tpu.memref_slice %arg2[%dma_start3A_166, %dma_start3A_167] : memref<10000x128xf32, #tpu.memory_space<hbm>> -> memref<10000x128xf32, #tpu.memory_space<hbm>>
        tpu.enqueue_indirect_dma source(%dma_start3A_168 : memref<10000x128xf32, #tpu.memory_space<hbm>>) target(%arg11 : memref<80x128xf32, #tpu.memory_space<vmem>>) offsets(%arg7 : memref<80xi32, #tpu.memory_space<vmem>>) semaphore(%arg17 : memref<!tpu.dma_semaphore, #tpu.memory_space<semaphore_mem>>)
        %dma_start3A_169 = arith.constant 0 : i32
        %dma_start3A_170 = arith.constant 0 : i32
        %dma_start3A_171 = tpu.memref_slice %arg3[%dma_start3A_169, %dma_start3A_170] : memref<10000x128xf32, #tpu.memory_space<hbm>> -> memref<10000x128xf32, #tpu.memory_space<hbm>>
        tpu.enqueue_indirect_dma source(%dma_start3A_171 : memref<10000x128xf32, #tpu.memory_space<hbm>>) target(%arg13 : memref<80x128xf32, #tpu.memory_space<vmem>>) offsets(%arg9 : memref<80xi32, #tpu.memory_space<vmem>>) semaphore(%arg19 : memref<!tpu.dma_semaphore, #tpu.memory_space<semaphore_mem>>)
      } else {
      }
      %dma_wait3A_107 = arith.constant 0 : i32
      %dma_wait3A_108 = arith.constant 0 : i32
      %dma_wait3A_109 = tpu.memref_slice %arg2[%dma_wait3A_107, %dma_wait3A_108] : memref<10000x128xf32, #tpu.memory_space<hbm>> -> memref<10000x128xf32, #tpu.memory_space<hbm>>
      tpu.wait_indirect_dma semaphore(%arg18 : memref<!tpu.dma_semaphore, #tpu.memory_space<semaphore_mem>>) src(%dma_wait3A_109 : memref<10000x128xf32, #tpu.memory_space<hbm>>) dst(%arg12 : memref<80x128xf32, #tpu.memory_space<vmem>>)
      %dma_wait3A_110 = arith.constant 0 : i32
      %dma_wait3A_111 = arith.constant 0 : i32
      %dma_wait3A_112 = tpu.memref_slice %arg3[%dma_wait3A_110, %dma_wait3A_111] : memref<10000x128xf32, #tpu.memory_space<hbm>> -> memref<10000x128xf32, #tpu.memory_space<hbm>>
      tpu.wait_indirect_dma semaphore(%arg20 : memref<!tpu.dma_semaphore, #tpu.memory_space<semaphore_mem>>) src(%dma_wait3A_112 : memref<10000x128xf32, #tpu.memory_space<hbm>>) dst(%arg14 : memref<80x128xf32, #tpu.memory_space<vmem>>)
      %add3A_113 = arith.constant 1 : i32
      %add3A_114 = arith.addi %add3A_65, %add3A_113 : i32
      %add3A_115 = arith.constant 2 : i32
      %add3A_116 = arith.addi %add3A_114, %add3A_115 : i32
      %lt3A_117 = arith.constant 40 : i32
      %lt3A_118 = arith.cmpi slt, %add3A_116, %lt3A_117 : i32
      %convert_element_type3A_119 = arith.extui %lt3A_118 : i1 to i32
      %cond3A_120 = arith.constant 0 : i32
      %cond3A_121 = arith.cmpi ne, %convert_element_type3A_119, %cond3A_120 : i32
      scf.if %cond3A_121 {
        %add3A_152 = arith.constant 1 : i32
        %add3A_153 = arith.addi %add3A_65, %add3A_152 : i32
        %add3A_154 = arith.constant 2 : i32
        %add3A_155 = arith.addi %add3A_153, %add3A_154 : i32
        %mul3A_156 = arith.constant 80 : i32
        %mul3A_157 = arith.muli %add3A_155, %mul3A_156 : i32
        %add3A_158 = arith.addi %mul3A_2, %mul3A_157 : i32
        %dma_start3A_159 = tpu.memref_slice %arg4[%add3A_158] : memref<102400xi32, #tpu.memory_space<hbm>> -> memref<80xi32, #tpu.memory_space<hbm>>
        %dma_start3A_160 = tpu.memref_slice %arg4[%add3A_158] : memref<102400xi32, #tpu.memory_space<hbm>> -> memref<80xi32, #tpu.memory_space<hbm>>
        tpu.enqueue_dma source(%dma_start3A_160 : memref<80xi32, #tpu.memory_space<hbm>>) target(%arg8 : memref<80xi32, #tpu.memory_space<vmem>>) target_semaphore(%arg24 : memref<!tpu.dma_semaphore, #tpu.memory_space<semaphore_mem>>)
        %mul3A_161 = arith.constant 80 : i32
        %mul3A_162 = arith.muli %add3A_155, %mul3A_161 : i32
        %add3A_163 = arith.addi %mul3A_2, %mul3A_162 : i32
        %dma_start3A_164 = tpu.memref_slice %arg5[%add3A_163] : memref<102400xi32, #tpu.memory_space<hbm>> -> memref<80xi32, #tpu.memory_space<hbm>>
        %dma_start3A_165 = tpu.memref_slice %arg5[%add3A_163] : memref<102400xi32, #tpu.memory_space<hbm>> -> memref<80xi32, #tpu.memory_space<hbm>>
        tpu.enqueue_dma source(%dma_start3A_165 : memref<80xi32, #tpu.memory_space<hbm>>) target(%arg10 : memref<80xi32, #tpu.memory_space<vmem>>) target_semaphore(%arg24 : memref<!tpu.dma_semaphore, #tpu.memory_space<semaphore_mem>>)
      } else {
      }
      %add3A_122 = arith.constant 1 : i32
      %add3A_123 = arith.addi %add3A_65, %add3A_122 : i32
      %ge3A_124 = arith.constant 2 : i32
      %ge3A_125 = arith.cmpi sge, %add3A_123, %ge3A_124 : i32
      %convert_element_type3A_126 = arith.extui %ge3A_125 : i1 to i32
      %cond3A_127 = arith.constant 0 : i32
      %cond3A_128 = arith.cmpi ne, %convert_element_type3A_126, %cond3A_127 : i32
      scf.if %cond3A_128 {
        %add3A_152 = arith.constant 1 : i32
        %add3A_153 = arith.addi %add3A_65, %add3A_152 : i32
        %sub3A = arith.constant 2 : i32
        %sub3A_154 = arith.subi %add3A_153, %sub3A : i32
        %mul3A_155 = arith.constant 80 : i32
        %mul3A_156 = arith.muli %sub3A_154, %mul3A_155 : i32
        %add3A_157 = arith.addi %mul3A_2, %mul3A_156 : i32
        %dma_wait3A_158 = arith.constant 0 : i32
        %dma_wait3A_159 = tpu.memref_slice %arg6[%add3A_157, %dma_wait3A_158] : memref<102400x16xf32, #tpu.memory_space<hbm>> -> memref<80x16xf32, #tpu.memory_space<hbm>>
        %dma_wait3A_160 = arith.constant 0 : i32
        %dma_wait3A_161 = tpu.memref_slice %arg6[%add3A_157, %dma_wait3A_160] : memref<102400x16xf32, #tpu.memory_space<hbm>> -> memref<80x16xf32, #tpu.memory_space<hbm>>
        tpu.wait_dma2 semaphore(%arg22 : memref<!tpu.dma_semaphore, #tpu.memory_space<semaphore_mem>>) src(%arg16 : memref<80x16xf32, #tpu.memory_space<vmem>>) dst(%dma_wait3A_161 : memref<80x16xf32, #tpu.memory_space<hbm>>)
      } else {
      }
      %scan3A_129 = arith.constant 0 : i32
      %scan3A_130 = arith.constant 80 : i32
      %scan3A_131 = arith.addi %scan3A_129, %scan3A_130 : i32
      %scan3A_132 = arith.constant 1 : i32
      scf.for %scan3A_152 = %scan3A_129 to %scan3A_131 step %scan3A_132  : i32 {
        %mul3A_153 = arith.constant 1 : i32
        %mul3A_154 = arith.muli %scan3A_152, %mul3A_153 : i32
        %add3A_155 = arith.constant 0 : i32
        %add3A_156 = arith.addi %add3A_155, %mul3A_154 : i32
        %get3A = arith.index_cast %add3A_156 : i32 to index
        %get3A_157 = arith.constant 0 : index
        %get3A_158 = tpu.vector_load %arg12[%get3A, %get3A_157] {strides = array<i32>} : memref<80x128xf32, #tpu.memory_space<vmem>>, vector<1x16xf32>,
        %get3A_159 = vector.shape_cast %get3A_158 : vector<1x16xf32> to vector<16xf32>
        %get3A_160 = arith.index_cast %add3A_156 : i32 to index
        %get3A_161 = arith.constant 0 : index
        %get3A_162 = tpu.vector_load %arg14[%get3A_160, %get3A_161] {strides = array<i32>} : memref<80x128xf32, #tpu.memory_space<vmem>>, vector<1x16xf32>,
        %get3A_163 = vector.shape_cast %get3A_162 : vector<1x16xf32> to vector<16xf32>
        %mul3A_164 = arith.mulf %get3A_159, %get3A_163 : vector<16xf32>
        %get3A_165 = arith.index_cast %add3A_156 : i32 to index
        %get3A_166 = arith.constant 16 : index
        %get3A_167 = tpu.vector_load %arg12[%get3A_165, %get3A_166] {strides = array<i32>} : memref<80x128xf32, #tpu.memory_space<vmem>>, vector<1x16xf32>,
        %get3A_168 = vector.shape_cast %get3A_167 : vector<1x16xf32> to vector<16xf32>
        %get3A_169 = arith.index_cast %add3A_156 : i32 to index
        %get3A_170 = arith.constant 16 : index
        %get3A_171 = tpu.vector_load %arg14[%get3A_169, %get3A_170] {strides = array<i32>} : memref<80x128xf32, #tpu.memory_space<vmem>>, vector<1x16xf32>,
        %get3A_172 = vector.shape_cast %get3A_171 : vector<1x16xf32> to vector<16xf32>
        %mul3A_173 = arith.mulf %get3A_168, %get3A_172 : vector<16xf32>
        %add3A_174 = arith.addf %mul3A_164, %mul3A_173 : vector<16xf32>
        %get3A_175 = arith.index_cast %add3A_156 : i32 to index
        %get3A_176 = arith.constant 32 : index
        %get3A_177 = tpu.vector_load %arg12[%get3A_175, %get3A_176] {strides = array<i32>} : memref<80x128xf32, #tpu.memory_space<vmem>>, vector<1x16xf32>,
        %get3A_178 = vector.shape_cast %get3A_177 : vector<1x16xf32> to vector<16xf32>
        %get3A_179 = arith.index_cast %add3A_156 : i32 to index
        %get3A_180 = arith.constant 32 : index
        %get3A_181 = tpu.vector_load %arg14[%get3A_179, %get3A_180] {strides = array<i32>} : memref<80x128xf32, #tpu.memory_space<vmem>>, vector<1x16xf32>,
        %get3A_182 = vector.shape_cast %get3A_181 : vector<1x16xf32> to vector<16xf32>
        %mul3A_183 = arith.mulf %get3A_178, %get3A_182 : vector<16xf32>
        %add3A_184 = arith.addf %add3A_174, %mul3A_183 : vector<16xf32>
        %get3A_185 = arith.index_cast %add3A_156 : i32 to index
        %get3A_186 = arith.constant 48 : index
        %get3A_187 = tpu.vector_load %arg12[%get3A_185, %get3A_186] {strides = array<i32>} : memref<80x128xf32, #tpu.memory_space<vmem>>, vector<1x16xf32>,
        %get3A_188 = vector.shape_cast %get3A_187 : vector<1x16xf32> to vector<16xf32>
        %get3A_189 = arith.index_cast %add3A_156 : i32 to index
        %get3A_190 = arith.constant 48 : index
        %get3A_191 = tpu.vector_load %arg14[%get3A_189, %get3A_190] {strides = array<i32>} : memref<80x128xf32, #tpu.memory_space<vmem>>, vector<1x16xf32>,
        %get3A_192 = vector.shape_cast %get3A_191 : vector<1x16xf32> to vector<16xf32>
        %mul3A_193 = arith.mulf %get3A_188, %get3A_192 : vector<16xf32>
        %add3A_194 = arith.addf %add3A_184, %mul3A_193 : vector<16xf32>
        %get3A_195 = arith.index_cast %add3A_156 : i32 to index
        %get3A_196 = arith.constant 64 : index
        %get3A_197 = tpu.vector_load %arg12[%get3A_195, %get3A_196] {strides = array<i32>} : memref<80x128xf32, #tpu.memory_space<vmem>>, vector<1x16xf32>,
        %get3A_198 = vector.shape_cast %get3A_197 : vector<1x16xf32> to vector<16xf32>
        %get3A_199 = arith.index_cast %add3A_156 : i32 to index
        %get3A_200 = arith.constant 64 : index
        %get3A_201 = tpu.vector_load %arg14[%get3A_199, %get3A_200] {strides = array<i32>} : memref<80x128xf32, #tpu.memory_space<vmem>>, vector<1x16xf32>,
        %get3A_202 = vector.shape_cast %get3A_201 : vector<1x16xf32> to vector<16xf32>
        %mul3A_203 = arith.mulf %get3A_198, %get3A_202 : vector<16xf32>
        %add3A_204 = arith.addf %add3A_194, %mul3A_203 : vector<16xf32>
        %get3A_205 = arith.index_cast %add3A_156 : i32 to index
        %get3A_206 = arith.constant 80 : index
        %get3A_207 = tpu.vector_load %arg12[%get3A_205, %get3A_206] {strides = array<i32>} : memref<80x128xf32, #tpu.memory_space<vmem>>, vector<1x16xf32>,
        %get3A_208 = vector.shape_cast %get3A_207 : vector<1x16xf32> to vector<16xf32>
        %get3A_209 = arith.index_cast %add3A_156 : i32 to index
        %get3A_210 = arith.constant 80 : index
        %get3A_211 = tpu.vector_load %arg14[%get3A_209, %get3A_210] {strides = array<i32>} : memref<80x128xf32, #tpu.memory_space<vmem>>, vector<1x16xf32>,
        %get3A_212 = vector.shape_cast %get3A_211 : vector<1x16xf32> to vector<16xf32>
        %mul3A_213 = arith.mulf %get3A_208, %get3A_212 : vector<16xf32>
        %add3A_214 = arith.addf %add3A_204, %mul3A_213 : vector<16xf32>
        %get3A_215 = arith.index_cast %add3A_156 : i32 to index
        %get3A_216 = arith.constant 96 : index
        %get3A_217 = tpu.vector_load %arg12[%get3A_215, %get3A_216] {strides = array<i32>} : memref<80x128xf32, #tpu.memory_space<vmem>>, vector<1x16xf32>,
        %get3A_218 = vector.shape_cast %get3A_217 : vector<1x16xf32> to vector<16xf32>
        %get3A_219 = arith.index_cast %add3A_156 : i32 to index
        %get3A_220 = arith.constant 96 : index
        %get3A_221 = tpu.vector_load %arg14[%get3A_219, %get3A_220] {strides = array<i32>} : memref<80x128xf32, #tpu.memory_space<vmem>>, vector<1x16xf32>,
        %get3A_222 = vector.shape_cast %get3A_221 : vector<1x16xf32> to vector<16xf32>
        %mul3A_223 = arith.mulf %get3A_218, %get3A_222 : vector<16xf32>
        %add3A_224 = arith.addf %add3A_214, %mul3A_223 : vector<16xf32>
        %get3A_225 = arith.index_cast %add3A_156 : i32 to index
        %get3A_226 = arith.constant 112 : index
        %get3A_227 = tpu.vector_load %arg12[%get3A_225, %get3A_226] {strides = array<i32>} : memref<80x128xf32, #tpu.memory_space<vmem>>, vector<1x16xf32>,
        %get3A_228 = vector.shape_cast %get3A_227 : vector<1x16xf32> to vector<16xf32>
        %get3A_229 = arith.index_cast %add3A_156 : i32 to index
        %get3A_230 = arith.constant 112 : index
        %get3A_231 = tpu.vector_load %arg14[%get3A_229, %get3A_230] {strides = array<i32>} : memref<80x128xf32, #tpu.memory_space<vmem>>, vector<1x16xf32>,
        %get3A_232 = vector.shape_cast %get3A_231 : vector<1x16xf32> to vector<16xf32>
        %mul3A_233 = arith.mulf %get3A_228, %get3A_232 : vector<16xf32>
        %add3A_234 = arith.addf %add3A_224, %mul3A_233 : vector<16xf32>
        %swap3A = arith.index_cast %add3A_156 : i32 to index
        %swap3A_235 = arith.constant 0 : index
        %swap3A_236 = tpu.vector_load %arg16[%swap3A, %swap3A_235] {strides = array<i32>} : memref<80x16xf32, #tpu.memory_space<vmem>>, vector<1x16xf32>,
        %swap3A_237 = vector.shape_cast %swap3A_236 : vector<1x16xf32> to vector<16xf32>
        %swap3A_238 = vector.shape_cast %add3A_234 : vector<16xf32> to vector<1x16xf32>
        tpu.vector_store %arg16[%swap3A, %swap3A_235], %swap3A_238 {strides = array<i32>} : memref<80x16xf32, #tpu.memory_space<vmem>>, vector<1x16xf32>,
      }
      %scan3A_133 = arith.constant 80 : i32
      %add3A_134 = arith.constant 1 : i32
      %add3A_135 = arith.addi %add3A_65, %add3A_134 : i32
      %mul3A_136 = arith.constant 80 : i32
      %mul3A_137 = arith.muli %add3A_135, %mul3A_136 : i32
      %add3A_138 = arith.addi %mul3A_2, %mul3A_137 : i32
      %dma_start3A_139 = arith.constant 0 : i32
      %dma_start3A_140 = tpu.memref_slice %arg6[%add3A_138, %dma_start3A_139] : memref<102400x16xf32, #tpu.memory_space<hbm>> -> memref<80x16xf32, #tpu.memory_space<hbm>>
      %dma_start3A_141 = arith.constant 0 : i32
      %dma_start3A_142 = tpu.memref_slice %arg6[%add3A_138, %dma_start3A_141] : memref<102400x16xf32, #tpu.memory_space<hbm>> -> memref<80x16xf32, #tpu.memory_space<hbm>>
      tpu.enqueue_dma source(%arg16 : memref<80x16xf32, #tpu.memory_space<vmem>>) target(%dma_start3A_142 : memref<80x16xf32, #tpu.memory_space<hbm>>) target_semaphore(%arg22 : memref<!tpu.dma_semaphore, #tpu.memory_space<semaphore_mem>>)
      %add3A_143 = arith.constant 1 : i32
      %add3A_144 = arith.addi %add3A_65, %add3A_143 : i32
      %add3A_145 = arith.constant 2 : i32
      %add3A_146 = arith.addi %add3A_144, %add3A_145 : i32
      %lt3A_147 = arith.constant 40 : i32
      %lt3A_148 = arith.cmpi slt, %add3A_146, %lt3A_147 : i32
      %convert_element_type3A_149 = arith.extui %lt3A_148 : i1 to i32
      %cond3A_150 = arith.constant 0 : i32
      %cond3A_151 = arith.cmpi ne, %convert_element_type3A_149, %cond3A_150 : i32
      scf.if %cond3A_151 {
        %add3A_152 = arith.constant 1 : i32
        %add3A_153 = arith.addi %add3A_65, %add3A_152 : i32
        %add3A_154 = arith.constant 2 : i32
        %add3A_155 = arith.addi %add3A_153, %add3A_154 : i32
        %mul3A_156 = arith.constant 80 : i32
        %mul3A_157 = arith.muli %add3A_155, %mul3A_156 : i32
        %add3A_158 = arith.addi %mul3A_2, %mul3A_157 : i32
        %dma_wait3A_159 = tpu.memref_slice %arg4[%add3A_158] : memref<102400xi32, #tpu.memory_space<hbm>> -> memref<80xi32, #tpu.memory_space<hbm>>
        %dma_wait3A_160 = tpu.memref_slice %arg4[%add3A_158] : memref<102400xi32, #tpu.memory_space<hbm>> -> memref<80xi32, #tpu.memory_space<hbm>>
        tpu.wait_dma2 semaphore(%arg24 : memref<!tpu.dma_semaphore, #tpu.memory_space<semaphore_mem>>) src(%dma_wait3A_160 : memref<80xi32, #tpu.memory_space<hbm>>) dst(%arg8 : memref<80xi32, #tpu.memory_space<vmem>>)
        %mul3A_161 = arith.constant 80 : i32
        %mul3A_162 = arith.muli %add3A_155, %mul3A_161 : i32
        %add3A_163 = arith.addi %mul3A_2, %mul3A_162 : i32
        %dma_wait3A_164 = tpu.memref_slice %arg5[%add3A_163] : memref<102400xi32, #tpu.memory_space<hbm>> -> memref<80xi32, #tpu.memory_space<hbm>>
        %dma_wait3A_165 = tpu.memref_slice %arg5[%add3A_163] : memref<102400xi32, #tpu.memory_space<hbm>> -> memref<80xi32, #tpu.memory_space<hbm>>
        tpu.wait_dma2 semaphore(%arg24 : memref<!tpu.dma_semaphore, #tpu.memory_space<semaphore_mem>>) src(%dma_wait3A_165 : memref<80xi32, #tpu.memory_space<hbm>>) dst(%arg10 : memref<80xi32, #tpu.memory_space<vmem>>)
        %dma_start3A_166 = arith.constant 0 : i32
        %dma_start3A_167 = arith.constant 0 : i32
        %dma_start3A_168 = tpu.memref_slice %arg2[%dma_start3A_166, %dma_start3A_167] : memref<10000x128xf32, #tpu.memory_space<hbm>> -> memref<10000x128xf32, #tpu.memory_space<hbm>>
        tpu.enqueue_indirect_dma source(%dma_start3A_168 : memref<10000x128xf32, #tpu.memory_space<hbm>>) target(%arg12 : memref<80x128xf32, #tpu.memory_space<vmem>>) offsets(%arg8 : memref<80xi32, #tpu.memory_space<vmem>>) semaphore(%arg18 : memref<!tpu.dma_semaphore, #tpu.memory_space<semaphore_mem>>)
        %dma_start3A_169 = arith.constant 0 : i32
        %dma_start3A_170 = arith.constant 0 : i32
        %dma_start3A_171 = tpu.memref_slice %arg3[%dma_start3A_169, %dma_start3A_170] : memref<10000x128xf32, #tpu.memory_space<hbm>> -> memref<10000x128xf32, #tpu.memory_space<hbm>>
        tpu.enqueue_indirect_dma source(%dma_start3A_171 : memref<10000x128xf32, #tpu.memory_space<hbm>>) target(%arg14 : memref<80x128xf32, #tpu.memory_space<vmem>>) offsets(%arg10 : memref<80xi32, #tpu.memory_space<vmem>>) semaphore(%arg20 : memref<!tpu.dma_semaphore, #tpu.memory_space<semaphore_mem>>)
      } else {
      }
    }
    %scan3A_48 = arith.constant 20 : i32
    %add3A_49 = arith.constant 3040 : i32
    %add3A_50 = arith.addi %mul3A_2, %add3A_49 : i32
    %dma_wait3A_51 = arith.constant 0 : i32
    %dma_wait3A_52 = tpu.memref_slice %arg6[%add3A_50, %dma_wait3A_51] : memref<102400x16xf32, #tpu.memory_space<hbm>> -> memref<80x16xf32, #tpu.memory_space<hbm>>
    %dma_wait3A_53 = arith.constant 0 : i32
    %dma_wait3A_54 = tpu.memref_slice %arg6[%add3A_50, %dma_wait3A_53] : memref<102400x16xf32, #tpu.memory_space<hbm>> -> memref<80x16xf32, #tpu.memory_space<hbm>>
    tpu.wait_dma2 semaphore(%arg21 : memref<!tpu.dma_semaphore, #tpu.memory_space<semaphore_mem>>) src(%arg15 : memref<80x16xf32, #tpu.memory_space<vmem>>) dst(%dma_wait3A_54 : memref<80x16xf32, #tpu.memory_space<hbm>>)
    %add3A_55 = arith.constant 3120 : i32
    %add3A_56 = arith.addi %mul3A_2, %add3A_55 : i32
    %dma_wait3A_57 = arith.constant 0 : i32
    %dma_wait3A_58 = tpu.memref_slice %arg6[%add3A_56, %dma_wait3A_57] : memref<102400x16xf32, #tpu.memory_space<hbm>> -> memref<80x16xf32, #tpu.memory_space<hbm>>
    %dma_wait3A_59 = arith.constant 0 : i32
    %dma_wait3A_60 = tpu.memref_slice %arg6[%add3A_56, %dma_wait3A_59] : memref<102400x16xf32, #tpu.memory_space<hbm>> -> memref<80x16xf32, #tpu.memory_space<hbm>>
    tpu.wait_dma2 semaphore(%arg22 : memref<!tpu.dma_semaphore, #tpu.memory_space<semaphore_mem>>) src(%arg16 : memref<80x16xf32, #tpu.memory_space<vmem>>) dst(%dma_wait3A_60 : memref<80x16xf32, #tpu.memory_space<hbm>>)
    return
  }
}

module attributes {stable_mosaic.version = 14 : i64} {
  func.func @_matmul_body(%arg0: memref<10000x128xf32, #tpu.memory_space<vmem>>, %arg1: memref<128x128xf32, #tpu.memory_space<vmem>>, %arg2: memref<10000x128xf32, #tpu.memory_space<vmem>>) attributes {dimension_semantics = [], scalar_prefetch = 0 : i64, scratch_operands = 0 : i64, tpu.core_type = #tpu.core_type<tc>} {
    %get3A = arith.constant 0 : index
    %get3A_0 = arith.constant 0 : index
    %get3A_1 = vector.load %arg0[%get3A, %get3A_0] : memref<10000x128xf32, #tpu.memory_space<vmem>>, vector<10000x128xf32>
    %get3A_2 = arith.constant 0 : index
    %get3A_3 = arith.constant 0 : index
    %get3A_4 = vector.load %arg1[%get3A_2, %get3A_3] : memref<128x128xf32, #tpu.memory_space<vmem>>, vector<128x128xf32>
    %dot_general3A = arith.constant dense<0.000000e+00> : vector<10000x128xf32>
    %dot_general3A_5 = tpu.matmul %get3A_1, %get3A_4, %dot_general3A {dimension_numbers = #tpu.dot_dimension_numbers<[1], [0], [0], [1], [0, 0, 1, 1], [], []>, transpose_lhs_hint = false} : vector<10000x128xf32>, vector<128x128xf32>, vector<10000x128xf32> -> vector<10000x128xf32>
    %swap3A = arith.constant 0 : index
    %swap3A_6 = arith.constant 0 : index
    %swap3A_7 = vector.load %arg2[%swap3A, %swap3A_6] : memref<10000x128xf32, #tpu.memory_space<vmem>>, vector<10000x128xf32>
    tpu.vector_store %arg2[%swap3A, %swap3A_6], %dot_general3A_5 {strides = array<i32>} : memref<10000x128xf32, #tpu.memory_space<vmem>>, vector<10000x128xf32>,
    return
  }
}

module attributes {stable_mosaic.version = 14 : i64} {
  func.func @_reduce_body(%arg0: i32, %arg1: memref<3200x16xf32, #tpu.memory_space<vmem>>, %arg2: memref<1x3200xf32, #tpu.memory_space<vmem>>) attributes {dimension_semantics = [#tpu.dimension_semantics<arbitrary>], iteration_bounds = array<i64: 48>, scalar_prefetch = 0 : i64, scratch_operands = 0 : i64, tpu.core_type = #tpu.core_type<tc>, window_params = [{transform_indices = @transform_0, window_bounds = array<i64: 3200, 16>}, {transform_indices = @transform_1, window_bounds = array<i64: 1, 3200>}]} {
    %get3A = arith.constant 0 : index
    %get3A_0 = arith.constant 0 : index
    %get3A_1 = vector.load %arg1[%get3A, %get3A_0] : memref<3200x16xf32, #tpu.memory_space<vmem>>, vector<3200x16xf32>
    %reduce_sum3A = arith.constant dense<0.000000e+00> : vector<3200xf32>
    %reduce_sum3A_2 = vector.multi_reduction <add>, %get3A_1, %reduce_sum3A [1] : vector<3200x16xf32> to vector<3200xf32>
    %broadcast_in_dim3A = vector.shape_cast %reduce_sum3A_2 : vector<3200xf32> to vector<1x3200xf32>
    %swap3A = arith.constant 0 : index
    %swap3A_3 = arith.constant 0 : index
    %swap3A_4 = vector.load %arg2[%swap3A, %swap3A_3] : memref<1x3200xf32, #tpu.memory_space<vmem>>, vector<1x3200xf32>
    tpu.vector_store %arg2[%swap3A, %swap3A_3], %broadcast_in_dim3A {strides = array<i32>} : memref<1x3200xf32, #tpu.memory_space<vmem>>, vector<1x3200xf32>,
    return
  }
  func.func @transform_0(%arg0: i32) -> (i32, i32) {
    %c0_i32 = arith.constant 0 : i32
    %c0_i32_0 = arith.constant 0 : i32
    return %arg0, %c0_i32 : i32, i32
  }
  func.func @transform_1(%arg0: i32) -> (i32, i32) {
    %c0_i32 = arith.constant 0 : i32
    %c0_i32_0 = arith.constant 0 : i32
    return %c0_i32, %arg0 : i32, i32
  }
}

module attributes {stable_mosaic.version = 14 : i64} {
  func.func @_reduce_body(%arg0: i32, %arg1: memref<3200x16xf32, #tpu.memory_space<vmem>>, %arg2: memref<1x3200xf32, #tpu.memory_space<vmem>>) attributes {dimension_semantics = [#tpu.dimension_semantics<arbitrary>], iteration_bounds = array<i64: 32>, scalar_prefetch = 0 : i64, scratch_operands = 0 : i64, tpu.core_type = #tpu.core_type<tc>, window_params = [{transform_indices = @transform_0, window_bounds = array<i64: 3200, 16>}, {transform_indices = @transform_1, window_bounds = array<i64: 1, 3200>}]} {
    %get3A = arith.constant 0 : index
    %get3A_0 = arith.constant 0 : index
    %get3A_1 = vector.load %arg1[%get3A, %get3A_0] : memref<3200x16xf32, #tpu.memory_space<vmem>>, vector<3200x16xf32>
    %reduce_sum3A = arith.constant dense<0.000000e+00> : vector<3200xf32>
    %reduce_sum3A_2 = vector.multi_reduction <add>, %get3A_1, %reduce_sum3A [1] : vector<3200x16xf32> to vector<3200xf32>
    %broadcast_in_dim3A = vector.shape_cast %reduce_sum3A_2 : vector<3200xf32> to vector<1x3200xf32>
    %swap3A = arith.constant 0 : index
    %swap3A_3 = arith.constant 0 : index
    %swap3A_4 = vector.load %arg2[%swap3A, %swap3A_3] : memref<1x3200xf32, #tpu.memory_space<vmem>>, vector<1x3200xf32>
    tpu.vector_store %arg2[%swap3A, %swap3A_3], %broadcast_in_dim3A {strides = array<i32>} : memref<1x3200xf32, #tpu.memory_space<vmem>>, vector<1x3200xf32>,
    return
  }
  func.func @transform_0(%arg0: i32) -> (i32, i32) {
    %c0_i32 = arith.constant 0 : i32
    %c0_i32_0 = arith.constant 0 : i32
    return %arg0, %c0_i32 : i32, i32
  }
  func.func @transform_1(%arg0: i32) -> (i32, i32) {
    %c0_i32 = arith.constant 0 : i32
    %c0_i32_0 = arith.constant 0 : i32
    return %c0_i32, %arg0 : i32, i32
  }
}

module attributes {stable_mosaic.version = 14 : i64} {
  func.func @_reduce_body(%arg0: i32, %arg1: memref<3200x16xf32, #tpu.memory_space<vmem>>, %arg2: memref<1x3200xf32, #tpu.memory_space<vmem>>) attributes {dimension_semantics = [#tpu.dimension_semantics<arbitrary>], iteration_bounds = array<i64: 20>, scalar_prefetch = 0 : i64, scratch_operands = 0 : i64, tpu.core_type = #tpu.core_type<tc>, window_params = [{transform_indices = @transform_0, window_bounds = array<i64: 3200, 16>}, {transform_indices = @transform_1, window_bounds = array<i64: 1, 3200>}]} {
    %get3A = arith.constant 0 : index
    %get3A_0 = arith.constant 0 : index
    %get3A_1 = vector.load %arg1[%get3A, %get3A_0] : memref<3200x16xf32, #tpu.memory_space<vmem>>, vector<3200x16xf32>
    %reduce_sum3A = arith.constant dense<0.000000e+00> : vector<3200xf32>
    %reduce_sum3A_2 = vector.multi_reduction <add>, %get3A_1, %reduce_sum3A [1] : vector<3200x16xf32> to vector<3200xf32>
    %broadcast_in_dim3A = vector.shape_cast %reduce_sum3A_2 : vector<3200xf32> to vector<1x3200xf32>
    %swap3A = arith.constant 0 : index
    %swap3A_3 = arith.constant 0 : index
    %swap3A_4 = vector.load %arg2[%swap3A, %swap3A_3] : memref<1x3200xf32, #tpu.memory_space<vmem>>, vector<1x3200xf32>
    tpu.vector_store %arg2[%swap3A, %swap3A_3], %broadcast_in_dim3A {strides = array<i32>} : memref<1x3200xf32, #tpu.memory_space<vmem>>, vector<1x3200xf32>,
    return
  }
  func.func @transform_0(%arg0: i32) -> (i32, i32) {
    %c0_i32 = arith.constant 0 : i32
    %c0_i32_0 = arith.constant 0 : i32
    return %arg0, %c0_i32 : i32, i32
  }
  func.func @transform_1(%arg0: i32) -> (i32, i32) {
    %c0_i32 = arith.constant 0 : i32
    %c0_i32_0 = arith.constant 0 : i32
    return %c0_i32, %arg0 : i32, i32
  }
}

</mosaic_0001>

<sc_bundles>
// kernel: kernel.12.cloned.1.call-start
scs
__scs_entry_jumppad:
0x0: {  	(pc) =	sbr.rel $0x88, $3  }
0x1: {  	(tag) =	ssettag $0x0;
	lr =	simm.s32 $0x1  }
0x2: {  	[smem:$0x3F9E] =	sst lr;
	_ =	strace $0xD0000000  }
0x3: {  	_ = 	snop  }
0x4: {  	_ = 	snop  }
0x5: {  	_ = 	snop  }
0x6: {  	_ = 	snop  }
0x7: {  	_ = 	snop  }
__scs_overlays_trampoline_lowered:
0x8: {  	[smem:$0x3FAD] =	sst s0  }
0x9: {  	[smem:$0x3FAE] =	sst s1  }
0xa: {  	[smem:$0x3FAF] =	sst s2  }
0xb: {  	[smem:$0x3FB0] =	sst s3  }
0xc: {  	[smem:$0x3FB1] =	sst s4  }
0xd: {  	[smem:$0x3FB2] =	sst s5  }
0xe: {  	[smem:$0x3FB3] =	sst s6  }
0xf: {  	[smem:$0x3FB4] =	sst s7  }
0x10: {  	[smem:$0x3FB5] =	sst s8  }
0x11: {  	[smem:$0x3FB6] =	sst s9;
	s0 =	simm.s32 @!p0 $0x0  }
0x12: {  	s1 =	sld [smem:$0x3F9C];
	s0 =	simm.s32 @p0 $0x1  }
0x13: {  	[smem:$0x3FB7] =	sst s0;
	s0 =	simm.s32 @!p1 $0x0  }
0x14: {  	s2 =	sld [smem:$0x3F9B];
	s0 =	simm.s32 @p1 $0x1  }
0x15: {  	[smem:$0x3FB8] =	sst s0;
	s0 =	simm.s32 @!p2 $0x0  }
0x16: {  	s3 =	sld [smem:$0x3FDB];
	s0 =	simm.s32 @p2 $0x1  }
0x17: {  	s4 =	simm.s32 $0x1BF5;
	[smem:$0x3FBA] =	sst s0  }
0x18: {  	s0 =	sld [smem:$0x3F9D];
	_ =	swait.ge [sflag:s4], $0x0  }
0x19: {  	s7 =	sld [smem:$0x3F9E]  }
0x1a: {  	s8 =	sadd.s32 $0xFFFFE003, lr  }
0x1b: {  	s9 =	sadd.s32 $0xFFFFFEF7, lr;
	s5 =	simm.s32 $0xFFFFFFFF;
	p2 =	slt.u32 s8, $0xFFFFF086  }
0x1c: {  	p1 =	slt.u32 s9, $0xF7A;
	s5 =	simm.s32 @!p2 $0x0  }
0x1d: {  	s5 =	simm.s32 @p1 $0x1;
	p0 =	seq.s32 s7, s2  }
0x1e: {  	s7 =	smul.u32 @!p0 $0xF7A, s2;
	p2 =	seq.s32 @!p0 s5, $0x0  }
0x1f: {  	s9 =	smul.u32 $0xF7A, s1;
	s8 =	simm.s32 @!p0 $0x1BF5;
	p2 =	por !p2, p0  }
0x20: {  	[sflag:s8] =	ssyncset.s32 @!p0 $0xFFFFF086;
	s6 =	sadd.s32 @!p0 s3, s7;
	s7 =	simm.s32 @!p0 $0x108  }
0x21: {  	s3 =	sadd.s32 s3, s9;
	s6 =	sadd.s32 @!p0 $0x88, s6;
	s7 =	simm.s32 @p2 $0x1082  }
0x22: {  	[simem:s7], [sflag:s8] =	dma.local @!p0 [hbm:s6], $0xF7A  }
0x23: {  	s9 =	sor.u32 $0xD0000000, s2;
	s6 =	simm.s32 $0x108;
	_ =	swait.ge @!p0 [sflag:s8], $0x0  }
0x24: {  	s3 =	sadd.s32 $0x88, s3;
	s6 =	simm.s32 @!p1 $0x1082;
	[sflag:s4] =	ssyncset.s32 $0xFFFFF086  }
0x25: {  	[simem:s6], [sflag:s4] =	dma.local [hbm:s3], $0xF7A  }
0x26: {  	[smem:$0x3F9E] =	sst s1;
	(tag) =	ssettag s2;
	_ =	strace s9  }
0x27: {  	s1 =	sld [smem:$0x3FAE]  }
0x28: {  	s2 =	sld [smem:$0x3FAF]  }
0x29: {  	s4 =	sld [smem:$0x3FB1]  }
0x2a: {  	p0 =	seq.s32 s5, $0x0;
	s5 =	sld [smem:$0x3FB2]  }
0x2b: {  	s6 =	sld [smem:$0x3FB3]  }
0x2c: {  	s7 =	sld [smem:$0x3FB4]  }
0x2d: {  	s3 =	simm.s32 $0x108;
	s8 =	sld [smem:$0x3FB5]  }
0x2e: {  	s3 =	simm.s32 @!p0 $0x1082;
	s9 =	sld [smem:$0x3FB6]  }
0x2f: {  	lr =	sadd.s32 s0, s3;
	s0 =	sld [smem:$0x3FAD]  }
0x30: {  	s3 =	sld [smem:$0x3FB0]  }
0x31: {  	[smem:$0x3FB9] =	sst s10  }
0x32: {  	s10 =	sld [smem:$0x3FB7];
	_ =	sdelay $0x3  }
0x33: {  	p0 =	seq.s32 s10, $0x1;
	s10 =	sld [smem:$0x3FB9];
	_ =	sdelay $0x3  }
0x34: {  	[smem:$0x3FB9] =	sst s10  }
0x35: {  	s10 =	sld [smem:$0x3FB8];
	_ =	sdelay $0x3  }
0x36: {  	p1 =	seq.s32 s10, $0x1;
	s10 =	sld [smem:$0x3FB9];
	_ =	sdelay $0x3  }
0x37: {  	[smem:$0x3FB9] =	sst s10  }
0x38: {  	s10 =	sld [smem:$0x3FBA]  }
0x39: {  	_ = 	snop;
	(pc) =	sbr.ind lr, $3  }
0x3a: {  	_ = 	snop  }
0x3b: {  	_ = 	snop  }
0x3c: {  	p2 =	seq.s32 s10, $0x1;
	s10 =	sld [smem:$0x3FB9]  }
0x3d: {  	_ =	shalt  }
0x3e: {  	_ =	shalt  }
0x3f: {  	_ =	shalt  }
0x40: {  	_ =	shalt  }
0x41: {  	_ =	shalt  }
0x42: {  	_ =	shalt  }
0x43: {  	_ =	shalt  }
0x44: {  	_ =	shalt  }
0x45: {  	_ =	shalt  }
0x46: {  	_ =	shalt  }
0x47: {  	_ =	shalt  }
0x48: {  	_ =	shalt  }
0x49: {  	_ =	shalt  }
0x4a: {  	_ =	shalt  }
0x4b: {  	_ =	shalt  }
0x4c: {  	_ =	shalt  }
0x4d: {  	_ =	shalt  }
0x4e: {  	_ =	shalt  }
0x4f: {  	_ =	shalt  }
0x50: {  	_ =	shalt  }
0x51: {  	_ =	shalt  }
0x52: {  	_ =	shalt  }
0x53: {  	_ =	shalt  }
0x54: {  	_ =	shalt  }
0x55: {  	_ =	shalt  }
0x56: {  	_ =	shalt  }
0x57: {  	_ =	shalt  }
0x58: {  	_ =	shalt  }
0x59: {  	_ =	shalt  }
0x5a: {  	_ =	shalt  }
0x5b: {  	_ =	shalt  }
0x5c: {  	_ =	shalt  }
0x5d: {  	_ =	shalt  }
0x5e: {  	_ =	shalt  }
0x5f: {  	_ =	shalt  }
0x60: {  	_ =	shalt  }
0x61: {  	_ =	shalt  }
0x62: {  	_ =	shalt  }
0x63: {  	_ =	shalt  }
0x64: {  	_ =	shalt  }
0x65: {  	_ =	shalt  }
0x66: {  	_ =	shalt  }
0x67: {  	_ =	shalt  }
0x68: {  	_ =	shalt  }
0x69: {  	_ =	shalt  }
0x6a: {  	_ =	shalt  }
0x6b: {  	_ =	shalt  }
0x6c: {  	_ =	shalt  }
0x6d: {  	_ =	shalt  }
0x6e: {  	_ =	shalt  }
0x6f: {  	_ =	shalt  }
0x70: {  	_ =	shalt  }
0x71: {  	_ =	shalt  }
0x72: {  	_ =	shalt  }
0x73: {  	_ =	shalt  }
0x74: {  	_ =	shalt  }
0x75: {  	_ =	shalt  }
0x76: {  	_ =	shalt  }
0x77: {  	_ =	shalt  }
0x78: {  	_ =	shalt  }
0x79: {  	_ =	shalt  }
0x7a: {  	_ =	shalt  }
0x7b: {  	_ =	shalt  }
0x7c: {  	_ =	shalt  }
0x7d: {  	_ =	shalt  }
0x7e: {  	_ =	shalt  }
0x7f: {  	_ =	shalt  }
0x80: {  	_ =	shalt  }
0x81: {  	_ =	shalt  }
0x82: {  	_ =	shalt  }
0x83: {  	_ =	shalt  }
0x84: {  	_ =	shalt  }
0x85: {  	_ =	shalt  }
0x86: {  	_ =	shalt  }
0x87: {  	_ =	shalt  }
.Lfunc_end0:
.L_simem_size_0:
called_computation.1_lowered:
.L_overlay_start_0:
0x88: {  	s2 =	sld [smem:$0x3FD9]  }
0x89: {  	s3 =	sld [smem:$0x3FFE];
	_ =	sdelay $0x1  }
0x8a: {  	s1 =	srdreg.scid  }
0x8b: {  	s0 =	sand.u32 $0x1, s1  }
0x8c: {  	s17 =	sshll.u32 s0, $0xA;
	s2 =	sadd.s32 s3, s2  }
0x8d: {  	s2 =	sadd.s32 s2, s17  }
0x8e: {  	[smem:$0x3FC5] =	sst s2  }
0x8f: {  	_ = 	snop  }
0x90: {  	s18 =	sld [smem:$0x3FC9];
	(tm) =	ssettm $0x1  }
0x91: {  	s19 =	sld [smem:$0x3FFB];
	_ =	sdelay $0x3  }
0x92: {  	_ =	strace s19  }
0x93: {  	s2 =	sld [smem:$0x3FFC];
	_ =	sdelay $0x3  }
0x94: {  	_ =	strace s2  }
0x95: {  	s2 =	sld [smem:$0x3FFD];
	_ =	sdelay $0x3  }
0x96: {  	_ =	strace s2  }
0x97: {  	_ =	strace $0x8FFFFFFF  }
0x98: {  	s20 =	sld [smem:$0x3FDB];
	_ =	sdelay $0x1  }
0x99: {  	s4 =	simm.s32 $_scs_section_size  }
0x9a: {  	s5 =	simm.s32 $_size__tile_overlayer_lowered;
	s6 =	simm.s32 $_tile_overlayer_lowered  }
0x9b: {  	s7 =	simm.s32 $0x1BFF;
	s21 =	sshll.u32 s6, $0x1;
	s4 =	sadd.s32 s4, s20  }
0x9c: {  	s22 =	simm.s32 $0x0;
	s5 =	sshll.u32 s5, $0x1;
	s6 =	sadd.s32 s21, s4  }
0x9d: {  	[timem:s22], [sflag:s7] =	dma.local [hbm:s6], s5  }
0x9e: {  	_ =	swait.ge [sflag:s7], s5  }
0x9f: {  	s5 =	ssub.s32 $0x0, s5;
	[sflag:s7] =	ssyncset.done $0x0  }
0xa0: {  	[sflag:s7] =	ssyncadd.s32 s5;
	_ =	sdelay $0x1  }
0xa1: {  	s23 =	simm.s32 $0x1B8B  }
0xa2: {  	_ =	swait.ge [sflag:s23], $0x1  }
0xa3: {  	[sflag:s23] =	ssyncset.done $0x0  }
0xa4: {  	[sflag:s23] =	ssyncadd.s32 $0xFFFFFFFF  }
0xa5: {  	s5 =	sld [smem:$0x0]  }
0xa6: {  	s6 =	sand.u32 $0xFFFFFFFE, s1  }
0xa7: {  	p0 =	sne.s32 s1, s6  }
0xa8: {  	s6 =	sshll.u32 @p0 s6, $0xE  }
0xa9: {  	s6 =	sadd.s32 @p0 $0x11B8D, s6;
	s7 =	sshll.u32 @p0 s5, $0x11  }
0xaa: {  	s6 =	sor.u32 @p0 s7, s6  }
0xab: {  	[sflag:s6] =	ssyncadd.remote.s32 @p0 $0x1;
	_ =	sdelay $0x1  }
0xac: {  	s6 =	simm.s32 @p0 $0x1B8D  }
0xad: {  	_ =	swait.eq @p0 [sflag:s6], $0x1  }
0xae: {  	[sflag:s6] =	ssyncadd.s32 @p0 $0xFFFFFFFF  }
0xaf: {  	s7 =	sshll.u32 @!p0 s1, $0xE  }
0xb0: {  	s7 =	sor.u32 @!p0 $0x4000, s7;
	s6 =	simm.s32 @!p0 $0x1B8D  }
0xb1: {  	s5 =	sshll.u32 @!p0 s5, $0x11;
	s7 =	sadd.s32 @!p0 $0x11B8D, s7;
	_ =	swait.eq @!p0 [sflag:s6], $0x1  }
0xb2: {  	s5 =	sor.u32 @!p0 s5, s7;
	[sflag:s6] =	ssyncadd.s32 @!p0 $0xFFFFFFFF  }
0xb3: {  	s25 =	simm.s32 $0x1B8E;
	s24 =	sld [smem:$0x3FFE];
	[sflag:s5] =	ssyncadd.remote.s32 @!p0 $0x1  }
0xb4: {  	s26 =	simm.s32 $execute0_lowered;
	[smem:$0x3FD2] =	sst s25  }
0xb5: {  	s6 =	sshll.u32 s26, $0x1;
	_ =	strace $0x80000049;
	[dreg:$0x1] =	wrdreg $0xFFFFFFFF  }
0xb6: {  	s28 =	simm.s32 $_size_execute0_lowered;
	s4 =	sadd.s32 s4, s6;
	[dreg:$0x0] =	wrdreg $0x0  }
0xb7: {  	s6 =	sshll.u32 s28, $0x1;
	[dreg:$0x2] =	wrdreg s4  }
0xb8: {  	[dreg:$0x3] =	wrdreg s6  }
0xb9: {  	[dreg:$0x4] =	wrdreg $0xC0  }
0xba: {  	_ =	task [dreg:s22], $0x5FFFF  }
0xbb: {  	[dreg:$0x1] =	wrdreg $0xFFFFFFFF  }
0xbc: {  	[dreg:$0x0] =	wrdreg $0x60  }
0xbd: {  	[dreg:$0x2] =	wrdreg s24  }
0xbe: {  	[dreg:$0x3] =	wrdreg s18  }
0xbf: {  	[dreg:$0x4] =	wrdreg $0xA  }
0xc0: {  	_ =	task.clear_ibuf [dreg:s22], $0x5FFFF;
	_ =	strace $0x90000049  }
0xc1: {  	s29 =	simm.s32 $0xA;
	_ =	strace $0x8000004B  }
0xc2: {  	_ =	swait.ge [sflag:s29], $0x1  }
0xc3: {  	[sflag:s29] =	ssyncadd.s32 $0xFFFFFFFF  }
0xc4: {  	_ =	strace $0x9000004B  }
0xc5: {  	_ =	sfence  }
0xc6: {  	s30 =	sld [smem:$0x0];
	_ =	sdelay $0x2  }
0xc7: {  	s31 =	sshll.u32 s1, $0xD;
	s1 =	sshrl.u32 s1, $0x2  }
0xc8: {  	s4 =	sand.u32 $0x4000, s31;
	s1 =	sadd.s32 s1, s30  }
0xc9: {  	s0 =	sor.u32 s4, s0;
	s1 =	sshll.u32 s1, $0x11  }
0xca: {  	s0 =	sor.u32 s1, s0  }
0xcb: {  	s0 =	sadd.s32 $0x8F2B, s0  }
0xcc: {  	[sflag:s0] =	ssyncadd.remote.s32 $0x1  }
0xcd: {  	_ =	sfence.sel $0xFFFF  }
0xce: {  	[dreg:$0x0] =	wrdreg $0xFFFFFFFF;
	(pc) =	sbr.abs _section_cstart, $3  }
0xcf: {  	[dreg:$0x1] =	wrdreg $0xFFFFFFFF  }
0xd0: {  	_ =	task.clear_ibuf [dreg:s22], $0x2FFFF;
	_ =	strace $0x9FFFFFFF  }
0xd1: {  	(tm) =	ssettm $0x7FFFFFFF  }
tec
execute0_lowered:
.L_overlay_start_1:
0x0: {  	(tag) =	ssettag $0x1  }
0x1: {  	s0 =	rddreg [dreg:$0x0]  }
0x2: {  	s2 =	rddreg [dreg:$0x1]  }
0x3: {  	s1 =	srdreg.scid;
	s4 =	stileid.u32;
	s3 =	simm.s32 $0x0  }
0x4: {  	s18 =	simm.s32 $0x7;
	s19 =	simm.s32 $0x50;
	s22 =	simm.s32 $0x80  }
0x5: {  	s28 =	simm.s32 $0x1;
	s29 =	simm.s32 $0x3;
	s30 =	simm.s32 $0xA200  }
0x6: {  	s31 =	simm.s32 $0xCA00;
	s20 =	simm.s32 $0x0;
	s1 =	sand.u32 $0x1, s1  }
0x7: {  	s4 =	sshll.u32 s4, $0x1;
	[smem:$0x7FF] =	sst s3;
	s6 =	sadd.s32 $0x288000, s0  }
0x8: {  	s7 =	sadd.s32 $0x284E00, s0;
	s5 =	sor.u32 s1, s4;
	s1 =	ssub.s32 $0x2, s1  }
0x9: {  	s8 =	sadd.s32 $0x28B200, s0;
	s5 =	smul.u32 $0xC80, s5;
	s23 =	sshrl.u32 s1, $0x1  }
0xa: {  	_ =	strace $0x8000004A;
	s4 =	sadd.s32 $0x5C00, s0;
	s0 =	ssub.s32 s1, s23  }
0xb: {  	s23 =	simm.s32 $0x180;
	s9 =	sshrl.u32 s5, $0x3;
	s13 =	sadd.s32 $0xA0, s5  }
0xc: {  	s14 =	sadd.s32 $0xF0, s5;
	s15 =	sor.u32 $0x50, s5;
	s16 =	smax.u32 s0, $0x1  }
.Ltmp0:
0xd: {  	s0 =	simm.s32 $0x5;
	s24 =	sadd.s32 s6, s9;
	(pc) =	sbr.rel .LBB2_1-.Ltmp0, $4  }
0xe: {  	s25 =	sor.u32 $0xA, s9;
	s9 =	sadd.s32 s7, s9;
	[dreg:$0x3] =	wrdreg s24  }
0xf: {  	[dreg:$0x4] =	wrdreg s9;
	s26 =	sadd.s32 s6, s25;
	s1 =	sadd.s32 s7, s25  }
0x10: {  	s24 =	simm.s32 $0x8;
	s25 =	simm.s32 $0x2A00;
	[dreg:$0x5] =	wrdreg s26  }
0x11: {  	[dreg:$0x6] =	wrdreg s1;
	s26 =	simm.s32 $0x7A00;
	s1 =	simm.s32 $0x6  }
.LBB2_11:
0x12: {  	s20 =	sadd.s32 $0x1, s20  }
0x13: {  	_ =	swait.ge [sflag:s0], $0x2800;
	p0 =	sne.s32 s20, s16  }
.Ltmp1:
0x14: {  	[sflag:s0] =	ssyncset.done $0x0;
	(pc) =	sbr.rel @!p0 .LBB2_12-.Ltmp1, $4  }
0x15: {  	[sflag:s0] =	ssyncadd.s32 $0xFFFFD800  }
0x16: {  	_ =	swait.ge [sflag:s1], $0x2800  }
0x17: {  	[sflag:s1] =	ssyncset.done $0x0  }
0x18: {  	[sflag:s1] =	ssyncadd.s32 $0xFFFFD800  }
.LBB2_1:
0x19: {  	s9 =	rddreg [dreg:$0x3]  }
0x1a: {  	[tilespmem:s3], [sflag:$0x7] =	stream.linear.gather [hbm4b:s9+s3], $0x50, $0x38;
	[tilespmem:$0xF200] =	vst v63  }
0x1b: {  	s21 =	rddreg [dreg:$0x4];
	s10 =	simm.s32 $0x100  }
0x1c: {  	[tilespmem:s10], [sflag:$0x7] =	stream.linear.gather [hbm4b:s21+s3], $0x50, $0x38;
	[tilespmem:$0xF200] =	vst v63  }
0x1d: {  	_ =	swait.ge [sflag:s18], $0x50  }
0x1e: {  	[sflag:s18] =	ssyncset.done $0x0  }
0x1f: {  	[sflag:s18] =	ssyncadd.s32 $0xFFFFFFB0  }
0x20: {  	_ =	swait.ge [sflag:s18], $0x50  }
0x21: {  	[sflag:s18] =	ssyncset.done $0x0  }
0x22: {  	s11 =	simm.s32 $0x200;
	[sflag:s18] =	ssyncadd.s32 $0xFFFFFFB0  }
0x23: {  	[tilespmem:s11], [sflag:$0x1] =	stream.indirect.gather [hbm4b:s4+s19], $0x80, s3, s19, $0xb8;
	[tilespmem:$0xF200] =	vst v63  }
0x24: {  	s12 =	simm.s32 $0x5200  }
0x25: {  	[tilespmem:s12], [sflag:$0x3] =	stream.indirect.gather [hbm4b:s2+s19], $0x80, s10, s19, $0xb8;
	[tilespmem:$0xF200] =	vst v63  }
0x26: {  	s17 =	rddreg [dreg:$0x5]  }
0x27: {  	[tilespmem:s22], [sflag:$0x8] =	stream.linear.gather [hbm4b:s17+s3], $0x50, $0x38;
	[tilespmem:$0xF200] =	vst v63  }
0x28: {  	s21 =	rddreg [dreg:$0x6]  }
0x29: {  	[tilespmem:s23], [sflag:$0x8] =	stream.linear.gather [hbm4b:s21+s3], $0x50, $0x38;
	[tilespmem:$0xF200] =	vst v63  }
0x2a: {  	_ =	swait.ge [sflag:s24], $0x50  }
0x2b: {  	[sflag:s24] =	ssyncset.done $0x0  }
0x2c: {  	[sflag:s24] =	ssyncadd.s32 $0xFFFFFFB0  }
0x2d: {  	_ =	swait.ge [sflag:s24], $0x50  }
0x2e: {  	[sflag:s24] =	ssyncset.done $0x0  }
0x2f: {  	[sflag:s24] =	ssyncadd.s32 $0xFFFFFFB0  }
0x30: {  	[tilespmem:s25], [sflag:$0x2] =	stream.indirect.gather [hbm4b:s4+s19], $0x80, s22, s19, $0xb8;
	[tilespmem:$0xF200] =	vst v63  }
0x31: {  	s21 =	simm.s32 $0x0  }
0x32: {  	[tilespmem:s26], [sflag:$0x4] =	stream.indirect.gather [hbm4b:s2+s19], $0x80, s23, s19, $0xb8;
	[tilespmem:$0xF200] =	vst v63  }
.LBB2_2:
0x33: {  	_ =	swait.ge [sflag:s28], $0x2800;
	p0 =	seq.s32 s21, $0x13  }
0x34: {  	[sflag:s28] =	ssyncset.done $0x0;
	s9 =	smul.u32 @!p0 $0xA0, s21  }
0x35: {  	p1 =	seq.s32 @!p0 s21, $0x0;
	[sflag:s28] =	ssyncadd.s32 $0xFFFFD800  }
0x36: {  	p1 =	por p0, !p1;
	_ =	swait.ge [sflag:s29], $0x2800;
	s9 =	sadd.s32 @!p0 s9, s13  }
.Ltmp2:
0x37: {  	[sflag:s29] =	ssyncset.done $0x0;
	s9 =	sshrl.u32 @!p0 s9, $0x3;
	(pc) =	sbr.rel @!p1 .LBB2_3-.Ltmp2, $4  }
0x38: {  	s11 =	simm.s32 @!p0 $0x0;
	[sflag:s29] =	ssyncadd.s32 $0xFFFFD800;
	s10 =	sadd.s32 @!p0 s6, s9  }
0x39: {  	[tilespmem:s11], [sflag:$0x7] =	stream.linear.gather @!p0 [hbm4b:s10+s11], $0x50, $0x38;
	[tilespmem:$0xF200] =	vst v63  }
0x3a: {  	s9 =	sadd.s32 @!p0 s7, s9;
	s10 =	simm.s32 @!p0 $0x100  }
0x3b: {  	[tilespmem:s10], [sflag:$0x7] =	stream.linear.gather @!p0 [hbm4b:s9+s11], $0x50, $0x38;
	[tilespmem:$0xF200] =	vst v63  }
.Ltmp3:
0x3c: {  	(pc) =	sbr.rel .LBB2_5-.Ltmp3, $4  }
0x3d: {  	_ = 	snop  }
0x3e: {  	_ =	swait.ge [sflag:s0], $0x2800  }
0x3f: {  	[sflag:s0] =	ssyncset.done $0x0  }
0x40: {  	p1 =	por $0x0, $0x0;
	[sflag:s0] =	ssyncadd.s32 $0xFFFFD800  }
.LBB2_3:
0x41: {  	p1 =	por @!p0 $0x1, $0x1  }
.LBB2_5:
0x42: {  	s9 =	simm.s32 $0x0  }
0x43: {  	v0 =	vld [tilespmem:s9+$0x200]  }
0x44: {  	v1 =	vld [tilespmem:s9+$0x5200]  }
0x45: {  	v2 =	vld [tilespmem:s9+$0x210]  }
0x46: {  	v3 =	vld [tilespmem:s9+$0x5210]  }
0x47: {  	v4 =	vld [tilespmem:s9+$0x220]  }
0x48: {  	v5 =	vld [tilespmem:s9+$0x5220]  }
0x49: {  	v6 =	vld [tilespmem:s9+$0x230]  }
0x4a: {  	v7 =	vld [tilespmem:s9+$0x5230]  }
0x4b: {  	v0 =	vmul.f32 v1, v0;
	v1 =	vmul.f32 v3, v2;
	v2 =	vld [tilespmem:s9+$0x240]  }
0x4c: {  	v3 =	vld [tilespmem:s9+$0x5240]  }
0x4d: {  	v8 =	vld [tilespmem:s9+$0x5250];
	v0 =	vadd.f32 v1, v0;
	v1 =	vmul.f32 v5, v4  }
0x4e: {  	v5 =	vld [tilespmem:s9+$0x250]  }
0x4f: {  	v0 =	vadd.f32 v1, v0;
	v1 =	vmul.f32 v7, v6;
	v6 =	vld [tilespmem:s9+$0x260]  }
0x50: {  	v7 =	vld [tilespmem:s9+$0x5260]  }
0x51: {  	v4 =	vld [tilespmem:s9+$0x5270];
	v2 =	vmul.f32 v3, v2;
	v9 =	vadd.f32 v1, v0  }
0x52: {  	s10 =	simm.s32 $0x80;
	v1 =	vld [tilespmem:s9+$0x270]  }
0x53: {  	v3 =	vld [tilespmem:s10+$0x210];
	v5 =	vmul.f32 v8, v5;
	v9 =	vadd.f32 v2, v9  }
0x54: {  	v0 =	vld [tilespmem:s10+$0x200]  }
0x55: {  	s17 =	simm.s32 $0x400;
	v2 =	vld [tilespmem:s10+$0x5200];
	v6 =	vmul.f32 v7, v6;
	v5 =	vadd.f32 v5, v9  }
.LBB2_6:
0x56: {  	p2 =	sne.s32 s17, $0x9E00;
	v7 =	vld [tilespmem:s10+$0x5210]  }
0x57: {  	v8 =	vld [tilespmem:s10+$0x220];
	v5 =	vadd.f32 v6, v5;
	v1 =	vmul.f32 v4, v1  }
0x58: {  	v4 =	vld [tilespmem:s10+$0x5220]  }
0x59: {  	v6 =	vld [tilespmem:s10+$0x230];
	v1 =	vadd.f32 v1, v5  }
0x5a: {  	v5 =	vld [tilespmem:s10+$0x5230]  }
0x5b: {  	v0 =	vmul.f32 v2, v0;
	v2 =	vmul.f32 v7, v3;
	v3 =	vld [tilespmem:s10+$0x240];
	[tilespmem:s9+$0xA200] =	vst v1;
	s9 =	smov.u32 s10  }
0x5c: {  	v1 =	vld [tilespmem:s9+$0x5240]  }
0x5d: {  	v0 =	vadd.f32 v2, v0;
	v2 =	vmul.f32 v4, v8;
	v7 =	vld [tilespmem:s9+$0x250]  }
0x5e: {  	v8 =	vld [tilespmem:s9+$0x5250]  }
0x5f: {  	v0 =	vadd.f32 v2, v0;
	v2 =	vmul.f32 v5, v6;
	v6 =	vld [tilespmem:s9+$0x260]  }
0x60: {  	v9 =	vld [tilespmem:s9+$0x5260]  }
.Ltmp4:
0x61: {  	v2 =	vadd.f32 v2, v0;
	v3 =	vmul.f32 v1, v3;
	v1 =	vld [tilespmem:s9+$0x270];
	(pc) =	sbr.rel @p2 .LBB2_6-.Ltmp4, $4  }
0x62: {  	s10 =	sshra.s32 s17, $0x2;
	v4 =	vld [tilespmem:s9+$0x5270]  }
0x63: {  	v0 =	vld [tilespmem:s10+$0x200];
	v5 =	vadd.f32 v3, v2;
	v7 =	vmul.f32 v8, v7  }
0x64: {  	v2 =	vld [tilespmem:s10+$0x5200]  }
0x65: {  	s17 =	sadd.s32 $0x200, s17;
	v3 =	vld [tilespmem:s10+$0x210];
	v5 =	vadd.f32 v7, v5;
	v6 =	vmul.f32 v9, v6  }
0x66: {  	v7 =	vld [tilespmem:s10+$0x5210]  }
0x67: {  	v8 =	vld [tilespmem:s10+$0x220];
	v5 =	vadd.f32 v6, v5;
	v1 =	vmul.f32 v4, v1  }
0x68: {  	v4 =	vld [tilespmem:s10+$0x5220]  }
0x69: {  	v6 =	vld [tilespmem:s10+$0x230];
	v1 =	vadd.f32 v1, v5  }
0x6a: {  	v5 =	vld [tilespmem:s10+$0x5230]  }
0x6b: {  	v9 =	vld [tilespmem:s10+$0x240];
	v0 =	vmul.f32 v2, v0;
	v2 =	vmul.f32 v7, v3;
	[tilespmem:s9+$0xA200] =	vst v1  }
0x6c: {  	v1 =	vld [tilespmem:s10+$0x5240]  }
0x6d: {  	v3 =	vld [tilespmem:s10+$0x250];
	v0 =	vadd.f32 v2, v0;
	v2 =	vmul.f32 v4, v8  }
0x6e: {  	v4 =	vld [tilespmem:s10+$0x5250]  }
0x6f: {  	v0 =	vadd.f32 v2, v0;
	v2 =	vmul.f32 v5, v6;
	v5 =	vld [tilespmem:s10+$0x260]  }
0x70: {  	v6 =	vld [tilespmem:s10+$0x5260]  }
0x71: {  	v7 =	vld [tilespmem:s10+$0x5270];
	v0 =	vadd.f32 v2, v0;
	v1 =	vmul.f32 v1, v9  }
0x72: {  	v2 =	vld [tilespmem:s10+$0x270]  }
0x73: {  	v0 =	vadd.f32 v1, v0;
	v1 =	vmul.f32 v4, v3;
	_ =	sdelay $0x1  }
0x74: {  	v0 =	vadd.f32 v1, v0;
	v1 =	vmul.f32 v6, v5;
	_ =	sdelay $0x1  }
0x75: {  	s9 =	smul.u32 $0xA0, s21;
	v0 =	vadd.f32 v1, v0;
	v1 =	vmul.f32 v7, v2;
	_ =	sdelay $0x1  }
0x76: {  	s11 =	sadd.s32 s5, s9;
	v0 =	vadd.f32 v1, v0  }
0x77: {  	s11 =	sshll.u32 s11, $0x4  }
0x78: {  	s17 =	sadd.s32 s8, s11;
	[tilespmem:s10+$0xA200] =	vst v0;
	s10 =	simm.s32 @p0 $0x2  }
0x79: {  	[hbm4b:s17+s3] =	stream.linear.scatter [tilespmem:s30], [sflag:$0x5], $0x2800, $0x38;
	[tilespmem:$0xF200] =	vst v63  }
0x7a: {  	_ =	swait.ge @p0 [sflag:s10], $0x2800  }
0x7b: {  	[sflag:s10] =	ssyncset.done @p0 $0x0  }
0x7c: {  	[sflag:s10] =	ssyncadd.s32 @p0 $0xFFFFD800;
	s10 =	simm.s32 @p0 $0x4  }
0x7d: {  	_ =	swait.ge @p0 [sflag:s10], $0x2800  }
0x7e: {  	[sflag:s10] =	ssyncset.done @p0 $0x0  }
0x7f: {  	[sflag:s10] =	ssyncadd.s32 @p0 $0xFFFFD800;
	s10 =	simm.s32 @!p0 $0x7  }
0x80: {  	_ =	swait.ge @!p0 [sflag:s10], $0x50  }
0x81: {  	[sflag:s10] =	ssyncset.done @!p0 $0x0  }
0x82: {  	[sflag:s10] =	ssyncadd.s32 @!p0 $0xFFFFFFB0  }
0x83: {  	_ =	swait.ge @!p0 [sflag:s10], $0x50  }
0x84: {  	s11 =	simm.s32 @!p0 $0x0;
	[sflag:s10] =	ssyncset.done @!p0 $0x0  }
0x85: {  	s17 =	simm.s32 @!p0 $0x200;
	[sflag:s10] =	ssyncadd.s32 @!p0 $0xFFFFFFB0;
	s10 =	simm.s32 @!p0 $0x50  }
0x86: {  	[tilespmem:s17], [sflag:$0x1] =	stream.indirect.gather @!p0 [hbm4b:s4+s10], $0x80, s11, s10, $0xb8;
	[tilespmem:$0xF200] =	vst v63  }
0x87: {  	s12 =	simm.s32 @!p0 $0x5200;
	s17 =	simm.s32 @!p0 $0x100  }
0x88: {  	[tilespmem:s12], [sflag:$0x3] =	stream.indirect.gather @!p0 [hbm4b:s2+s10], $0x80, s17, s10, $0xb8;
	[tilespmem:$0xF200] =	vst v63  }
0x89: {  	s10 =	simm.s32 @!p0 $0x2  }
0x8a: {  	_ =	swait.ge @!p0 [sflag:s10], $0x2800  }
0x8b: {  	[sflag:s10] =	ssyncset.done @!p0 $0x0  }
0x8c: {  	[sflag:s10] =	ssyncadd.s32 @!p0 $0xFFFFD800;
	s10 =	simm.s32 @!p0 $0x4  }
0x8d: {  	s12 =	sadd.s32 @!p0 s9, s14;
	_ =	swait.ge @!p0 [sflag:s10], $0x2800  }
0x8e: {  	s12 =	sshrl.u32 @!p0 s12, $0x3;
	[sflag:s10] =	ssyncset.done @!p0 $0x0  }
0x8f: {  	s17 =	simm.s32 @!p0 $0x80;
	[sflag:s10] =	ssyncadd.s32 @!p0 $0xFFFFD800;
	s10 =	sadd.s32 @!p0 s6, s12  }
0x90: {  	[tilespmem:s17], [sflag:$0x8] =	stream.linear.gather @!p0 [hbm4b:s10+s11], $0x50, $0x38;
	[tilespmem:$0xF200] =	vst v63  }
0x91: {  	s10 =	sadd.s32 @!p0 s7, s12;
	s12 =	simm.s32 @!p0 $0x180  }
0x92: {  	[tilespmem:s12], [sflag:$0x8] =	stream.linear.gather @!p0 [hbm4b:s10+s11], $0x50, $0x38;
	[tilespmem:$0xF200] =	vst v63  }
0x93: {  	s10 =	simm.s32 @!p1 $0x6  }
0x94: {  	_ =	swait.ge @!p1 [sflag:s10], $0x2800  }
0x95: {  	[sflag:s10] =	ssyncset.done @!p1 $0x0  }
0x96: {  	[sflag:s10] =	ssyncadd.s32 @!p1 $0xFFFFD800;
	s10 =	simm.s32 $0x0  }
0x97: {  	v0 =	vld [tilespmem:s10+$0x2A00]  }
0x98: {  	v1 =	vld [tilespmem:s10+$0x7A00]  }
0x99: {  	v2 =	vld [tilespmem:s10+$0x2A10]  }
0x9a: {  	v3 =	vld [tilespmem:s10+$0x7A10]  }
0x9b: {  	v4 =	vld [tilespmem:s10+$0x2A20]  }
0x9c: {  	v5 =	vld [tilespmem:s10+$0x7A20]  }
0x9d: {  	v6 =	vld [tilespmem:s10+$0x2A30]  }
0x9e: {  	v7 =	vld [tilespmem:s10+$0x7A30]  }
0x9f: {  	v0 =	vmul.f32 v1, v0;
	v1 =	vmul.f32 v3, v2;
	v2 =	vld [tilespmem:s10+$0x2A40]  }
0xa0: {  	v3 =	vld [tilespmem:s10+$0x7A40]  }
0xa1: {  	v8 =	vld [tilespmem:s10+$0x7A50];
	v0 =	vadd.f32 v1, v0;
	v1 =	vmul.f32 v5, v4  }
0xa2: {  	v5 =	vld [tilespmem:s10+$0x2A50]  }
0xa3: {  	v0 =	vadd.f32 v1, v0;
	v1 =	vmul.f32 v7, v6;
	v6 =	vld [tilespmem:s10+$0x2A60]  }
0xa4: {  	v7 =	vld [tilespmem:s10+$0x7A60]  }
0xa5: {  	v4 =	vld [tilespmem:s10+$0x7A70];
	v2 =	vmul.f32 v3, v2;
	v63 =	vadd.f32 v1, v0  }
0xa6: {  	s17 =	simm.s32 $0x80;
	v1 =	vld [tilespmem:s10+$0x2A70]  }
0xa7: {  	v3 =	vld [tilespmem:s17+$0x2A10];
	v5 =	vmul.f32 v8, v5;
	v9 =	vadd.f32 v2, v63  }
0xa8: {  	v0 =	vld [tilespmem:s17+$0x2A00]  }
0xa9: {  	s11 =	simm.s32 $0x400;
	v2 =	vld [tilespmem:s17+$0x7A00];
	v6 =	vmul.f32 v7, v6;
	v5 =	vadd.f32 v5, v9  }
.LBB2_8:
0xaa: {  	p1 =	sne.s32 s11, $0x9E00;
	v7 =	vld [tilespmem:s17+$0x7A10]  }
0xab: {  	v8 =	vld [tilespmem:s17+$0x2A20];
	v5 =	vadd.f32 v6, v5;
	v1 =	vmul.f32 v4, v1  }
0xac: {  	v4 =	vld [tilespmem:s17+$0x7A20]  }
0xad: {  	v6 =	vld [tilespmem:s17+$0x2A30];
	v1 =	vadd.f32 v1, v5  }
0xae: {  	v5 =	vld [tilespmem:s17+$0x7A30]  }
0xaf: {  	v0 =	vmul.f32 v2, v0;
	v2 =	vmul.f32 v7, v3;
	v3 =	vld [tilespmem:s17+$0x2A40];
	[tilespmem:s10+$0xCA00] =	vst v1;
	s10 =	smov.u32 s17  }
0xb0: {  	v1 =	vld [tilespmem:s10+$0x7A40]  }
0xb1: {  	v0 =	vadd.f32 v2, v0;
	v2 =	vmul.f32 v4, v8;
	v7 =	vld [tilespmem:s10+$0x2A50]  }
0xb2: {  	v8 =	vld [tilespmem:s10+$0x7A50]  }
0xb3: {  	v0 =	vadd.f32 v2, v0;
	v2 =	vmul.f32 v5, v6;
	v6 =	vld [tilespmem:s10+$0x2A60]  }
0xb4: {  	v9 =	vld [tilespmem:s10+$0x7A60]  }
.Ltmp5:
0xb5: {  	v2 =	vadd.f32 v2, v0;
	v3 =	vmul.f32 v1, v3;
	v1 =	vld [tilespmem:s10+$0x2A70];
	(pc) =	sbr.rel @p1 .LBB2_8-.Ltmp5, $4  }
0xb6: {  	s17 =	sshra.s32 s11, $0x2;
	v4 =	vld [tilespmem:s10+$0x7A70]  }
0xb7: {  	v0 =	vld [tilespmem:s17+$0x2A00];
	v5 =	vadd.f32 v3, v2;
	v7 =	vmul.f32 v8, v7  }
0xb8: {  	v2 =	vld [tilespmem:s17+$0x7A00]  }
0xb9: {  	s11 =	sadd.s32 $0x200, s11;
	v3 =	vld [tilespmem:s17+$0x2A10];
	v5 =	vadd.f32 v7, v5;
	v6 =	vmul.f32 v9, v6  }
0xba: {  	v7 =	vld [tilespmem:s17+$0x7A10]  }
0xbb: {  	v8 =	vld [tilespmem:s17+$0x2A20];
	v5 =	vadd.f32 v6, v5;
	v1 =	vmul.f32 v4, v1  }
0xbc: {  	v49 =	vld [tilespmem:s17+$0x7A20]  }
0xbd: {  	v50 =	vld [tilespmem:s17+$0x2A30];
	v1 =	vadd.f32 v1, v5  }
0xbe: {  	v51 =	vld [tilespmem:s17+$0x7A30]  }
0xbf: {  	v9 =	vld [tilespmem:s17+$0x2A40];
	v0 =	vmul.f32 v2, v0;
	v52 =	vmul.f32 v7, v3;
	[tilespmem:s10+$0xCA00] =	vst v1  }
0xc0: {  	v1 =	vld [tilespmem:s17+$0x7A40]  }
0xc1: {  	v53 =	vmul.f32 v49, v8;
	v54 =	vld [tilespmem:s17+$0x2A50];
	v0 =	vadd.f32 v52, v0  }
0xc2: {  	v55 =	vld [tilespmem:s17+$0x7A50]  }
0xc3: {  	v56 =	vmul.f32 v51, v50;
	v57 =	vld [tilespmem:s17+$0x2A60];
	v0 =	vadd.f32 v53, v0  }
0xc4: {  	v58 =	vld [tilespmem:s17+$0x7A60]  }
0xc5: {  	v59 =	vld [tilespmem:s17+$0x2A70];
	v0 =	vadd.f32 v56, v0;
	v1 =	vmul.f32 v1, v9  }
0xc6: {  	v60 =	vld [tilespmem:s17+$0x7A70]  }
0xc7: {  	v61 =	vmul.f32 v55, v54;
	v0 =	vadd.f32 v1, v0;
	_ =	sdelay $0x1  }
0xc8: {  	v62 =	vmul.f32 v58, v57;
	v0 =	vadd.f32 v61, v0;
	_ =	sdelay $0x1  }
0xc9: {  	v63 =	vmul.f32 v60, v59;
	v0 =	vadd.f32 v62, v0  }
.Ltmp6:
0xca: {  	_ = 	snop;
	(pc) =	sbr.rel @p0 .LBB2_11-.Ltmp6, $4  }
0xcb: {  	s9 =	sadd.s32 s9, s15;
	v0 =	vadd.f32 v63, v0  }
0xcc: {  	s9 =	sshll.u32 s9, $0x4  }
0xcd: {  	s9 =	sadd.s32 s8, s9;
	[tilespmem:s17+$0xCA00] =	vst v0  }
0xce: {  	[hbm4b:s9+s3] =	stream.linear.scatter [tilespmem:s31], [sflag:$0x6], $0x2800, $0x38;
	[tilespmem:$0xF200] =	vst v63  }
0xcf: {  	_ =	swait.ge [sflag:s24], $0x50  }
0xd0: {  	[sflag:s24] =	ssyncset.done $0x0  }
0xd1: {  	[sflag:s24] =	ssyncadd.s32 $0xFFFFFFB0  }
0xd2: {  	_ =	swait.ge [sflag:s24], $0x50  }
.Ltmp7:
0xd3: {  	[sflag:s24] =	ssyncset.done $0x0;
	(pc) =	sbr.rel .LBB2_2-.Ltmp7, $4  }
0xd4: {  	[sflag:s24] =	ssyncadd.s32 $0xFFFFFFB0  }
0xd5: {  	[tilespmem:s25], [sflag:$0x2] =	stream.indirect.gather [hbm4b:s4+s19], $0x80, s22, s19, $0xb8;
	[tilespmem:$0xF200] =	vst v63  }
0xd6: {  	s21 =	sadd.s32 $0x1, s21  }
0xd7: {  	[tilespmem:s26], [sflag:$0x4] =	stream.indirect.gather [hbm4b:s2+s19], $0x80, s23, s19, $0xb8;
	[tilespmem:$0xF200] =	vst v63  }
.LBB2_12:
0xd8: {  	_ =	sfence.sel $0x180000  }
0xd9: {  	[bflag:$0x0] =	sbarrier.arrive $0xFFFF  }
0xda: {  	_ =	strace $0x9000004A  }
0xdb: {  	s0 =	stileid.u32;
	[bflag:$0x2] =	sbarrier.arrive $0xFFFF  }
0xdc: {  	p0 =	sne.s32 s0, $0x0;
	s0 =	rddreg [dreg:$0x2]  }
0xdd: {  	s0 =	sadd.s32 @!p0 $0x100000, s0  }
0xde: {  	[sflag:s0] =	ssyncadd.tile.s32 @!p0 $0x1;
	_ =	shalt  }
.Lfunc_end2:
_tile_overlayer_lowered:
.L_overlay_start_2:
0xdf: {  	(tag) =	ssettag $0x2  }
0xe0: {  	s0 =	rddreg [dreg:$0x0];
	s2 =	stileid.u32  }
0xe1: {  	s1 =	rddreg [dreg:$0x1];
	p0 =	sne.s32 s2, $0x0  }
0xe2: {  	s3 =	rddreg [dreg:$0x2];
	[bflag:$0x3] =	sbarrier.arrive $0xFFFF;
	s2 =	simm.s32 @!p0 $0x1C09  }
0xe3: {  	[timem:s3], [sflag:s2] =	dma.local @!p0 [hbm:s0], s1  }
0xe4: {  	s0 =	simm.s32 @!p0 $0x9  }
0xe5: {  	_ =	swait.ge @!p0 [sflag:s0], s1  }
0xe6: {  	s1 =	ssub.s32 @!p0 $0x0, s1;
	[sflag:s0] =	ssyncset.done @!p0 $0x0  }
0xe7: {  	[sflag:s0] =	ssyncadd.s32 @!p0 s1  }
0xe8: {  	[bflag:$0x3] =	sbarrier.arrive $0xFFFF  }
0xe9: {  	_ =	shalt  }

// kernel: kernel.15.cloned.1.call-start
scs
__scs_entry_jumppad:
0x0: {  	(pc) =	sbr.rel $0x88, $3  }
0x1: {  	(tag) =	ssettag $0x0;
	lr =	simm.s32 $0x1  }
0x2: {  	[smem:$0x3F9E] =	sst lr;
	_ =	strace $0xD0000000  }
0x3: {  	_ = 	snop  }
0x4: {  	_ = 	snop  }
0x5: {  	_ = 	snop  }
0x6: {  	_ = 	snop  }
0x7: {  	_ = 	snop  }
__scs_overlays_trampoline_lowered:
0x8: {  	[smem:$0x3FAD] =	sst s0  }
0x9: {  	[smem:$0x3FAE] =	sst s1  }
0xa: {  	[smem:$0x3FAF] =	sst s2  }
0xb: {  	[smem:$0x3FB0] =	sst s3  }
0xc: {  	[smem:$0x3FB1] =	sst s4  }
0xd: {  	[smem:$0x3FB2] =	sst s5  }
0xe: {  	[smem:$0x3FB3] =	sst s6  }
0xf: {  	[smem:$0x3FB4] =	sst s7  }
0x10: {  	[smem:$0x3FB5] =	sst s8  }
0x11: {  	[smem:$0x3FB6] =	sst s9;
	s0 =	simm.s32 @!p0 $0x0  }
0x12: {  	s1 =	sld [smem:$0x3F9C];
	s0 =	simm.s32 @p0 $0x1  }
0x13: {  	[smem:$0x3FB7] =	sst s0;
	s0 =	simm.s32 @!p1 $0x0  }
0x14: {  	s2 =	sld [smem:$0x3F9B];
	s0 =	simm.s32 @p1 $0x1  }
0x15: {  	[smem:$0x3FB8] =	sst s0;
	s0 =	simm.s32 @!p2 $0x0  }
0x16: {  	s3 =	sld [smem:$0x3FDB];
	s0 =	simm.s32 @p2 $0x1  }
0x17: {  	s4 =	simm.s32 $0x1BF5;
	[smem:$0x3FBA] =	sst s0  }
0x18: {  	s0 =	sld [smem:$0x3F9D];
	_ =	swait.ge [sflag:s4], $0x0  }
0x19: {  	s7 =	sld [smem:$0x3F9E]  }
0x1a: {  	s8 =	sadd.s32 $0xFFFFE003, lr  }
0x1b: {  	s9 =	sadd.s32 $0xFFFFFEF7, lr;
	s5 =	simm.s32 $0xFFFFFFFF;
	p2 =	slt.u32 s8, $0xFFFFF086  }
0x1c: {  	p1 =	slt.u32 s9, $0xF7A;
	s5 =	simm.s32 @!p2 $0x0  }
0x1d: {  	s5 =	simm.s32 @p1 $0x1;
	p0 =	seq.s32 s7, s2  }
0x1e: {  	s7 =	smul.u32 @!p0 $0xF7A, s2;
	p2 =	seq.s32 @!p0 s5, $0x0  }
0x1f: {  	s9 =	smul.u32 $0xF7A, s1;
	s8 =	simm.s32 @!p0 $0x1BF5;
	p2 =	por !p2, p0  }
0x20: {  	[sflag:s8] =	ssyncset.s32 @!p0 $0xFFFFF086;
	s6 =	sadd.s32 @!p0 s3, s7;
	s7 =	simm.s32 @!p0 $0x108  }
0x21: {  	s3 =	sadd.s32 s3, s9;
	s6 =	sadd.s32 @!p0 $0x88, s6;
	s7 =	simm.s32 @p2 $0x1082  }
0x22: {  	[simem:s7], [sflag:s8] =	dma.local @!p0 [hbm:s6], $0xF7A  }
0x23: {  	s9 =	sor.u32 $0xD0000000, s2;
	s6 =	simm.s32 $0x108;
	_ =	swait.ge @!p0 [sflag:s8], $0x0  }
0x24: {  	s3 =	sadd.s32 $0x88, s3;
	s6 =	simm.s32 @!p1 $0x1082;
	[sflag:s4] =	ssyncset.s32 $0xFFFFF086  }
0x25: {  	[simem:s6], [sflag:s4] =	dma.local [hbm:s3], $0xF7A  }
0x26: {  	[smem:$0x3F9E] =	sst s1;
	(tag) =	ssettag s2;
	_ =	strace s9  }
0x27: {  	s1 =	sld [smem:$0x3FAE]  }
0x28: {  	s2 =	sld [smem:$0x3FAF]  }
0x29: {  	s4 =	sld [smem:$0x3FB1]  }
0x2a: {  	p0 =	seq.s32 s5, $0x0;
	s5 =	sld [smem:$0x3FB2]  }
0x2b: {  	s6 =	sld [smem:$0x3FB3]  }
0x2c: {  	s7 =	sld [smem:$0x3FB4]  }
0x2d: {  	s3 =	simm.s32 $0x108;
	s8 =	sld [smem:$0x3FB5]  }
0x2e: {  	s3 =	simm.s32 @!p0 $0x1082;
	s9 =	sld [smem:$0x3FB6]  }
0x2f: {  	lr =	sadd.s32 s0, s3;
	s0 =	sld [smem:$0x3FAD]  }
0x30: {  	s3 =	sld [smem:$0x3FB0]  }
0x31: {  	[smem:$0x3FB9] =	sst s10  }
0x32: {  	s10 =	sld [smem:$0x3FB7];
	_ =	sdelay $0x3  }
0x33: {  	p0 =	seq.s32 s10, $0x1;
	s10 =	sld [smem:$0x3FB9];
	_ =	sdelay $0x3  }
0x34: {  	[smem:$0x3FB9] =	sst s10  }
0x35: {  	s10 =	sld [smem:$0x3FB8];
	_ =	sdelay $0x3  }
0x36: {  	p1 =	seq.s32 s10, $0x1;
	s10 =	sld [smem:$0x3FB9];
	_ =	sdelay $0x3  }
0x37: {  	[smem:$0x3FB9] =	sst s10  }
0x38: {  	s10 =	sld [smem:$0x3FBA]  }
0x39: {  	_ = 	snop;
	(pc) =	sbr.ind lr, $3  }
0x3a: {  	_ = 	snop  }
0x3b: {  	_ = 	snop  }
0x3c: {  	p2 =	seq.s32 s10, $0x1;
	s10 =	sld [smem:$0x3FB9]  }
0x3d: {  	_ =	shalt  }
0x3e: {  	_ =	shalt  }
0x3f: {  	_ =	shalt  }
0x40: {  	_ =	shalt  }
0x41: {  	_ =	shalt  }
0x42: {  	_ =	shalt  }
0x43: {  	_ =	shalt  }
0x44: {  	_ =	shalt  }
0x45: {  	_ =	shalt  }
0x46: {  	_ =	shalt  }
0x47: {  	_ =	shalt  }
0x48: {  	_ =	shalt  }
0x49: {  	_ =	shalt  }
0x4a: {  	_ =	shalt  }
0x4b: {  	_ =	shalt  }
0x4c: {  	_ =	shalt  }
0x4d: {  	_ =	shalt  }
0x4e: {  	_ =	shalt  }
0x4f: {  	_ =	shalt  }
0x50: {  	_ =	shalt  }
0x51: {  	_ =	shalt  }
0x52: {  	_ =	shalt  }
0x53: {  	_ =	shalt  }
0x54: {  	_ =	shalt  }
0x55: {  	_ =	shalt  }
0x56: {  	_ =	shalt  }
0x57: {  	_ =	shalt  }
0x58: {  	_ =	shalt  }
0x59: {  	_ =	shalt  }
0x5a: {  	_ =	shalt  }
0x5b: {  	_ =	shalt  }
0x5c: {  	_ =	shalt  }
0x5d: {  	_ =	shalt  }
0x5e: {  	_ =	shalt  }
0x5f: {  	_ =	shalt  }
0x60: {  	_ =	shalt  }
0x61: {  	_ =	shalt  }
0x62: {  	_ =	shalt  }
0x63: {  	_ =	shalt  }
0x64: {  	_ =	shalt  }
0x65: {  	_ =	shalt  }
0x66: {  	_ =	shalt  }
0x67: {  	_ =	shalt  }
0x68: {  	_ =	shalt  }
0x69: {  	_ =	shalt  }
0x6a: {  	_ =	shalt  }
0x6b: {  	_ =	shalt  }
0x6c: {  	_ =	shalt  }
0x6d: {  	_ =	shalt  }
0x6e: {  	_ =	shalt  }
0x6f: {  	_ =	shalt  }
0x70: {  	_ =	shalt  }
0x71: {  	_ =	shalt  }
0x72: {  	_ =	shalt  }
0x73: {  	_ =	shalt  }
0x74: {  	_ =	shalt  }
0x75: {  	_ =	shalt  }
0x76: {  	_ =	shalt  }
0x77: {  	_ =	shalt  }
0x78: {  	_ =	shalt  }
0x79: {  	_ =	shalt  }
0x7a: {  	_ =	shalt  }
0x7b: {  	_ =	shalt  }
0x7c: {  	_ =	shalt  }
0x7d: {  	_ =	shalt  }
0x7e: {  	_ =	shalt  }
0x7f: {  	_ =	shalt  }
0x80: {  	_ =	shalt  }
0x81: {  	_ =	shalt  }
0x82: {  	_ =	shalt  }
0x83: {  	_ =	shalt  }
0x84: {  	_ =	shalt  }
0x85: {  	_ =	shalt  }
0x86: {  	_ =	shalt  }
0x87: {  	_ =	shalt  }
.Lfunc_end0:
.L_simem_size_0:
called_computation.2_lowered:
.L_overlay_start_0:
0x88: {  	s2 =	sld [smem:$0x3FD9]  }
0x89: {  	s3 =	sld [smem:$0x3FFE];
	_ =	sdelay $0x1  }
0x8a: {  	s1 =	srdreg.scid  }
0x8b: {  	s0 =	sand.u32 $0x1, s1  }
0x8c: {  	s17 =	sshll.u32 s0, $0xA;
	s2 =	sadd.s32 s3, s2  }
0x8d: {  	s2 =	sadd.s32 s2, s17  }
0x8e: {  	[smem:$0x3FC5] =	sst s2  }
0x8f: {  	_ = 	snop  }
0x90: {  	s18 =	sld [smem:$0x3FC9];
	(tm) =	ssettm $0x1  }
0x91: {  	s19 =	sld [smem:$0x3FFB];
	_ =	sdelay $0x3  }
0x92: {  	_ =	strace s19  }
0x93: {  	s2 =	sld [smem:$0x3FFC];
	_ =	sdelay $0x3  }
0x94: {  	_ =	strace s2  }
0x95: {  	s2 =	sld [smem:$0x3FFD];
	_ =	sdelay $0x3  }
0x96: {  	_ =	strace s2  }
0x97: {  	_ =	strace $0x8FFFFFFF  }
0x98: {  	s20 =	sld [smem:$0x3FDB];
	_ =	sdelay $0x1  }
0x99: {  	s4 =	simm.s32 $_scs_section_size  }
0x9a: {  	s5 =	simm.s32 $_size__tile_overlayer_lowered;
	s6 =	simm.s32 $_tile_overlayer_lowered  }
0x9b: {  	s7 =	simm.s32 $0x1BFF;
	s21 =	sshll.u32 s6, $0x1;
	s4 =	sadd.s32 s4, s20  }
0x9c: {  	s22 =	simm.s32 $0x0;
	s5 =	sshll.u32 s5, $0x1;
	s6 =	sadd.s32 s21, s4  }
0x9d: {  	[timem:s22], [sflag:s7] =	dma.local [hbm:s6], s5  }
0x9e: {  	_ =	swait.ge [sflag:s7], s5  }
0x9f: {  	s5 =	ssub.s32 $0x0, s5;
	[sflag:s7] =	ssyncset.done $0x0  }
0xa0: {  	[sflag:s7] =	ssyncadd.s32 s5;
	_ =	sdelay $0x1  }
0xa1: {  	s23 =	simm.s32 $0x1B8B  }
0xa2: {  	_ =	swait.ge [sflag:s23], $0x1  }
0xa3: {  	[sflag:s23] =	ssyncset.done $0x0  }
0xa4: {  	[sflag:s23] =	ssyncadd.s32 $0xFFFFFFFF  }
0xa5: {  	s5 =	sld [smem:$0x0]  }
0xa6: {  	s6 =	sand.u32 $0xFFFFFFFE, s1  }
0xa7: {  	p0 =	sne.s32 s1, s6  }
0xa8: {  	s6 =	sshll.u32 @p0 s6, $0xE  }
0xa9: {  	s6 =	sadd.s32 @p0 $0x11B8D, s6;
	s7 =	sshll.u32 @p0 s5, $0x11  }
0xaa: {  	s6 =	sor.u32 @p0 s7, s6  }
0xab: {  	[sflag:s6] =	ssyncadd.remote.s32 @p0 $0x1;
	_ =	sdelay $0x1  }
0xac: {  	s6 =	simm.s32 @p0 $0x1B8D  }
0xad: {  	_ =	swait.eq @p0 [sflag:s6], $0x1  }
0xae: {  	[sflag:s6] =	ssyncadd.s32 @p0 $0xFFFFFFFF  }
0xaf: {  	s7 =	sshll.u32 @!p0 s1, $0xE  }
0xb0: {  	s7 =	sor.u32 @!p0 $0x4000, s7;
	s6 =	simm.s32 @!p0 $0x1B8D  }
0xb1: {  	s5 =	sshll.u32 @!p0 s5, $0x11;
	s7 =	sadd.s32 @!p0 $0x11B8D, s7;
	_ =	swait.eq @!p0 [sflag:s6], $0x1  }
0xb2: {  	s5 =	sor.u32 @!p0 s5, s7;
	[sflag:s6] =	ssyncadd.s32 @!p0 $0xFFFFFFFF  }
0xb3: {  	s25 =	simm.s32 $0x1B8E;
	s24 =	sld [smem:$0x3FFE];
	[sflag:s5] =	ssyncadd.remote.s32 @!p0 $0x1  }
0xb4: {  	s26 =	simm.s32 $execute0_lowered;
	[smem:$0x3FD2] =	sst s25  }
0xb5: {  	s6 =	sshll.u32 s26, $0x1;
	_ =	strace $0x8000004C;
	[dreg:$0x1] =	wrdreg $0xFFFFFFFF  }
0xb6: {  	s28 =	simm.s32 $_size_execute0_lowered;
	s4 =	sadd.s32 s4, s6;
	[dreg:$0x0] =	wrdreg $0x0  }
0xb7: {  	s6 =	sshll.u32 s28, $0x1;
	[dreg:$0x2] =	wrdreg s4  }
0xb8: {  	[dreg:$0x3] =	wrdreg s6  }
0xb9: {  	[dreg:$0x4] =	wrdreg $0xC0  }
0xba: {  	_ =	task [dreg:s22], $0x5FFFF  }
0xbb: {  	[dreg:$0x1] =	wrdreg $0xFFFFFFFF  }
0xbc: {  	[dreg:$0x0] =	wrdreg $0x60  }
0xbd: {  	[dreg:$0x2] =	wrdreg s24  }
0xbe: {  	[dreg:$0x3] =	wrdreg s18  }
0xbf: {  	[dreg:$0x4] =	wrdreg $0xB  }
0xc0: {  	_ =	task.clear_ibuf [dreg:s22], $0x5FFFF;
	_ =	strace $0x9000004C  }
0xc1: {  	s29 =	simm.s32 $0xB;
	_ =	strace $0x8000004E  }
0xc2: {  	_ =	swait.ge [sflag:s29], $0x1  }
0xc3: {  	[sflag:s29] =	ssyncadd.s32 $0xFFFFFFFF  }
0xc4: {  	_ =	strace $0x9000004E  }
0xc5: {  	_ =	sfence  }
0xc6: {  	s30 =	sld [smem:$0x0];
	_ =	sdelay $0x2  }
0xc7: {  	s31 =	sshll.u32 s1, $0xD;
	s1 =	sshrl.u32 s1, $0x2  }
0xc8: {  	s4 =	sand.u32 $0x4000, s31;
	s1 =	sadd.s32 s1, s30  }
0xc9: {  	s0 =	sor.u32 s4, s0;
	s1 =	sshll.u32 s1, $0x11  }
0xca: {  	s0 =	sor.u32 s1, s0  }
0xcb: {  	s0 =	sadd.s32 $0x8F2B, s0  }
0xcc: {  	[sflag:s0] =	ssyncadd.remote.s32 $0x1  }
0xcd: {  	_ =	sfence.sel $0xFFFF  }
0xce: {  	[dreg:$0x0] =	wrdreg $0xFFFFFFFF;
	(pc) =	sbr.abs _section_cstart, $3  }
0xcf: {  	[dreg:$0x1] =	wrdreg $0xFFFFFFFF  }
0xd0: {  	_ =	task.clear_ibuf [dreg:s22], $0x2FFFF;
	_ =	strace $0x9FFFFFFF  }
0xd1: {  	(tm) =	ssettm $0x7FFFFFFF  }
tec
execute0_lowered:
.L_overlay_start_1:
0x0: {  	(tag) =	ssettag $0x1  }
0x1: {  	s0 =	rddreg [dreg:$0x0]  }
0x2: {  	s1 =	rddreg [dreg:$0x1];
	s3 =	simm.s32 $0x0  }
0x3: {  	s2 =	srdreg.scid;
	s4 =	stileid.u32;
	s18 =	simm.s32 $0x100  }
0x4: {  	s19 =	simm.s32 $0x7;
	s20 =	simm.s32 $0x50;
	s21 =	simm.s32 $0x200  }
0x5: {  	s22 =	simm.s32 $0x5200;
	s23 =	simm.s32 $0x80;
	s29 =	simm.s32 $0x1  }
0x6: {  	s30 =	simm.s32 $0x3;
	s31 =	simm.s32 $0xA200;
	s12 =	simm.s32 $0x6  }
0x7: {  	s13 =	simm.s32 $0x0;
	s2 =	sand.u32 $0x1, s2;
	s5 =	sshll.u32 s4, $0x1  }
0x8: {  	[smem:$0x7FF] =	sst s3;
	s9 =	ssub.s32 $0x2, s2;
	s2 =	sor.u32 s2, s5  }
0x9: {  	s4 =	sadd.s32 $0x5C00, s0;
	s7 =	sadd.s32 $0x41B200, s0;
	s6 =	smul.u32 $0x7D0, s2  }
0xa: {  	s8 =	sadd.s32 $0x41F200, s0;
	s10 =	sshrl.u32 s9, $0x1;
	s2 =	smul.u32 $0x3E800, s2  }
0xb: {  	_ =	strace $0x8000004D;
	s5 =	sadd.s32 $0x41D200, s0;
	s24 =	ssub.s32 s9, s10  }
0xc: {  	s25 =	sshrl.u32 s6, $0x3;
	s9 =	sadd.s32 $0x50, s6;
	s2 =	sshrl.u32 s2, $0x3  }
0xd: {  	s14 =	sadd.s32 $0xA0, s6;
	s15 =	sadd.s32 $0xF0, s6;
	s0 =	smax.u32 s24, $0x1  }
0xe: {  	s24 =	simm.s32 $0x180;
	s11 =	sadd.s32 s5, s25;
	[dreg:$0x8] =	wrdreg s0  }
0xf: {  	s10 =	sadd.s32 s7, s25;
	s26 =	sshrl.u32 s9, $0x3;
	[dreg:$0x3] =	wrdreg s11  }
0x10: {  	s2 =	sadd.s32 s8, s2;
	[dreg:$0x4] =	wrdreg s10;
	s28 =	sadd.s32 s5, s26  }
0x11: {  	s25 =	simm.s32 $0x8;
	s10 =	sadd.s32 s7, s26;
	[dreg:$0x5] =	wrdreg s28  }
0x12: {  	s0 =	simm.s32 $0x2;
	s2 =	sadd.s32 $0x7800, s2;
	[dreg:$0x6] =	wrdreg s10  }
0x13: {  	[dreg:$0x7] =	wrdreg s2;
	s2 =	simm.s32 $0x4;
	s10 =	simm.s32 $0xCA00  }
.LBB2_1:
0x14: {  	[dreg:$0x9] =	wrdreg s13  }
0x15: {  	s11 =	rddreg [dreg:$0x3]  }
0x16: {  	[tilespmem:s3], [sflag:$0x7] =	stream.linear.gather [hbm4b:s11+s3], $0x50, $0x38;
	[tilespmem:$0xF200] =	vst v63  }
0x17: {  	s13 =	rddreg [dreg:$0x4]  }
0x18: {  	[tilespmem:s18], [sflag:$0x7] =	stream.linear.gather [hbm4b:s13+s3], $0x50, $0x38;
	[tilespmem:$0xF200] =	vst v63  }
0x19: {  	_ =	swait.ge [sflag:s19], $0x50  }
0x1a: {  	[sflag:s19] =	ssyncset.done $0x0  }
0x1b: {  	[sflag:s19] =	ssyncadd.s32 $0xFFFFFFB0  }
0x1c: {  	_ =	swait.ge [sflag:s19], $0x50  }
0x1d: {  	[sflag:s19] =	ssyncset.done $0x0  }
0x1e: {  	[sflag:s19] =	ssyncadd.s32 $0xFFFFFFB0  }
0x1f: {  	[tilespmem:s21], [sflag:$0x1] =	stream.indirect.gather [hbm4b:s4+s20], $0x80, s3, s20, $0xb8;
	[tilespmem:$0xF200] =	vst v63  }
0x20: {  	_ = 	snop  }
0x21: {  	[tilespmem:s22], [sflag:$0x3] =	stream.indirect.gather [hbm4b:s1+s20], $0x80, s18, s20, $0xb8;
	[tilespmem:$0xF200] =	vst v63  }
0x22: {  	s16 =	rddreg [dreg:$0x5]  }
0x23: {  	[tilespmem:s23], [sflag:$0x8] =	stream.linear.gather [hbm4b:s16+s3], $0x50, $0x38;
	[tilespmem:$0xF200] =	vst v63  }
0x24: {  	s17 =	rddreg [dreg:$0x6]  }
0x25: {  	[tilespmem:s24], [sflag:$0x8] =	stream.linear.gather [hbm4b:s17+s3], $0x50, $0x38;
	[tilespmem:$0xF200] =	vst v63  }
0x26: {  	_ =	swait.ge [sflag:s25], $0x50  }
0x27: {  	[sflag:s25] =	ssyncset.done $0x0  }
0x28: {  	[sflag:s25] =	ssyncadd.s32 $0xFFFFFFB0  }
0x29: {  	_ =	swait.ge [sflag:s25], $0x50  }
0x2a: {  	[sflag:s25] =	ssyncset.done $0x0  }
0x2b: {  	s26 =	simm.s32 $0x2A00;
	[sflag:s25] =	ssyncadd.s32 $0xFFFFFFB0  }
0x2c: {  	[tilespmem:s26], [sflag:$0x2] =	stream.indirect.gather [hbm4b:s4+s20], $0x80, s23, s20, $0xb8;
	[tilespmem:$0xF200] =	vst v63  }
0x2d: {  	s28 =	simm.s32 $0x7A00;
	s16 =	simm.s32 $0x0  }
0x2e: {  	[tilespmem:s28], [sflag:$0x4] =	stream.indirect.gather [hbm4b:s1+s20], $0x80, s24, s20, $0xb8;
	[tilespmem:$0xF200] =	vst v63  }
.LBB2_2:
0x2f: {  	_ =	swait.ge [sflag:s29], $0x2800  }
0x30: {  	s17 =	smul.u32 $0xA0, s16;
	[sflag:s29] =	ssyncset.done $0x0  }
0x31: {  	[sflag:s29] =	ssyncadd.s32 $0xFFFFD800  }
0x32: {  	s11 =	sadd.s32 s17, s14;
	_ =	swait.ge [sflag:s30], $0x2800  }
0x33: {  	s11 =	sshrl.u32 s11, $0x3;
	[sflag:s30] =	ssyncset.done $0x0  }
0x34: {  	s13 =	sadd.s32 s5, s11;
	[sflag:s30] =	ssyncadd.s32 $0xFFFFD800  }
0x35: {  	[tilespmem:s3], [sflag:$0x7] =	stream.linear.gather [hbm4b:s13+s3], $0x50, $0x38;
	[tilespmem:$0xF200] =	vst v63  }
0x36: {  	p0 =	seq.s32 s16, $0x0;
	s11 =	sadd.s32 s7, s11  }
0x37: {  	[tilespmem:s18], [sflag:$0x7] =	stream.linear.gather [hbm4b:s11+s3], $0x50, $0x38;
	[tilespmem:$0xF200] =	vst v63  }
0x38: {  	s11 =	simm.s32 @!p0 $0x5  }
0x39: {  	_ =	swait.ge @!p0 [sflag:s11], $0x2800  }
0x3a: {  	[sflag:s11] =	ssyncset.done @!p0 $0x0  }
0x3b: {  	[sflag:s11] =	ssyncadd.s32 @!p0 $0xFFFFD800;
	s11 =	simm.s32 $0x0  }
0x3c: {  	v0 =	vld [tilespmem:s11+$0x200]  }
0x3d: {  	v1 =	vld [tilespmem:s11+$0x5200]  }
0x3e: {  	v2 =	vld [tilespmem:s11+$0x210]  }
0x3f: {  	v3 =	vld [tilespmem:s11+$0x5210]  }
0x40: {  	v4 =	vld [tilespmem:s11+$0x220]  }
0x41: {  	v5 =	vld [tilespmem:s11+$0x5220]  }
0x42: {  	v6 =	vld [tilespmem:s11+$0x230]  }
0x43: {  	v7 =	vld [tilespmem:s11+$0x5230]  }
0x44: {  	v0 =	vmul.f32 v1, v0;
	v1 =	vmul.f32 v3, v2;
	v2 =	vld [tilespmem:s11+$0x240]  }
0x45: {  	v3 =	vld [tilespmem:s11+$0x5240]  }
0x46: {  	v8 =	vld [tilespmem:s11+$0x5250];
	v0 =	vadd.f32 v1, v0;
	v1 =	vmul.f32 v5, v4  }
0x47: {  	v5 =	vld [tilespmem:s11+$0x250]  }
0x48: {  	v0 =	vadd.f32 v1, v0;
	v1 =	vmul.f32 v7, v6;
	v6 =	vld [tilespmem:s11+$0x260]  }
0x49: {  	v7 =	vld [tilespmem:s11+$0x5260]  }
0x4a: {  	v4 =	vld [tilespmem:s11+$0x5270];
	v2 =	vmul.f32 v3, v2;
	v9 =	vadd.f32 v1, v0  }
0x4b: {  	s13 =	simm.s32 $0x80;
	v1 =	vld [tilespmem:s11+$0x270]  }
0x4c: {  	v3 =	vld [tilespmem:s13+$0x210];
	v5 =	vmul.f32 v8, v5;
	v9 =	vadd.f32 v2, v9  }
0x4d: {  	v0 =	vld [tilespmem:s13+$0x200]  }
0x4e: {  	s26 =	simm.s32 $0x400;
	v2 =	vld [tilespmem:s13+$0x5200];
	v6 =	vmul.f32 v7, v6;
	v5 =	vadd.f32 v5, v9  }
.LBB2_3:
0x4f: {  	p0 =	sne.s32 s26, $0x9E00;
	v7 =	vld [tilespmem:s13+$0x5210]  }
0x50: {  	v8 =	vld [tilespmem:s13+$0x220];
	v5 =	vadd.f32 v6, v5;
	v1 =	vmul.f32 v4, v1  }
0x51: {  	v4 =	vld [tilespmem:s13+$0x5220]  }
0x52: {  	v6 =	vld [tilespmem:s13+$0x230];
	v1 =	vadd.f32 v1, v5  }
0x53: {  	v5 =	vld [tilespmem:s13+$0x5230]  }
0x54: {  	v0 =	vmul.f32 v2, v0;
	v2 =	vmul.f32 v7, v3;
	v3 =	vld [tilespmem:s13+$0x240];
	[tilespmem:s11+$0xA200] =	vst v1;
	s11 =	smov.u32 s13  }
0x55: {  	v1 =	vld [tilespmem:s11+$0x5240]  }
0x56: {  	v0 =	vadd.f32 v2, v0;
	v2 =	vmul.f32 v4, v8;
	v7 =	vld [tilespmem:s11+$0x250]  }
0x57: {  	v8 =	vld [tilespmem:s11+$0x5250]  }
0x58: {  	v0 =	vadd.f32 v2, v0;
	v2 =	vmul.f32 v5, v6;
	v6 =	vld [tilespmem:s11+$0x260]  }
0x59: {  	v9 =	vld [tilespmem:s11+$0x5260]  }
.Ltmp0:
0x5a: {  	v2 =	vadd.f32 v2, v0;
	v3 =	vmul.f32 v1, v3;
	v1 =	vld [tilespmem:s11+$0x270];
	(pc) =	sbr.rel @p0 .LBB2_3-.Ltmp0, $4  }
0x5b: {  	s13 =	sshra.s32 s26, $0x2;
	v4 =	vld [tilespmem:s11+$0x5270]  }
0x5c: {  	v0 =	vld [tilespmem:s13+$0x200];
	v5 =	vadd.f32 v3, v2;
	v7 =	vmul.f32 v8, v7  }
0x5d: {  	v2 =	vld [tilespmem:s13+$0x5200]  }
0x5e: {  	s26 =	sadd.s32 $0x200, s26;
	v3 =	vld [tilespmem:s13+$0x210];
	v5 =	vadd.f32 v7, v5;
	v6 =	vmul.f32 v9, v6  }
0x5f: {  	v7 =	vld [tilespmem:s13+$0x5210]  }
0x60: {  	v8 =	vld [tilespmem:s13+$0x220];
	v5 =	vadd.f32 v6, v5;
	v1 =	vmul.f32 v4, v1  }
0x61: {  	v4 =	vld [tilespmem:s13+$0x5220]  }
0x62: {  	v6 =	vld [tilespmem:s13+$0x230];
	v1 =	vadd.f32 v1, v5  }
0x63: {  	v5 =	vld [tilespmem:s13+$0x5230]  }
0x64: {  	v9 =	vld [tilespmem:s13+$0x240];
	v0 =	vmul.f32 v2, v0;
	v2 =	vmul.f32 v7, v3;
	[tilespmem:s11+$0xA200] =	vst v1  }
0x65: {  	v1 =	vld [tilespmem:s13+$0x5240]  }
0x66: {  	v3 =	vld [tilespmem:s13+$0x250];
	v0 =	vadd.f32 v2, v0;
	v2 =	vmul.f32 v4, v8  }
0x67: {  	v4 =	vld [tilespmem:s13+$0x5250]  }
0x68: {  	v0 =	vadd.f32 v2, v0;
	v2 =	vmul.f32 v5, v6;
	v5 =	vld [tilespmem:s13+$0x260]  }
0x69: {  	v6 =	vld [tilespmem:s13+$0x5260]  }
0x6a: {  	v7 =	vld [tilespmem:s13+$0x5270];
	v0 =	vadd.f32 v2, v0;
	v1 =	vmul.f32 v1, v9  }
0x6b: {  	v2 =	vld [tilespmem:s13+$0x270]  }
0x6c: {  	v0 =	vadd.f32 v1, v0;
	v1 =	vmul.f32 v4, v3;
	_ =	sdelay $0x1  }
0x6d: {  	v0 =	vadd.f32 v1, v0;
	v1 =	vmul.f32 v6, v5;
	_ =	sdelay $0x1  }
0x6e: {  	v0 =	vadd.f32 v1, v0;
	v1 =	vmul.f32 v7, v2;
	_ =	sdelay $0x1  }
0x6f: {  	s28 =	sadd.s32 s6, s17;
	v0 =	vadd.f32 v1, v0  }
0x70: {  	s11 =	sshll.u32 s28, $0x4  }
0x71: {  	s11 =	sadd.s32 s8, s11;
	[tilespmem:s13+$0xA200] =	vst v0  }
0x72: {  	[hbm4b:s11+s3] =	stream.linear.scatter [tilespmem:s31], [sflag:$0x5], $0x2800, $0x38;
	[tilespmem:$0xF200] =	vst v63  }
0x73: {  	_ =	swait.ge [sflag:s19], $0x50  }
0x74: {  	[sflag:s19] =	ssyncset.done $0x0  }
0x75: {  	[sflag:s19] =	ssyncadd.s32 $0xFFFFFFB0  }
0x76: {  	_ =	swait.ge [sflag:s19], $0x50  }
0x77: {  	[sflag:s19] =	ssyncset.done $0x0  }
0x78: {  	[sflag:s19] =	ssyncadd.s32 $0xFFFFFFB0  }
0x79: {  	[tilespmem:s21], [sflag:$0x1] =	stream.indirect.gather [hbm4b:s4+s20], $0x80, s3, s20, $0xb8;
	[tilespmem:$0xF200] =	vst v63  }
0x7a: {  	_ = 	snop  }
0x7b: {  	[tilespmem:s22], [sflag:$0x3] =	stream.indirect.gather [hbm4b:s1+s20], $0x80, s18, s20, $0xb8;
	[tilespmem:$0xF200] =	vst v63  }
0x7c: {  	_ =	swait.ge [sflag:s0], $0x2800  }
0x7d: {  	[sflag:s0] =	ssyncset.done $0x0  }
0x7e: {  	p0 =	seq.s32 s16, $0xB;
	[sflag:s0] =	ssyncadd.s32 $0xFFFFD800  }
0x7f: {  	s26 =	simm.s32 @!p0 $0x0;
	s11 =	sadd.s32 @!p0 s17, s15;
	_ =	swait.ge [sflag:s2], $0x2800  }
0x80: {  	p1 =	seq.s32 @!p0 s16, $0x0;
	s11 =	sshrl.u32 @!p0 s11, $0x3;
	[sflag:s2] =	ssyncset.done $0x0  }
0x81: {  	s28 =	simm.s32 @!p0 $0x80;
	s13 =	sadd.s32 @!p0 s5, s11;
	[sflag:s2] =	ssyncadd.s32 $0xFFFFD800  }
0x82: {  	[tilespmem:s28], [sflag:$0x8] =	stream.linear.gather @!p0 [hbm4b:s13+s26], $0x50, $0x38;
	[tilespmem:$0xF200] =	vst v63  }
0x83: {  	p1 =	por p0, !p1;
	s11 =	sadd.s32 @!p0 s7, s11;
	s13 =	simm.s32 @!p0 $0x180  }
0x84: {  	[tilespmem:s13], [sflag:$0x8] =	stream.linear.gather @!p0 [hbm4b:s11+s26], $0x50, $0x38;
	[tilespmem:$0xF200] =	vst v63  }
0x85: {  	_ =	swait.ge @p1 [sflag:s12], $0x2800  }
0x86: {  	[sflag:s12] =	ssyncset.done @p1 $0x0  }
0x87: {  	s11 =	simm.s32 $0x0;
	[sflag:s12] =	ssyncadd.s32 @p1 $0xFFFFD800  }
0x88: {  	v0 =	vld [tilespmem:s11+$0x2A00]  }
0x89: {  	v1 =	vld [tilespmem:s11+$0x7A00]  }
0x8a: {  	v2 =	vld [tilespmem:s11+$0x2A10]  }
0x8b: {  	v3 =	vld [tilespmem:s11+$0x7A10]  }
0x8c: {  	v4 =	vld [tilespmem:s11+$0x2A20]  }
0x8d: {  	v5 =	vld [tilespmem:s11+$0x7A20]  }
0x8e: {  	v6 =	vld [tilespmem:s11+$0x2A30]  }
0x8f: {  	v7 =	vld [tilespmem:s11+$0x7A30]  }
0x90: {  	v0 =	vmul.f32 v1, v0;
	v1 =	vmul.f32 v3, v2;
	v2 =	vld [tilespmem:s11+$0x2A40]  }
0x91: {  	v3 =	vld [tilespmem:s11+$0x7A40]  }
0x92: {  	v8 =	vld [tilespmem:s11+$0x7A50];
	v0 =	vadd.f32 v1, v0;
	v1 =	vmul.f32 v5, v4  }
0x93: {  	v5 =	vld [tilespmem:s11+$0x2A50]  }
0x94: {  	v0 =	vadd.f32 v1, v0;
	v1 =	vmul.f32 v7, v6;
	v6 =	vld [tilespmem:s11+$0x2A60]  }
0x95: {  	v7 =	vld [tilespmem:s11+$0x7A60]  }
0x96: {  	v4 =	vld [tilespmem:s11+$0x7A70];
	v2 =	vmul.f32 v3, v2;
	v63 =	vadd.f32 v1, v0  }
0x97: {  	s13 =	simm.s32 $0x80;
	v1 =	vld [tilespmem:s11+$0x2A70]  }
0x98: {  	v3 =	vld [tilespmem:s13+$0x2A10];
	v5 =	vmul.f32 v8, v5;
	v9 =	vadd.f32 v2, v63  }
0x99: {  	v0 =	vld [tilespmem:s13+$0x2A00]  }
0x9a: {  	s26 =	simm.s32 $0x400;
	v2 =	vld [tilespmem:s13+$0x7A00];
	v6 =	vmul.f32 v7, v6;
	v5 =	vadd.f32 v5, v9  }
.LBB2_5:
0x9b: {  	p1 =	sne.s32 s26, $0x9E00;
	v7 =	vld [tilespmem:s13+$0x7A10]  }
0x9c: {  	v8 =	vld [tilespmem:s13+$0x2A20];
	v5 =	vadd.f32 v6, v5;
	v1 =	vmul.f32 v4, v1  }
0x9d: {  	v4 =	vld [tilespmem:s13+$0x7A20]  }
0x9e: {  	v6 =	vld [tilespmem:s13+$0x2A30];
	v1 =	vadd.f32 v1, v5  }
0x9f: {  	v5 =	vld [tilespmem:s13+$0x7A30]  }
0xa0: {  	v0 =	vmul.f32 v2, v0;
	v2 =	vmul.f32 v7, v3;
	v3 =	vld [tilespmem:s13+$0x2A40];
	[tilespmem:s11+$0xCA00] =	vst v1;
	s11 =	smov.u32 s13  }
0xa1: {  	v1 =	vld [tilespmem:s11+$0x7A40]  }
0xa2: {  	v0 =	vadd.f32 v2, v0;
	v2 =	vmul.f32 v4, v8;
	v7 =	vld [tilespmem:s11+$0x2A50]  }
0xa3: {  	v8 =	vld [tilespmem:s11+$0x7A50]  }
0xa4: {  	v0 =	vadd.f32 v2, v0;
	v2 =	vmul.f32 v5, v6;
	v6 =	vld [tilespmem:s11+$0x2A60]  }
0xa5: {  	v9 =	vld [tilespmem:s11+$0x7A60]  }
.Ltmp1:
0xa6: {  	v2 =	vadd.f32 v2, v0;
	v3 =	vmul.f32 v1, v3;
	v1 =	vld [tilespmem:s11+$0x2A70];
	(pc) =	sbr.rel @p1 .LBB2_5-.Ltmp1, $4  }
0xa7: {  	s13 =	sshra.s32 s26, $0x2;
	v4 =	vld [tilespmem:s11+$0x7A70]  }
0xa8: {  	v0 =	vld [tilespmem:s13+$0x2A00];
	v5 =	vadd.f32 v3, v2;
	v7 =	vmul.f32 v8, v7  }
0xa9: {  	v2 =	vld [tilespmem:s13+$0x7A00]  }
0xaa: {  	s26 =	sadd.s32 $0x200, s26;
	v3 =	vld [tilespmem:s13+$0x2A10];
	v5 =	vadd.f32 v7, v5;
	v6 =	vmul.f32 v9, v6  }
0xab: {  	v7 =	vld [tilespmem:s13+$0x7A10]  }
0xac: {  	v8 =	vld [tilespmem:s13+$0x2A20];
	v5 =	vadd.f32 v6, v5;
	v1 =	vmul.f32 v4, v1  }
0xad: {  	v49 =	vld [tilespmem:s13+$0x7A20]  }
0xae: {  	v50 =	vld [tilespmem:s13+$0x2A30];
	v1 =	vadd.f32 v1, v5  }
0xaf: {  	v51 =	vld [tilespmem:s13+$0x7A30]  }
0xb0: {  	v9 =	vld [tilespmem:s13+$0x2A40];
	v0 =	vmul.f32 v2, v0;
	v52 =	vmul.f32 v7, v3;
	[tilespmem:s11+$0xCA00] =	vst v1  }
0xb1: {  	v1 =	vld [tilespmem:s13+$0x7A40]  }
0xb2: {  	v53 =	vmul.f32 v49, v8;
	v54 =	vld [tilespmem:s13+$0x2A50];
	v0 =	vadd.f32 v52, v0  }
0xb3: {  	v55 =	vld [tilespmem:s13+$0x7A50]  }
0xb4: {  	v56 =	vmul.f32 v51, v50;
	v57 =	vld [tilespmem:s13+$0x2A60];
	v0 =	vadd.f32 v53, v0  }
0xb5: {  	v58 =	vld [tilespmem:s13+$0x7A60]  }
0xb6: {  	v59 =	vld [tilespmem:s13+$0x2A70];
	v0 =	vadd.f32 v56, v0;
	v1 =	vmul.f32 v1, v9  }
0xb7: {  	v60 =	vld [tilespmem:s13+$0x7A70]  }
0xb8: {  	v61 =	vmul.f32 v55, v54;
	v0 =	vadd.f32 v1, v0;
	_ =	sdelay $0x1  }
0xb9: {  	v62 =	vmul.f32 v58, v57;
	v0 =	vadd.f32 v61, v0;
	_ =	sdelay $0x1  }
0xba: {  	v63 =	vmul.f32 v60, v59;
	v0 =	vadd.f32 v62, v0  }
.Ltmp2:
0xbb: {  	_ = 	snop;
	(pc) =	sbr.rel @p0 .LBB2_8-.Ltmp2, $4  }
0xbc: {  	s28 =	sadd.s32 s17, s9;
	v0 =	vadd.f32 v63, v0  }
0xbd: {  	s11 =	sshll.u32 s28, $0x4  }
0xbe: {  	s11 =	sadd.s32 s8, s11;
	[tilespmem:s13+$0xCA00] =	vst v0  }
0xbf: {  	[hbm4b:s11+s3] =	stream.linear.scatter [tilespmem:s10], [sflag:$0x6], $0x2800, $0x38;
	[tilespmem:$0xF200] =	vst v63  }
0xc0: {  	_ =	swait.ge [sflag:s25], $0x50  }
0xc1: {  	[sflag:s25] =	ssyncset.done $0x0  }
0xc2: {  	[sflag:s25] =	ssyncadd.s32 $0xFFFFFFB0  }
0xc3: {  	_ =	swait.ge [sflag:s25], $0x50  }
.Ltmp3:
0xc4: {  	[sflag:s25] =	ssyncset.done $0x0;
	(pc) =	sbr.rel .LBB2_2-.Ltmp3, $4  }
0xc5: {  	s11 =	simm.s32 $0x2A00;
	[sflag:s25] =	ssyncadd.s32 $0xFFFFFFB0  }
0xc6: {  	[tilespmem:s11], [sflag:$0x2] =	stream.indirect.gather [hbm4b:s4+s20], $0x80, s23, s20, $0xb8;
	[tilespmem:$0xF200] =	vst v63  }
0xc7: {  	s28 =	simm.s32 $0x7A00;
	s16 =	sadd.s32 $0x1, s16  }
0xc8: {  	[tilespmem:s28], [sflag:$0x4] =	stream.indirect.gather [hbm4b:s1+s20], $0x80, s24, s20, $0xb8;
	[tilespmem:$0xF200] =	vst v63  }
.LBB2_8:
0xc9: {  	_ =	swait.ge [sflag:s29], $0x2800  }
0xca: {  	[sflag:s29] =	ssyncset.done $0x0  }
0xcb: {  	[sflag:s29] =	ssyncadd.s32 $0xFFFFD800  }
0xcc: {  	_ =	swait.ge [sflag:s30], $0x2800  }
0xcd: {  	[sflag:s30] =	ssyncset.done $0x0  }
0xce: {  	s17 =	simm.s32 $0x5;
	[sflag:s30] =	ssyncadd.s32 $0xFFFFD800  }
0xcf: {  	_ =	swait.ge [sflag:s17], $0x2800  }
0xd0: {  	[sflag:s17] =	ssyncset.done $0x0  }
0xd1: {  	s11 =	simm.s32 $0x0;
	[sflag:s17] =	ssyncadd.s32 $0xFFFFD800  }
0xd2: {  	v0 =	vld [tilespmem:s11+$0x200]  }
0xd3: {  	v1 =	vld [tilespmem:s11+$0x5200]  }
0xd4: {  	v2 =	vld [tilespmem:s11+$0x210]  }
0xd5: {  	v3 =	vld [tilespmem:s11+$0x5210]  }
0xd6: {  	v4 =	vld [tilespmem:s11+$0x220]  }
0xd7: {  	v5 =	vld [tilespmem:s11+$0x5220]  }
0xd8: {  	v6 =	vld [tilespmem:s11+$0x230]  }
0xd9: {  	v7 =	vld [tilespmem:s11+$0x5230]  }
0xda: {  	v0 =	vmul.f32 v1, v0;
	v1 =	vmul.f32 v3, v2;
	v2 =	vld [tilespmem:s11+$0x240]  }
0xdb: {  	v3 =	vld [tilespmem:s11+$0x5240]  }
0xdc: {  	v8 =	vld [tilespmem:s11+$0x5250];
	v0 =	vadd.f32 v1, v0;
	v1 =	vmul.f32 v5, v4  }
0xdd: {  	v5 =	vld [tilespmem:s11+$0x250]  }
0xde: {  	v0 =	vadd.f32 v1, v0;
	v1 =	vmul.f32 v7, v6;
	v6 =	vld [tilespmem:s11+$0x260]  }
0xdf: {  	v7 =	vld [tilespmem:s11+$0x5260]  }
0xe0: {  	v4 =	vld [tilespmem:s11+$0x5270];
	v2 =	vmul.f32 v3, v2;
	v9 =	vadd.f32 v1, v0  }
0xe1: {  	s13 =	simm.s32 $0x80;
	v1 =	vld [tilespmem:s11+$0x270]  }
0xe2: {  	v3 =	vld [tilespmem:s13+$0x210];
	v5 =	vmul.f32 v8, v5;
	v9 =	vadd.f32 v2, v9  }
0xe3: {  	v0 =	vld [tilespmem:s13+$0x200]  }
0xe4: {  	s16 =	simm.s32 $0x400;
	v2 =	vld [tilespmem:s13+$0x5200];
	v6 =	vmul.f32 v7, v6;
	v5 =	vadd.f32 v5, v9  }
.LBB2_9:
0xe5: {  	p0 =	sne.s32 s16, $0x9E00;
	v7 =	vld [tilespmem:s13+$0x5210]  }
0xe6: {  	v8 =	vld [tilespmem:s13+$0x220];
	v5 =	vadd.f32 v6, v5;
	v1 =	vmul.f32 v4, v1  }
0xe7: {  	v4 =	vld [tilespmem:s13+$0x5220]  }
0xe8: {  	v6 =	vld [tilespmem:s13+$0x230];
	v1 =	vadd.f32 v1, v5  }
0xe9: {  	v5 =	vld [tilespmem:s13+$0x5230]  }
0xea: {  	v0 =	vmul.f32 v2, v0;
	v2 =	vmul.f32 v7, v3;
	v3 =	vld [tilespmem:s13+$0x240];
	[tilespmem:s11+$0xA200] =	vst v1;
	s11 =	smov.u32 s13  }
0xeb: {  	v1 =	vld [tilespmem:s11+$0x5240]  }
0xec: {  	v0 =	vadd.f32 v2, v0;
	v2 =	vmul.f32 v4, v8;
	v7 =	vld [tilespmem:s11+$0x250]  }
0xed: {  	v8 =	vld [tilespmem:s11+$0x5250]  }
0xee: {  	v0 =	vadd.f32 v2, v0;
	v2 =	vmul.f32 v5, v6;
	v6 =	vld [tilespmem:s11+$0x260]  }
0xef: {  	v9 =	vld [tilespmem:s11+$0x5260]  }
.Ltmp4:
0xf0: {  	v2 =	vadd.f32 v2, v0;
	v3 =	vmul.f32 v1, v3;
	v1 =	vld [tilespmem:s11+$0x270];
	(pc) =	sbr.rel @p0 .LBB2_9-.Ltmp4, $4  }
0xf1: {  	s13 =	sshra.s32 s16, $0x2;
	v4 =	vld [tilespmem:s11+$0x5270]  }
0xf2: {  	v0 =	vld [tilespmem:s13+$0x200];
	v5 =	vadd.f32 v3, v2;
	v7 =	vmul.f32 v8, v7  }
0xf3: {  	v2 =	vld [tilespmem:s13+$0x5200]  }
0xf4: {  	s16 =	sadd.s32 $0x200, s16;
	v3 =	vld [tilespmem:s13+$0x210];
	v5 =	vadd.f32 v7, v5;
	v6 =	vmul.f32 v9, v6  }
0xf5: {  	v7 =	vld [tilespmem:s13+$0x5210]  }
0xf6: {  	v8 =	vld [tilespmem:s13+$0x220];
	v5 =	vadd.f32 v6, v5;
	v1 =	vmul.f32 v4, v1  }
0xf7: {  	v49 =	vld [tilespmem:s13+$0x5220]  }
0xf8: {  	v50 =	vld [tilespmem:s13+$0x230];
	v1 =	vadd.f32 v1, v5  }
0xf9: {  	v51 =	vld [tilespmem:s13+$0x5230]  }
0xfa: {  	v9 =	vld [tilespmem:s13+$0x240];
	v0 =	vmul.f32 v2, v0;
	v52 =	vmul.f32 v7, v3;
	[tilespmem:s11+$0xA200] =	vst v1  }
0xfb: {  	v1 =	vld [tilespmem:s13+$0x5240]  }
0xfc: {  	v53 =	vmul.f32 v49, v8;
	v54 =	vld [tilespmem:s13+$0x250];
	v0 =	vadd.f32 v52, v0  }
0xfd: {  	v55 =	vld [tilespmem:s13+$0x5250]  }
0xfe: {  	v56 =	vmul.f32 v51, v50;
	v57 =	vld [tilespmem:s13+$0x260];
	v0 =	vadd.f32 v53, v0  }
0xff: {  	v58 =	vld [tilespmem:s13+$0x5260]  }
0x100: {  	v59 =	vld [tilespmem:s13+$0x270];
	v0 =	vadd.f32 v56, v0;
	v1 =	vmul.f32 v1, v9  }
0x101: {  	v60 =	vld [tilespmem:s13+$0x5270]  }
0x102: {  	v61 =	vmul.f32 v55, v54;
	v0 =	vadd.f32 v1, v0;
	_ =	sdelay $0x1  }
0x103: {  	v62 =	vmul.f32 v58, v57;
	v0 =	vadd.f32 v61, v0;
	_ =	sdelay $0x1  }
0x104: {  	v63 =	vmul.f32 v60, v59;
	v0 =	vadd.f32 v62, v0;
	_ =	sdelay $0x1  }
0x105: {  	v0 =	vadd.f32 v63, v0;
	_ =	sdelay $0x1  }
0x106: {  	s16 =	rddreg [dreg:$0x7];
	[tilespmem:s13+$0xA200] =	vst v0  }
0x107: {  	[hbm4b:s16+s3] =	stream.linear.scatter [tilespmem:s31], [sflag:$0x5], $0x2800, $0x38;
	[tilespmem:$0xF200] =	vst v63  }
0x108: {  	_ =	swait.ge [sflag:s12], $0x2800  }
0x109: {  	[sflag:s12] =	ssyncset.done $0x0  }
0x10a: {  	[sflag:s12] =	ssyncadd.s32 $0xFFFFD800  }
0x10b: {  	_ =	swait.ge [sflag:s17], $0x2800  }
0x10c: {  	s26 =	rddreg [dreg:$0x9]  }
0x10d: {  	s28 =	rddreg [dreg:$0x8];
	s13 =	sadd.s32 $0x1, s26  }
0x10e: {  	p0 =	sne.s32 s13, s28  }
.Ltmp5:
0x10f: {  	_ = 	snop;
	(pc) =	sbr.rel @p0 .LBB2_1-.Ltmp5, $3  }
0x110: {  	_ =	sdelay $0x1  }
0x111: {  	[sflag:s17] =	ssyncset.done $0x0  }
0x112: {  	[sflag:s17] =	ssyncadd.s32 $0xFFFFD800  }
0x113: {  	_ =	sfence.sel $0x180000  }
0x114: {  	[bflag:$0x0] =	sbarrier.arrive $0xFFFF  }
0x115: {  	_ =	strace $0x9000004D  }
0x116: {  	s0 =	stileid.u32;
	[bflag:$0x2] =	sbarrier.arrive $0xFFFF  }
0x117: {  	p0 =	sne.s32 s0, $0x0;
	s0 =	rddreg [dreg:$0x2]  }
0x118: {  	s0 =	sadd.s32 @!p0 $0x100000, s0  }
0x119: {  	[sflag:s0] =	ssyncadd.tile.s32 @!p0 $0x1;
	_ =	shalt  }
.Lfunc_end2:
_tile_overlayer_lowered:
.L_overlay_start_2:
0x11a: {  	(tag) =	ssettag $0x2  }
0x11b: {  	s0 =	rddreg [dreg:$0x0];
	s2 =	stileid.u32  }
0x11c: {  	s1 =	rddreg [dreg:$0x1];
	p0 =	sne.s32 s2, $0x0  }
0x11d: {  	s3 =	rddreg [dreg:$0x2];
	[bflag:$0x3] =	sbarrier.arrive $0xFFFF;
	s2 =	simm.s32 @!p0 $0x1C09  }
0x11e: {  	[timem:s3], [sflag:s2] =	dma.local @!p0 [hbm:s0], s1  }
0x11f: {  	s0 =	simm.s32 @!p0 $0x9  }
0x120: {  	_ =	swait.ge @!p0 [sflag:s0], s1  }
0x121: {  	s1 =	ssub.s32 @!p0 $0x0, s1;
	[sflag:s0] =	ssyncset.done @!p0 $0x0  }
0x122: {  	[sflag:s0] =	ssyncadd.s32 @!p0 s1  }
0x123: {  	[bflag:$0x3] =	sbarrier.arrive $0xFFFF  }
0x124: {  	_ =	shalt  }

// kernel: kernel.9.cloned.1.call-start
scs
__scs_entry_jumppad:
0x0: {  	(pc) =	sbr.rel $0x88, $3  }
0x1: {  	(tag) =	ssettag $0x0;
	lr =	simm.s32 $0x1  }
0x2: {  	[smem:$0x3F9E] =	sst lr;
	_ =	strace $0xD0000000  }
0x3: {  	_ = 	snop  }
0x4: {  	_ = 	snop  }
0x5: {  	_ = 	snop  }
0x6: {  	_ = 	snop  }
0x7: {  	_ = 	snop  }
__scs_overlays_trampoline_lowered:
0x8: {  	[smem:$0x3FAD] =	sst s0  }
0x9: {  	[smem:$0x3FAE] =	sst s1  }
0xa: {  	[smem:$0x3FAF] =	sst s2  }
0xb: {  	[smem:$0x3FB0] =	sst s3  }
0xc: {  	[smem:$0x3FB1] =	sst s4  }
0xd: {  	[smem:$0x3FB2] =	sst s5  }
0xe: {  	[smem:$0x3FB3] =	sst s6  }
0xf: {  	[smem:$0x3FB4] =	sst s7  }
0x10: {  	[smem:$0x3FB5] =	sst s8  }
0x11: {  	[smem:$0x3FB6] =	sst s9;
	s0 =	simm.s32 @!p0 $0x0  }
0x12: {  	s1 =	sld [smem:$0x3F9C];
	s0 =	simm.s32 @p0 $0x1  }
0x13: {  	[smem:$0x3FB7] =	sst s0;
	s0 =	simm.s32 @!p1 $0x0  }
0x14: {  	s2 =	sld [smem:$0x3F9B];
	s0 =	simm.s32 @p1 $0x1  }
0x15: {  	[smem:$0x3FB8] =	sst s0;
	s0 =	simm.s32 @!p2 $0x0  }
0x16: {  	s3 =	sld [smem:$0x3FDB];
	s0 =	simm.s32 @p2 $0x1  }
0x17: {  	s4 =	simm.s32 $0x1BF5;
	[smem:$0x3FBA] =	sst s0  }
0x18: {  	s0 =	sld [smem:$0x3F9D];
	_ =	swait.ge [sflag:s4], $0x0  }
0x19: {  	s7 =	sld [smem:$0x3F9E]  }
0x1a: {  	s8 =	sadd.s32 $0xFFFFE003, lr  }
0x1b: {  	s9 =	sadd.s32 $0xFFFFFEF7, lr;
	s5 =	simm.s32 $0xFFFFFFFF;
	p2 =	slt.u32 s8, $0xFFFFF086  }
0x1c: {  	p1 =	slt.u32 s9, $0xF7A;
	s5 =	simm.s32 @!p2 $0x0  }
0x1d: {  	s5 =	simm.s32 @p1 $0x1;
	p0 =	seq.s32 s7, s2  }
0x1e: {  	s7 =	smul.u32 @!p0 $0xF7A, s2;
	p2 =	seq.s32 @!p0 s5, $0x0  }
0x1f: {  	s9 =	smul.u32 $0xF7A, s1;
	s8 =	simm.s32 @!p0 $0x1BF5;
	p2 =	por !p2, p0  }
0x20: {  	[sflag:s8] =	ssyncset.s32 @!p0 $0xFFFFF086;
	s6 =	sadd.s32 @!p0 s3, s7;
	s7 =	simm.s32 @!p0 $0x108  }
0x21: {  	s3 =	sadd.s32 s3, s9;
	s6 =	sadd.s32 @!p0 $0x88, s6;
	s7 =	simm.s32 @p2 $0x1082  }
0x22: {  	[simem:s7], [sflag:s8] =	dma.local @!p0 [hbm:s6], $0xF7A  }
0x23: {  	s9 =	sor.u32 $0xD0000000, s2;
	s6 =	simm.s32 $0x108;
	_ =	swait.ge @!p0 [sflag:s8], $0x0  }
0x24: {  	s3 =	sadd.s32 $0x88, s3;
	s6 =	simm.s32 @!p1 $0x1082;
	[sflag:s4] =	ssyncset.s32 $0xFFFFF086  }
0x25: {  	[simem:s6], [sflag:s4] =	dma.local [hbm:s3], $0xF7A  }
0x26: {  	[smem:$0x3F9E] =	sst s1;
	(tag) =	ssettag s2;
	_ =	strace s9  }
0x27: {  	s1 =	sld [smem:$0x3FAE]  }
0x28: {  	s2 =	sld [smem:$0x3FAF]  }
0x29: {  	s4 =	sld [smem:$0x3FB1]  }
0x2a: {  	p0 =	seq.s32 s5, $0x0;
	s5 =	sld [smem:$0x3FB2]  }
0x2b: {  	s6 =	sld [smem:$0x3FB3]  }
0x2c: {  	s7 =	sld [smem:$0x3FB4]  }
0x2d: {  	s3 =	simm.s32 $0x108;
	s8 =	sld [smem:$0x3FB5]  }
0x2e: {  	s3 =	simm.s32 @!p0 $0x1082;
	s9 =	sld [smem:$0x3FB6]  }
0x2f: {  	lr =	sadd.s32 s0, s3;
	s0 =	sld [smem:$0x3FAD]  }
0x30: {  	s3 =	sld [smem:$0x3FB0]  }
0x31: {  	[smem:$0x3FB9] =	sst s10  }
0x32: {  	s10 =	sld [smem:$0x3FB7];
	_ =	sdelay $0x3  }
0x33: {  	p0 =	seq.s32 s10, $0x1;
	s10 =	sld [smem:$0x3FB9];
	_ =	sdelay $0x3  }
0x34: {  	[smem:$0x3FB9] =	sst s10  }
0x35: {  	s10 =	sld [smem:$0x3FB8];
	_ =	sdelay $0x3  }
0x36: {  	p1 =	seq.s32 s10, $0x1;
	s10 =	sld [smem:$0x3FB9];
	_ =	sdelay $0x3  }
0x37: {  	[smem:$0x3FB9] =	sst s10  }
0x38: {  	s10 =	sld [smem:$0x3FBA]  }
0x39: {  	_ = 	snop;
	(pc) =	sbr.ind lr, $3  }
0x3a: {  	_ = 	snop  }
0x3b: {  	_ = 	snop  }
0x3c: {  	p2 =	seq.s32 s10, $0x1;
	s10 =	sld [smem:$0x3FB9]  }
0x3d: {  	_ =	shalt  }
0x3e: {  	_ =	shalt  }
0x3f: {  	_ =	shalt  }
0x40: {  	_ =	shalt  }
0x41: {  	_ =	shalt  }
0x42: {  	_ =	shalt  }
0x43: {  	_ =	shalt  }
0x44: {  	_ =	shalt  }
0x45: {  	_ =	shalt  }
0x46: {  	_ =	shalt  }
0x47: {  	_ =	shalt  }
0x48: {  	_ =	shalt  }
0x49: {  	_ =	shalt  }
0x4a: {  	_ =	shalt  }
0x4b: {  	_ =	shalt  }
0x4c: {  	_ =	shalt  }
0x4d: {  	_ =	shalt  }
0x4e: {  	_ =	shalt  }
0x4f: {  	_ =	shalt  }
0x50: {  	_ =	shalt  }
0x51: {  	_ =	shalt  }
0x52: {  	_ =	shalt  }
0x53: {  	_ =	shalt  }
0x54: {  	_ =	shalt  }
0x55: {  	_ =	shalt  }
0x56: {  	_ =	shalt  }
0x57: {  	_ =	shalt  }
0x58: {  	_ =	shalt  }
0x59: {  	_ =	shalt  }
0x5a: {  	_ =	shalt  }
0x5b: {  	_ =	shalt  }
0x5c: {  	_ =	shalt  }
0x5d: {  	_ =	shalt  }
0x5e: {  	_ =	shalt  }
0x5f: {  	_ =	shalt  }
0x60: {  	_ =	shalt  }
0x61: {  	_ =	shalt  }
0x62: {  	_ =	shalt  }
0x63: {  	_ =	shalt  }
0x64: {  	_ =	shalt  }
0x65: {  	_ =	shalt  }
0x66: {  	_ =	shalt  }
0x67: {  	_ =	shalt  }
0x68: {  	_ =	shalt  }
0x69: {  	_ =	shalt  }
0x6a: {  	_ =	shalt  }
0x6b: {  	_ =	shalt  }
0x6c: {  	_ =	shalt  }
0x6d: {  	_ =	shalt  }
0x6e: {  	_ =	shalt  }
0x6f: {  	_ =	shalt  }
0x70: {  	_ =	shalt  }
0x71: {  	_ =	shalt  }
0x72: {  	_ =	shalt  }
0x73: {  	_ =	shalt  }
0x74: {  	_ =	shalt  }
0x75: {  	_ =	shalt  }
0x76: {  	_ =	shalt  }
0x77: {  	_ =	shalt  }
0x78: {  	_ =	shalt  }
0x79: {  	_ =	shalt  }
0x7a: {  	_ =	shalt  }
0x7b: {  	_ =	shalt  }
0x7c: {  	_ =	shalt  }
0x7d: {  	_ =	shalt  }
0x7e: {  	_ =	shalt  }
0x7f: {  	_ =	shalt  }
0x80: {  	_ =	shalt  }
0x81: {  	_ =	shalt  }
0x82: {  	_ =	shalt  }
0x83: {  	_ =	shalt  }
0x84: {  	_ =	shalt  }
0x85: {  	_ =	shalt  }
0x86: {  	_ =	shalt  }
0x87: {  	_ =	shalt  }
.Lfunc_end0:
.L_simem_size_0:
called_computation_lowered:
.L_overlay_start_0:
0x88: {  	s2 =	sld [smem:$0x3FD9]  }
0x89: {  	s3 =	sld [smem:$0x3FFE];
	_ =	sdelay $0x1  }
0x8a: {  	s1 =	srdreg.scid  }
0x8b: {  	s0 =	sand.u32 $0x1, s1  }
0x8c: {  	s17 =	sshll.u32 s0, $0xA;
	s2 =	sadd.s32 s3, s2  }
0x8d: {  	s2 =	sadd.s32 s2, s17  }
0x8e: {  	[smem:$0x3FC5] =	sst s2  }
0x8f: {  	_ = 	snop  }
0x90: {  	s2 =	sld [smem:$0x3FC9]  }
0x91: {  	s18 =	sld [smem:$0x3FD0];
	(tm) =	ssettm $0x1  }
0x92: {  	s4 =	sld [smem:$0x3FFB];
	_ =	sdelay $0x3  }
0x93: {  	_ =	strace s4  }
0x94: {  	s4 =	sld [smem:$0x3FFC];
	_ =	sdelay $0x3  }
0x95: {  	_ =	strace s4  }
0x96: {  	s4 =	sld [smem:$0x3FFD];
	_ =	sdelay $0x3  }
0x97: {  	_ =	strace s4  }
0x98: {  	_ =	strace $0x8FFFFFFF  }
0x99: {  	s19 =	sld [smem:$0x3FDB];
	_ =	sdelay $0x1  }
0x9a: {  	s5 =	simm.s32 $_scs_section_size  }
0x9b: {  	s6 =	simm.s32 $_size__tile_overlayer_lowered;
	s7 =	simm.s32 $_tile_overlayer_lowered  }
0x9c: {  	s22 =	simm.s32 $0x1BFF;
	s21 =	sshll.u32 s7, $0x1;
	s4 =	sadd.s32 s5, s19  }
0x9d: {  	s8 =	simm.s32 $0x0;
	s20 =	sshll.u32 s6, $0x1;
	s6 =	sadd.s32 s21, s4  }
0x9e: {  	[timem:s8], [sflag:s22] =	dma.local [hbm:s6], s20  }
0x9f: {  	_ =	swait.ge [sflag:s22], s20  }
0xa0: {  	s5 =	ssub.s32 $0x0, s20;
	[sflag:s22] =	ssyncset.done $0x0  }
0xa1: {  	[sflag:s22] =	ssyncadd.s32 s5;
	_ =	sdelay $0x1  }
0xa2: {  	s23 =	simm.s32 $0x1B8B  }
0xa3: {  	_ =	swait.ge [sflag:s23], $0x1  }
0xa4: {  	[sflag:s23] =	ssyncset.done $0x0  }
0xa5: {  	s25 =	simm.s32 $0x1B8E;
	s24 =	sld [smem:$0x3FFE];
	[sflag:s23] =	ssyncadd.s32 $0xFFFFFFFF  }
0xa6: {  	s26 =	simm.s32 $execute0_lowered;
	[smem:$0x3FD2] =	sst s25  }
0xa7: {  	s6 =	sshll.u32 s26, $0x1;
	_ =	strace $0x80000046;
	[dreg:$0x1] =	wrdreg $0xFFFFFFFF  }
0xa8: {  	s28 =	simm.s32 $_size_execute0_lowered;
	s4 =	sadd.s32 s4, s6;
	[dreg:$0x0] =	wrdreg $0x0  }
0xa9: {  	s6 =	sshll.u32 s28, $0x1;
	[dreg:$0x2] =	wrdreg s4  }
0xaa: {  	[dreg:$0x3] =	wrdreg s6  }
0xab: {  	[dreg:$0x4] =	wrdreg $0xC0  }
0xac: {  	_ =	task [dreg:s8], $0x5FFFF  }
0xad: {  	[dreg:$0x1] =	wrdreg $0xFFFFFFFF  }
0xae: {  	[dreg:$0x0] =	wrdreg $0x60  }
0xaf: {  	[dreg:$0x2] =	wrdreg s24  }
0xb0: {  	[dreg:$0x3] =	wrdreg s2  }
0xb1: {  	[dreg:$0x4] =	wrdreg s18  }
0xb2: {  	[dreg:$0x5] =	wrdreg $0x9  }
0xb3: {  	_ =	task.clear_ibuf [dreg:s8], $0x6FFFF;
	_ =	strace $0x90000046  }
0xb4: {  	s29 =	simm.s32 $0x9;
	_ =	strace $0x80000048  }
0xb5: {  	_ =	swait.ge [sflag:s29], $0x1  }
0xb6: {  	[sflag:s29] =	ssyncadd.s32 $0xFFFFFFFF  }
0xb7: {  	_ =	strace $0x90000048  }
0xb8: {  	_ =	sfence  }
0xb9: {  	s30 =	sld [smem:$0x0];
	_ =	sdelay $0x2  }
0xba: {  	s31 =	sshll.u32 s1, $0xD;
	s1 =	sshrl.u32 s1, $0x2  }
0xbb: {  	s3 =	sand.u32 $0x4000, s31;
	s1 =	sadd.s32 s1, s30  }
0xbc: {  	s0 =	sor.u32 s3, s0;
	s1 =	sshll.u32 s1, $0x11  }
0xbd: {  	s0 =	sor.u32 s1, s0  }
0xbe: {  	s0 =	sadd.s32 $0x8F2B, s0  }
0xbf: {  	[sflag:s0] =	ssyncadd.remote.s32 $0x1  }
0xc0: {  	_ =	sfence.sel $0xFFFF  }
0xc1: {  	[dreg:$0x0] =	wrdreg $0xFFFFFFFF;
	(pc) =	sbr.abs _section_cstart, $3  }
0xc2: {  	[dreg:$0x1] =	wrdreg $0xFFFFFFFF  }
0xc3: {  	_ =	task.clear_ibuf [dreg:s8], $0x2FFFF;
	_ =	strace $0x9FFFFFFF  }
0xc4: {  	(tm) =	ssettm $0x7FFFFFFF  }
0xc5: {  	_ =	shalt  }
tec
execute0_lowered:
.L_overlay_start_1:
0x0: {  	(tag) =	ssettag $0x1  }
0x1: {  	s0 =	rddreg [dreg:$0x0]  }
0x2: {  	s2 =	rddreg [dreg:$0x1]  }
0x3: {  	s3 =	rddreg [dreg:$0x2]  }
0x4: {  	s1 =	srdreg.scid;
	s5 =	stileid.u32  }
0x5: {  	s4 =	simm.s32 $0x0;
	s18 =	simm.s32 $0x7;
	s19 =	simm.s32 $0x50  }
0x6: {  	s22 =	simm.s32 $0x80;
	s28 =	simm.s32 $0x1;
	s29 =	simm.s32 $0x3  }
0x7: {  	s30 =	simm.s32 $0xA200;
	s31 =	simm.s32 $0xCA00;
	s20 =	simm.s32 $0x0  }
0x8: {  	s1 =	sand.u32 $0x1, s1;
	s5 =	sshll.u32 s5, $0x1;
	[smem:$0x7FF] =	sst s4  }
0x9: {  	s6 =	sadd.s32 $0x5C00, s0;
	s5 =	sor.u32 s1, s5;
	s1 =	ssub.s32 $0x2, s1  }
0xa: {  	s7 =	sadd.s32 $0x1000, s0;
	s5 =	smul.u32 $0x12C0, s5;
	s23 =	sshrl.u32 s1, $0x1  }
0xb: {  	s8 =	sadd.s32 $0x2CE00, s0;
	_ =	strace $0x80000047;
	s0 =	ssub.s32 s1, s23  }
0xc: {  	s23 =	simm.s32 $0x180;
	s9 =	sadd.s32 $0x50, s5;
	s24 =	sshrl.u32 s5, $0x3  }
0xd: {  	s14 =	sadd.s32 $0xA0, s5;
	s15 =	sadd.s32 $0xF0, s5;
	s16 =	smax.u32 s0, $0x1  }
.Ltmp0:
0xe: {  	s0 =	simm.s32 $0x5;
	s11 =	sadd.s32 s7, s24;
	(pc) =	sbr.rel .LBB2_1-.Ltmp0, $4  }
0xf: {  	s10 =	sshrl.u32 s9, $0x3;
	s1 =	sadd.s32 s3, s24;
	[dreg:$0x4] =	wrdreg s11  }
0x10: {  	s24 =	simm.s32 $0x8;
	[dreg:$0x5] =	wrdreg s1;
	s25 =	sadd.s32 s7, s10  }
0x11: {  	s26 =	sadd.s32 s3, s10;
	s1 =	simm.s32 $0x6;
	[dreg:$0x6] =	wrdreg s25  }
0x12: {  	[dreg:$0x7] =	wrdreg s26;
	s25 =	simm.s32 $0x2A00;
	s26 =	simm.s32 $0x7A00  }
.LBB2_11:
0x13: {  	s20 =	sadd.s32 $0x1, s20  }
0x14: {  	_ =	swait.ge [sflag:s0], $0x2800;
	p0 =	sne.s32 s20, s16  }
.Ltmp1:
0x15: {  	[sflag:s0] =	ssyncset.done $0x0;
	(pc) =	sbr.rel @!p0 .LBB2_12-.Ltmp1, $4  }
0x16: {  	[sflag:s0] =	ssyncadd.s32 $0xFFFFD800  }
0x17: {  	_ =	swait.ge [sflag:s1], $0x2800  }
0x18: {  	[sflag:s1] =	ssyncset.done $0x0  }
0x19: {  	[sflag:s1] =	ssyncadd.s32 $0xFFFFD800  }
.LBB2_1:
0x1a: {  	s10 =	rddreg [dreg:$0x4]  }
0x1b: {  	[tilespmem:s4], [sflag:$0x7] =	stream.linear.gather [hbm4b:s10+s4], $0x50, $0x38;
	[tilespmem:$0xF200] =	vst v63  }
0x1c: {  	s21 =	rddreg [dreg:$0x5];
	s11 =	simm.s32 $0x100  }
0x1d: {  	[tilespmem:s11], [sflag:$0x7] =	stream.linear.gather [hbm4b:s21+s4], $0x50, $0x38;
	[tilespmem:$0xF200] =	vst v63  }
0x1e: {  	_ =	swait.ge [sflag:s18], $0x50  }
0x1f: {  	[sflag:s18] =	ssyncset.done $0x0  }
0x20: {  	[sflag:s18] =	ssyncadd.s32 $0xFFFFFFB0  }
0x21: {  	_ =	swait.ge [sflag:s18], $0x50  }
0x22: {  	[sflag:s18] =	ssyncset.done $0x0  }
0x23: {  	s12 =	simm.s32 $0x200;
	[sflag:s18] =	ssyncadd.s32 $0xFFFFFFB0  }
0x24: {  	[tilespmem:s12], [sflag:$0x1] =	stream.indirect.gather [hbm4b:s6+s19], $0x80, s4, s19, $0xb8;
	[tilespmem:$0xF200] =	vst v63  }
0x25: {  	s13 =	simm.s32 $0x5200  }
0x26: {  	[tilespmem:s13], [sflag:$0x3] =	stream.indirect.gather [hbm4b:s2+s19], $0x80, s11, s19, $0xb8;
	[tilespmem:$0xF200] =	vst v63  }
0x27: {  	s17 =	rddreg [dreg:$0x6]  }
0x28: {  	[tilespmem:s22], [sflag:$0x8] =	stream.linear.gather [hbm4b:s17+s4], $0x50, $0x38;
	[tilespmem:$0xF200] =	vst v63  }
0x29: {  	s21 =	rddreg [dreg:$0x7]  }
0x2a: {  	[tilespmem:s23], [sflag:$0x8] =	stream.linear.gather [hbm4b:s21+s4], $0x50, $0x38;
	[tilespmem:$0xF200] =	vst v63  }
0x2b: {  	_ =	swait.ge [sflag:s24], $0x50  }
0x2c: {  	[sflag:s24] =	ssyncset.done $0x0  }
0x2d: {  	[sflag:s24] =	ssyncadd.s32 $0xFFFFFFB0  }
0x2e: {  	_ =	swait.ge [sflag:s24], $0x50  }
0x2f: {  	[sflag:s24] =	ssyncset.done $0x0  }
0x30: {  	[sflag:s24] =	ssyncadd.s32 $0xFFFFFFB0  }
0x31: {  	[tilespmem:s25], [sflag:$0x2] =	stream.indirect.gather [hbm4b:s6+s19], $0x80, s22, s19, $0xb8;
	[tilespmem:$0xF200] =	vst v63  }
0x32: {  	s21 =	simm.s32 $0x0  }
0x33: {  	[tilespmem:s26], [sflag:$0x4] =	stream.indirect.gather [hbm4b:s2+s19], $0x80, s23, s19, $0xb8;
	[tilespmem:$0xF200] =	vst v63  }
.LBB2_2:
0x34: {  	_ =	swait.ge [sflag:s28], $0x2800;
	p0 =	seq.s32 s21, $0x1D  }
0x35: {  	[sflag:s28] =	ssyncset.done $0x0;
	s10 =	smul.u32 @!p0 $0xA0, s21  }
0x36: {  	p1 =	seq.s32 @!p0 s21, $0x0;
	[sflag:s28] =	ssyncadd.s32 $0xFFFFD800  }
0x37: {  	p1 =	por p0, !p1;
	_ =	swait.ge [sflag:s29], $0x2800;
	s10 =	sadd.s32 @!p0 s10, s14  }
.Ltmp2:
0x38: {  	[sflag:s29] =	ssyncset.done $0x0;
	s10 =	sshrl.u32 @!p0 s10, $0x3;
	(pc) =	sbr.rel @!p1 .LBB2_3-.Ltmp2, $4  }
0x39: {  	s12 =	simm.s32 @!p0 $0x0;
	[sflag:s29] =	ssyncadd.s32 $0xFFFFD800;
	s11 =	sadd.s32 @!p0 s7, s10  }
0x3a: {  	[tilespmem:s12], [sflag:$0x7] =	stream.linear.gather @!p0 [hbm4b:s11+s12], $0x50, $0x38;
	[tilespmem:$0xF200] =	vst v63  }
0x3b: {  	s10 =	sadd.s32 @!p0 s3, s10;
	s11 =	simm.s32 @!p0 $0x100  }
0x3c: {  	[tilespmem:s11], [sflag:$0x7] =	stream.linear.gather @!p0 [hbm4b:s10+s12], $0x50, $0x38;
	[tilespmem:$0xF200] =	vst v63  }
.Ltmp3:
0x3d: {  	(pc) =	sbr.rel .LBB2_5-.Ltmp3, $4  }
0x3e: {  	_ = 	snop  }
0x3f: {  	_ =	swait.ge [sflag:s0], $0x2800  }
0x40: {  	[sflag:s0] =	ssyncset.done $0x0  }
0x41: {  	p1 =	por $0x0, $0x0;
	[sflag:s0] =	ssyncadd.s32 $0xFFFFD800  }
.LBB2_3:
0x42: {  	p1 =	por @!p0 $0x1, $0x1  }
.LBB2_5:
0x43: {  	s10 =	simm.s32 $0x0  }
0x44: {  	v0 =	vld [tilespmem:s10+$0x200]  }
0x45: {  	v1 =	vld [tilespmem:s10+$0x5200]  }
0x46: {  	v2 =	vld [tilespmem:s10+$0x210]  }
0x47: {  	v3 =	vld [tilespmem:s10+$0x5210]  }
0x48: {  	v4 =	vld [tilespmem:s10+$0x220]  }
0x49: {  	v5 =	vld [tilespmem:s10+$0x5220]  }
0x4a: {  	v6 =	vld [tilespmem:s10+$0x230]  }
0x4b: {  	v7 =	vld [tilespmem:s10+$0x5230]  }
0x4c: {  	v0 =	vmul.f32 v1, v0;
	v1 =	vmul.f32 v3, v2;
	v2 =	vld [tilespmem:s10+$0x240]  }
0x4d: {  	v3 =	vld [tilespmem:s10+$0x5240]  }
0x4e: {  	v8 =	vld [tilespmem:s10+$0x5250];
	v0 =	vadd.f32 v1, v0;
	v1 =	vmul.f32 v5, v4  }
0x4f: {  	v5 =	vld [tilespmem:s10+$0x250]  }
0x50: {  	v0 =	vadd.f32 v1, v0;
	v1 =	vmul.f32 v7, v6;
	v6 =	vld [tilespmem:s10+$0x260]  }
0x51: {  	v7 =	vld [tilespmem:s10+$0x5260]  }
0x52: {  	v4 =	vld [tilespmem:s10+$0x5270];
	v2 =	vmul.f32 v3, v2;
	v9 =	vadd.f32 v1, v0  }
0x53: {  	s17 =	simm.s32 $0x80;
	v1 =	vld [tilespmem:s10+$0x270]  }
0x54: {  	v3 =	vld [tilespmem:s17+$0x210];
	v5 =	vmul.f32 v8, v5;
	v9 =	vadd.f32 v2, v9  }
0x55: {  	v0 =	vld [tilespmem:s17+$0x200]  }
0x56: {  	s11 =	simm.s32 $0x400;
	v2 =	vld [tilespmem:s17+$0x5200];
	v6 =	vmul.f32 v7, v6;
	v5 =	vadd.f32 v5, v9  }
.LBB2_6:
0x57: {  	p2 =	sne.s32 s11, $0x9E00;
	v7 =	vld [tilespmem:s17+$0x5210]  }
0x58: {  	v8 =	vld [tilespmem:s17+$0x220];
	v5 =	vadd.f32 v6, v5;
	v1 =	vmul.f32 v4, v1  }
0x59: {  	v4 =	vld [tilespmem:s17+$0x5220]  }
0x5a: {  	v6 =	vld [tilespmem:s17+$0x230];
	v1 =	vadd.f32 v1, v5  }
0x5b: {  	v5 =	vld [tilespmem:s17+$0x5230]  }
0x5c: {  	v0 =	vmul.f32 v2, v0;
	v2 =	vmul.f32 v7, v3;
	v3 =	vld [tilespmem:s17+$0x240];
	[tilespmem:s10+$0xA200] =	vst v1;
	s10 =	smov.u32 s17  }
0x5d: {  	v1 =	vld [tilespmem:s10+$0x5240]  }
0x5e: {  	v0 =	vadd.f32 v2, v0;
	v2 =	vmul.f32 v4, v8;
	v7 =	vld [tilespmem:s10+$0x250]  }
0x5f: {  	v8 =	vld [tilespmem:s10+$0x5250]  }
0x60: {  	v0 =	vadd.f32 v2, v0;
	v2 =	vmul.f32 v5, v6;
	v6 =	vld [tilespmem:s10+$0x260]  }
0x61: {  	v9 =	vld [tilespmem:s10+$0x5260]  }
.Ltmp4:
0x62: {  	v2 =	vadd.f32 v2, v0;
	v3 =	vmul.f32 v1, v3;
	v1 =	vld [tilespmem:s10+$0x270];
	(pc) =	sbr.rel @p2 .LBB2_6-.Ltmp4, $4  }
0x63: {  	s17 =	sshra.s32 s11, $0x2;
	v4 =	vld [tilespmem:s10+$0x5270]  }
0x64: {  	v0 =	vld [tilespmem:s17+$0x200];
	v5 =	vadd.f32 v3, v2;
	v7 =	vmul.f32 v8, v7  }
0x65: {  	v2 =	vld [tilespmem:s17+$0x5200]  }
0x66: {  	s11 =	sadd.s32 $0x200, s11;
	v3 =	vld [tilespmem:s17+$0x210];
	v5 =	vadd.f32 v7, v5;
	v6 =	vmul.f32 v9, v6  }
0x67: {  	v7 =	vld [tilespmem:s17+$0x5210]  }
0x68: {  	v8 =	vld [tilespmem:s17+$0x220];
	v5 =	vadd.f32 v6, v5;
	v1 =	vmul.f32 v4, v1  }
0x69: {  	v4 =	vld [tilespmem:s17+$0x5220]  }
0x6a: {  	v6 =	vld [tilespmem:s17+$0x230];
	v1 =	vadd.f32 v1, v5  }
0x6b: {  	v5 =	vld [tilespmem:s17+$0x5230]  }
0x6c: {  	v9 =	vld [tilespmem:s17+$0x240];
	v0 =	vmul.f32 v2, v0;
	v2 =	vmul.f32 v7, v3;
	[tilespmem:s10+$0xA200] =	vst v1  }
0x6d: {  	v1 =	vld [tilespmem:s17+$0x5240]  }
0x6e: {  	v3 =	vld [tilespmem:s17+$0x250];
	v0 =	vadd.f32 v2, v0;
	v2 =	vmul.f32 v4, v8  }
0x6f: {  	v4 =	vld [tilespmem:s17+$0x5250]  }
0x70: {  	v0 =	vadd.f32 v2, v0;
	v2 =	vmul.f32 v5, v6;
	v5 =	vld [tilespmem:s17+$0x260]  }
0x71: {  	v6 =	vld [tilespmem:s17+$0x5260]  }
0x72: {  	v7 =	vld [tilespmem:s17+$0x5270];
	v0 =	vadd.f32 v2, v0;
	v1 =	vmul.f32 v1, v9  }
0x73: {  	v2 =	vld [tilespmem:s17+$0x270]  }
0x74: {  	v0 =	vadd.f32 v1, v0;
	v1 =	vmul.f32 v4, v3;
	_ =	sdelay $0x1  }
0x75: {  	v0 =	vadd.f32 v1, v0;
	v1 =	vmul.f32 v6, v5;
	_ =	sdelay $0x1  }
0x76: {  	s10 =	smul.u32 $0xA0, s21;
	v0 =	vadd.f32 v1, v0;
	v1 =	vmul.f32 v7, v2;
	_ =	sdelay $0x1  }
0x77: {  	s11 =	sadd.s32 s5, s10;
	v0 =	vadd.f32 v1, v0  }
0x78: {  	s11 =	sshll.u32 s11, $0x4  }
0x79: {  	s11 =	sadd.s32 s8, s11;
	[tilespmem:s17+$0xA200] =	vst v0  }
0x7a: {  	[hbm4b:s11+s4] =	stream.linear.scatter [tilespmem:s30], [sflag:$0x5], $0x2800, $0x38;
	[tilespmem:$0xF200] =	vst v63  }
0x7b: {  	s11 =	simm.s32 @p0 $0x2  }
0x7c: {  	_ =	swait.ge @p0 [sflag:s11], $0x2800  }
0x7d: {  	[sflag:s11] =	ssyncset.done @p0 $0x0  }
0x7e: {  	[sflag:s11] =	ssyncadd.s32 @p0 $0xFFFFD800;
	s11 =	simm.s32 @p0 $0x4  }
0x7f: {  	_ =	swait.ge @p0 [sflag:s11], $0x2800  }
0x80: {  	[sflag:s11] =	ssyncset.done @p0 $0x0  }
0x81: {  	[sflag:s11] =	ssyncadd.s32 @p0 $0xFFFFD800;
	s11 =	simm.s32 @!p0 $0x7  }
0x82: {  	_ =	swait.ge @!p0 [sflag:s11], $0x50  }
0x83: {  	[sflag:s11] =	ssyncset.done @!p0 $0x0  }
0x84: {  	[sflag:s11] =	ssyncadd.s32 @!p0 $0xFFFFFFB0  }
0x85: {  	_ =	swait.ge @!p0 [sflag:s11], $0x50  }
0x86: {  	s12 =	simm.s32 @!p0 $0x0;
	[sflag:s11] =	ssyncset.done @!p0 $0x0  }
0x87: {  	s17 =	simm.s32 @!p0 $0x200;
	[sflag:s11] =	ssyncadd.s32 @!p0 $0xFFFFFFB0;
	s11 =	simm.s32 @!p0 $0x50  }
0x88: {  	[tilespmem:s17], [sflag:$0x1] =	stream.indirect.gather @!p0 [hbm4b:s6+s11], $0x80, s12, s11, $0xb8;
	[tilespmem:$0xF200] =	vst v63  }
0x89: {  	s13 =	simm.s32 @!p0 $0x5200;
	s17 =	simm.s32 @!p0 $0x100  }
0x8a: {  	[tilespmem:s13], [sflag:$0x3] =	stream.indirect.gather @!p0 [hbm4b:s2+s11], $0x80, s17, s11, $0xb8;
	[tilespmem:$0xF200] =	vst v63  }
0x8b: {  	s11 =	simm.s32 @!p0 $0x2  }
0x8c: {  	_ =	swait.ge @!p0 [sflag:s11], $0x2800  }
0x8d: {  	[sflag:s11] =	ssyncset.done @!p0 $0x0  }
0x8e: {  	[sflag:s11] =	ssyncadd.s32 @!p0 $0xFFFFD800;
	s11 =	simm.s32 @!p0 $0x4  }
0x8f: {  	s13 =	sadd.s32 @!p0 s10, s15;
	_ =	swait.ge @!p0 [sflag:s11], $0x2800  }
0x90: {  	s13 =	sshrl.u32 @!p0 s13, $0x3;
	[sflag:s11] =	ssyncset.done @!p0 $0x0  }
0x91: {  	s17 =	simm.s32 @!p0 $0x80;
	[sflag:s11] =	ssyncadd.s32 @!p0 $0xFFFFD800;
	s11 =	sadd.s32 @!p0 s7, s13  }
0x92: {  	[tilespmem:s17], [sflag:$0x8] =	stream.linear.gather @!p0 [hbm4b:s11+s12], $0x50, $0x38;
	[tilespmem:$0xF200] =	vst v63  }
0x93: {  	s11 =	sadd.s32 @!p0 s3, s13;
	s13 =	simm.s32 @!p0 $0x180  }
0x94: {  	[tilespmem:s13], [sflag:$0x8] =	stream.linear.gather @!p0 [hbm4b:s11+s12], $0x50, $0x38;
	[tilespmem:$0xF200] =	vst v63  }
0x95: {  	s11 =	simm.s32 @!p1 $0x6  }
0x96: {  	_ =	swait.ge @!p1 [sflag:s11], $0x2800  }
0x97: {  	[sflag:s11] =	ssyncset.done @!p1 $0x0  }
0x98: {  	s17 =	simm.s32 $0x0;
	[sflag:s11] =	ssyncadd.s32 @!p1 $0xFFFFD800  }
0x99: {  	v0 =	vld [tilespmem:s17+$0x2A00]  }
0x9a: {  	v1 =	vld [tilespmem:s17+$0x7A00]  }
0x9b: {  	v2 =	vld [tilespmem:s17+$0x2A10]  }
0x9c: {  	v3 =	vld [tilespmem:s17+$0x7A10]  }
0x9d: {  	v4 =	vld [tilespmem:s17+$0x2A20]  }
0x9e: {  	v5 =	vld [tilespmem:s17+$0x7A20]  }
0x9f: {  	v6 =	vld [tilespmem:s17+$0x2A30]  }
0xa0: {  	v7 =	vld [tilespmem:s17+$0x7A30]  }
0xa1: {  	v0 =	vmul.f32 v1, v0;
	v1 =	vmul.f32 v3, v2;
	v2 =	vld [tilespmem:s17+$0x2A40]  }
0xa2: {  	v3 =	vld [tilespmem:s17+$0x7A40]  }
0xa3: {  	v8 =	vld [tilespmem:s17+$0x7A50];
	v0 =	vadd.f32 v1, v0;
	v1 =	vmul.f32 v5, v4  }
0xa4: {  	v5 =	vld [tilespmem:s17+$0x2A50]  }
0xa5: {  	v0 =	vadd.f32 v1, v0;
	v1 =	vmul.f32 v7, v6;
	v6 =	vld [tilespmem:s17+$0x2A60]  }
0xa6: {  	v7 =	vld [tilespmem:s17+$0x7A60]  }
0xa7: {  	v4 =	vld [tilespmem:s17+$0x7A70];
	v2 =	vmul.f32 v3, v2;
	v63 =	vadd.f32 v1, v0  }
0xa8: {  	s11 =	simm.s32 $0x80;
	v1 =	vld [tilespmem:s17+$0x2A70]  }
0xa9: {  	v3 =	vld [tilespmem:s11+$0x2A10];
	v5 =	vmul.f32 v8, v5;
	v9 =	vadd.f32 v2, v63  }
0xaa: {  	v0 =	vld [tilespmem:s11+$0x2A00]  }
0xab: {  	s12 =	simm.s32 $0x400;
	v2 =	vld [tilespmem:s11+$0x7A00];
	v6 =	vmul.f32 v7, v6;
	v5 =	vadd.f32 v5, v9  }
.LBB2_8:
0xac: {  	p1 =	sne.s32 s12, $0x9E00;
	v7 =	vld [tilespmem:s11+$0x7A10]  }
0xad: {  	v8 =	vld [tilespmem:s11+$0x2A20];
	v5 =	vadd.f32 v6, v5;
	v1 =	vmul.f32 v4, v1  }
0xae: {  	v4 =	vld [tilespmem:s11+$0x7A20]  }
0xaf: {  	v6 =	vld [tilespmem:s11+$0x2A30];
	v1 =	vadd.f32 v1, v5  }
0xb0: {  	v5 =	vld [tilespmem:s11+$0x7A30]  }
0xb1: {  	v0 =	vmul.f32 v2, v0;
	v2 =	vmul.f32 v7, v3;
	v3 =	vld [tilespmem:s11+$0x2A40];
	[tilespmem:s17+$0xCA00] =	vst v1;
	s17 =	smov.u32 s11  }
0xb2: {  	v1 =	vld [tilespmem:s17+$0x7A40]  }
0xb3: {  	v0 =	vadd.f32 v2, v0;
	v2 =	vmul.f32 v4, v8;
	v7 =	vld [tilespmem:s17+$0x2A50]  }
0xb4: {  	v8 =	vld [tilespmem:s17+$0x7A50]  }
0xb5: {  	v0 =	vadd.f32 v2, v0;
	v2 =	vmul.f32 v5, v6;
	v6 =	vld [tilespmem:s17+$0x2A60]  }
0xb6: {  	v9 =	vld [tilespmem:s17+$0x7A60]  }
.Ltmp5:
0xb7: {  	v2 =	vadd.f32 v2, v0;
	v3 =	vmul.f32 v1, v3;
	v1 =	vld [tilespmem:s17+$0x2A70];
	(pc) =	sbr.rel @p1 .LBB2_8-.Ltmp5, $4  }
0xb8: {  	s11 =	sshra.s32 s12, $0x2;
	v4 =	vld [tilespmem:s17+$0x7A70]  }
0xb9: {  	v0 =	vld [tilespmem:s11+$0x2A00];
	v5 =	vadd.f32 v3, v2;
	v7 =	vmul.f32 v8, v7  }
0xba: {  	v2 =	vld [tilespmem:s11+$0x7A00]  }
0xbb: {  	s12 =	sadd.s32 $0x200, s12;
	v3 =	vld [tilespmem:s11+$0x2A10];
	v5 =	vadd.f32 v7, v5;
	v6 =	vmul.f32 v9, v6  }
0xbc: {  	v7 =	vld [tilespmem:s11+$0x7A10]  }
0xbd: {  	v8 =	vld [tilespmem:s11+$0x2A20];
	v5 =	vadd.f32 v6, v5;
	v1 =	vmul.f32 v4, v1  }
0xbe: {  	v49 =	vld [tilespmem:s11+$0x7A20]  }
0xbf: {  	v50 =	vld [tilespmem:s11+$0x2A30];
	v1 =	vadd.f32 v1, v5  }
0xc0: {  	v51 =	vld [tilespmem:s11+$0x7A30]  }
0xc1: {  	v9 =	vld [tilespmem:s11+$0x2A40];
	v0 =	vmul.f32 v2, v0;
	v52 =	vmul.f32 v7, v3;
	[tilespmem:s17+$0xCA00] =	vst v1  }
0xc2: {  	v1 =	vld [tilespmem:s11+$0x7A40]  }
0xc3: {  	v53 =	vmul.f32 v49, v8;
	v54 =	vld [tilespmem:s11+$0x2A50];
	v0 =	vadd.f32 v52, v0  }
0xc4: {  	v55 =	vld [tilespmem:s11+$0x7A50]  }
0xc5: {  	v56 =	vmul.f32 v51, v50;
	v57 =	vld [tilespmem:s11+$0x2A60];
	v0 =	vadd.f32 v53, v0  }
0xc6: {  	v58 =	vld [tilespmem:s11+$0x7A60]  }
0xc7: {  	v59 =	vld [tilespmem:s11+$0x2A70];
	v0 =	vadd.f32 v56, v0;
	v1 =	vmul.f32 v1, v9  }
0xc8: {  	v60 =	vld [tilespmem:s11+$0x7A70]  }
0xc9: {  	v61 =	vmul.f32 v55, v54;
	v0 =	vadd.f32 v1, v0;
	_ =	sdelay $0x1  }
0xca: {  	v62 =	vmul.f32 v58, v57;
	v0 =	vadd.f32 v61, v0;
	_ =	sdelay $0x1  }
0xcb: {  	v63 =	vmul.f32 v60, v59;
	v0 =	vadd.f32 v62, v0  }
.Ltmp6:
0xcc: {  	_ = 	snop;
	(pc) =	sbr.rel @p0 .LBB2_11-.Ltmp6, $4  }
0xcd: {  	s10 =	sadd.s32 s10, s9;
	v0 =	vadd.f32 v63, v0  }
0xce: {  	s10 =	sshll.u32 s10, $0x4  }
0xcf: {  	s10 =	sadd.s32 s8, s10;
	[tilespmem:s11+$0xCA00] =	vst v0  }
0xd0: {  	[hbm4b:s10+s4] =	stream.linear.scatter [tilespmem:s31], [sflag:$0x6], $0x2800, $0x38;
	[tilespmem:$0xF200] =	vst v63  }
0xd1: {  	_ =	swait.ge [sflag:s24], $0x50  }
0xd2: {  	[sflag:s24] =	ssyncset.done $0x0  }
0xd3: {  	[sflag:s24] =	ssyncadd.s32 $0xFFFFFFB0  }
0xd4: {  	_ =	swait.ge [sflag:s24], $0x50  }
.Ltmp7:
0xd5: {  	[sflag:s24] =	ssyncset.done $0x0;
	(pc) =	sbr.rel .LBB2_2-.Ltmp7, $4  }
0xd6: {  	[sflag:s24] =	ssyncadd.s32 $0xFFFFFFB0  }
0xd7: {  	[tilespmem:s25], [sflag:$0x2] =	stream.indirect.gather [hbm4b:s6+s19], $0x80, s22, s19, $0xb8;
	[tilespmem:$0xF200] =	vst v63  }
0xd8: {  	s21 =	sadd.s32 $0x1, s21  }
0xd9: {  	[tilespmem:s26], [sflag:$0x4] =	stream.indirect.gather [hbm4b:s2+s19], $0x80, s23, s19, $0xb8;
	[tilespmem:$0xF200] =	vst v63  }
.LBB2_12:
0xda: {  	_ =	sfence.sel $0x180000  }
0xdb: {  	[bflag:$0x0] =	sbarrier.arrive $0xFFFF  }
0xdc: {  	_ =	strace $0x90000047  }
0xdd: {  	s0 =	stileid.u32;
	[bflag:$0x2] =	sbarrier.arrive $0xFFFF  }
0xde: {  	p0 =	sne.s32 s0, $0x0;
	s0 =	rddreg [dreg:$0x3]  }
0xdf: {  	s0 =	sadd.s32 @!p0 $0x100000, s0  }
0xe0: {  	[sflag:s0] =	ssyncadd.tile.s32 @!p0 $0x1;
	_ =	shalt  }
.Lfunc_end2:
_tile_overlayer_lowered:
.L_overlay_start_2:
0xe1: {  	(tag) =	ssettag $0x2  }
0xe2: {  	s0 =	rddreg [dreg:$0x0];
	s2 =	stileid.u32  }
0xe3: {  	s1 =	rddreg [dreg:$0x1];
	p0 =	sne.s32 s2, $0x0  }
0xe4: {  	s3 =	rddreg [dreg:$0x2];
	[bflag:$0x3] =	sbarrier.arrive $0xFFFF;
	s2 =	simm.s32 @!p0 $0x1C09  }
0xe5: {  	[timem:s3], [sflag:s2] =	dma.local @!p0 [hbm:s0], s1  }
0xe6: {  	s0 =	simm.s32 @!p0 $0x9  }
0xe7: {  	_ =	swait.ge @!p0 [sflag:s0], s1  }
0xe8: {  	s1 =	ssub.s32 @!p0 $0x0, s1;
	[sflag:s0] =	ssyncset.done @!p0 $0x0  }
0xe9: {  	[sflag:s0] =	ssyncadd.s32 @!p0 s1  }
0xea: {  	[bflag:$0x3] =	sbarrier.arrive $0xFFFF  }
0xeb: {  	_ =	shalt  }

</sc_bundles>
